<compile_context>
chip_gen: v7x
topology: tpu7x:2x2x1
jax: 0.10.2.dev20260603
libtpu: 0.0.44.dev20260713+nightly
codegen_flags: <defaults>
</compile_context>

<pallas_src>
import functools

import jax
import jax.numpy as jnp
from jax import lax
from jax.experimental import pallas as pl
from jax.experimental.pallas import tpu as pltpu
from jax.experimental.pallas import tpu_sc as plsc

B, L, N, D, F, E, NL, P, K = 8, 96, 321, 16, 64, 8, 3, 96, 2
NP_ = 328
NPL = NP_ * L
EF = E * F
KF = K * F
LD = L * D
NCH = LD // KF
GLP = 8


def _main_body(x_ref, wgt_ref, w1r_ref, w2r_ref, wpr_ref, ws_ref,
               pred_ref, gates_ref):
    f32 = jnp.float32
    xT = x_ref[0]
    mu = jnp.sum(xT, axis=1, keepdims=True) * (1.0 / L)
    var = jnp.sum((xT - mu) ** 2, axis=1, keepdims=True) * (1.0 / L)
    std = jnp.sqrt(var + 1e-5)
    xn = (xT - mu) / std

    ws = ws_ref[...].reshape(1, 1, D)
    tok = (xn[:, :, None] * ws).reshape(NPL, D)

    r1 = lax.broadcasted_iota(jnp.int32, (EF, KF), 0)
    c1 = lax.broadcasted_iota(jnp.int32, (EF, KF), 1)
    r2 = lax.broadcasted_iota(jnp.int32, (KF, EF), 0)
    c2 = lax.broadcasted_iota(jnp.int32, (KF, EF), 1)
    ei_col = lax.broadcasted_iota(jnp.int32, (E, 1), 0)
    ei_row = lax.broadcasted_iota(jnp.int32, (1, E), 1)

    grows = []
    for l in range(NL):
        gl16 = jnp.sum(tok.reshape(NP_, L, D), axis=0)
        gs = jnp.sum(gl16, axis=1, keepdims=True)
        logc = jnp.dot(wgt_ref[l], gs, preferred_element_type=f32,
                       precision=lax.Precision.HIGHEST)
        m1 = jnp.max(logc, axis=0, keepdims=True)
        a1 = jnp.min(jnp.where(logc == m1, ei_col, E), axis=0, keepdims=True)
        rest = jnp.where(ei_col == a1, jnp.float32(-1e30), logc)
        m2 = jnp.max(rest, axis=0, keepdims=True)
        a2 = jnp.min(jnp.where(rest == m2, ei_col, E), axis=0, keepdims=True)
        g1 = 1.0 / (1.0 + jnp.exp(m2 - m1))
        g2 = 1.0 - g1
        grow = (jnp.where(ei_row == a1, g1, 0.0)
                + jnp.where(ei_row == a2, g2, 0.0))
        grows.append(grow)

        sel_c = jnp.where(c1 < F, a1, a2)
        s1 = jnp.where((r1 // F == sel_c) & (r1 % F == c1 % F), 1.0, 0.0)
        w1cat = jnp.dot(w1r_ref[l], s1, preferred_element_type=f32)
        sel_r = jnp.where(r2 < F, a1, a2)
        gsc = jnp.where(r2 < F, g1, g2)
        s2 = jnp.where((c2 // F == sel_r) & (c2 % F == r2 % F), gsc, 0.0)
        w2cat = jnp.dot(s2, w2r_ref[l], preferred_element_type=f32)

        h = jnp.maximum(jnp.dot(tok, w1cat, preferred_element_type=f32), 0.0)
        y = jnp.dot(h, w2cat, preferred_element_type=f32)
        tok = tok + y

    gmat = jnp.concatenate(grows + [jnp.zeros((GLP - NL, E), f32)], axis=0)
    gates_ref[0] = gmat

    out3 = tok.reshape(NP_, L, D)
    pred = jnp.dot(out3[:, :KF // D, :].reshape(NP_, KF), wpr_ref[0],
                   preferred_element_type=f32)
    for c in range(1, NCH):
        chunk = out3[:, c * (KF // D):(c + 1) * (KF // D), :].reshape(NP_, KF)
        pred = pred + jnp.dot(chunk, wpr_ref[c], preferred_element_type=f32)
    pred_ref[0] = pred * std + mu


@functools.cache
def _get_balance_sc():
    mesh = plsc.VectorSubcoreMesh(core_axis_name="c", subcore_axis_name="s")
    return functools.partial(
        pl.kernel, mesh=mesh,
        out_type=jax.ShapeDtypeStruct((16,), jnp.float32),
        scratch_types=[
            pltpu.VMEM((NL, B * 16), jnp.float32),
            pltpu.VMEM((16,), jnp.float32),
        ],
    )(_balance_sc_body)


def _balance_sc_body(g_hbm, out_hbm, g_v, o_v):
    wid = lax.axis_index("s") * 2 + lax.axis_index("c")

    @pl.when(wid == 0)
    def _():
        pltpu.sync_copy(g_hbm, g_v)
        lane = lax.iota(jnp.int32, 16)
        emask = lane < E
        zero = jnp.zeros((16,), jnp.float32)

        def sumsplat(x):
            s = x
            for k in (8, 4, 2, 1):
                s = s + s.at[(lane + k) & 15].get(mode="promise_in_bounds")
            return s.at[lane * 0].get(mode="promise_in_bounds")

        def cv2(v):
            mean = sumsplat(v) * (1.0 / E)
            d = jnp.where(emask, v - mean, zero)
            var = sumsplat(d * d) * (1.0 / E)
            return var / (mean * mean + 1e-10)

        tot = zero
        for l in range(NL):
            imp = zero
            ldv = zero
            for b in range(B):
                v = g_v[l, pl.ds(b * 16, 16)]
                imp = imp + v
                ldv = ldv + jnp.where(v > 0, 1.0, 0.0)
            tot = tot + cv2(imp) + cv2(ldv)
        o_v[...] = tot * 0.01
        pltpu.sync_copy(o_v, out_hbm)


def kernel(x, W_start, b_start, w_gate, W1, b1, W2, b2, W_proj, b_proj):
    f32 = jnp.float32
    x_t = jnp.pad(jnp.transpose(x, (0, 2, 1)), ((0, 0), (0, NP_ - N), (0, 0)))
    wgt = jnp.transpose(w_gate, (0, 2, 1)) * (1.0 / (N * D))
    w1r = jnp.transpose(W1, (0, 2, 1, 3)).reshape(NL, D, EF)
    w2r = W2.reshape(NL, EF, D)
    wpr = W_proj.reshape(NCH, KF, P)

    const = lambda *dims: pl.BlockSpec(dims, lambda b: (0,) * len(dims))
    pred_p, gates = pl.pallas_call(
        _main_body,
        grid=(B,),
        in_specs=[
            pl.BlockSpec((1, NP_, L), lambda b: (b, 0, 0)),
            const(NL, E, L),
            const(NL, D, EF),
            const(NL, EF, D),
            const(NCH, KF, P),
            const(1, D),
        ],
        out_specs=[
            pl.BlockSpec((1, NP_, P), lambda b: (b, 0, 0)),
            pl.BlockSpec((1, GLP, E), lambda b: (b, 0, 0)),
        ],
        out_shape=[
            jax.ShapeDtypeStruct((B, NP_, P), f32),
            jax.ShapeDtypeStruct((B, GLP, E), f32),
        ],
        compiler_params=pltpu.CompilerParams(
            dimension_semantics=("arbitrary",)),
    )(x_t, wgt, w1r, w2r, wpr, W_start)

    gbl = jnp.pad(jnp.transpose(gates, (1, 0, 2))[:NL],
                  ((0, 0), (0, 0), (0, 16 - E))).reshape(NL, B * 16)
    bal = _get_balance_sc()(gbl)

    pred = jnp.transpose(pred_p[:, :N, :], (0, 2, 1))
    return pred, bal[0]

# --- scband reference (transcript-rebuilt; emitter-appended) ---
"""Pipeline reference for scband-path-former-model-73134703116730 (READ-ONLY COPY).

The authoritative reference and input builder live on the scoring server;
editing this copy changes nothing except your own understanding.
"""

import jax, jax.numpy as jnp
import numpy as np

B, L, N, D, F, E, NL, P, K = 8, 96, 321, 16, 64, 8, 3, 96, 2


def setup_inputs(seed: int = 0) -> dict:
    key = jax.random.key(seed)
    ks = jax.random.split(key, 8)
    x = jax.random.normal(ks[0], (B, L, N), dtype=jnp.float32)
    W_start = jax.random.normal(ks[1], (1, D), dtype=jnp.float32) * 0.1
    b_start = jnp.zeros((D,), dtype=jnp.float32)
    w_gate = jax.random.normal(ks[2], (NL, L, E), dtype=jnp.float32) * 0.02
    W1 = jax.random.normal(ks[3], (NL, E, D, F), dtype=jnp.float32) * 0.05
    b1 = jnp.zeros((NL, E, F), dtype=jnp.float32)
    W2 = jax.random.normal(ks[4], (NL, E, F, D), dtype=jnp.float32) * 0.05
    b2 = jnp.zeros((NL, E, D), dtype=jnp.float32)
    W_proj = jax.random.normal(ks[5], (L * D, P), dtype=jnp.float32) * 0.02
    b_proj = jnp.zeros((P,), dtype=jnp.float32)
    return {"x": x, "W_start": W_start, "b_start": b_start, "w_gate": w_gate,
            "W1": W1, "b1": b1, "W2": W2, "b2": b2, "W_proj": W_proj, "b_proj": b_proj}


def _cv_squared(v):
    return v.var() / (v.mean() ** 2 + 1e-10)


def reference(x, W_start, b_start, w_gate, W1, b1, W2, b2, W_proj, b_proj):
    eps = 1e-5
    mean = x.mean(axis=1, keepdims=True)
    std = jnp.sqrt(x.var(axis=1, keepdims=True) + eps)
    xn = (x - mean) / std
    # start_fc: Linear(1 -> d_model) on x.unsqueeze(-1)
    out = xn[..., None] * W_start[0] + b_start  # [B, L, N, D]
    balance = jnp.float32(0.0)
    for l in range(NL):
        # noisy top-k gating (eval mode: clean logits)
        gate_inp = out.mean(axis=(2, 3))            # [B, L]
        logits = gate_inp @ w_gate[l]               # [B, E]
        top_vals, top_idx = jax.lax.top_k(logits, K)
        top_g = jax.nn.softmax(top_vals, axis=-1)
        gates = jnp.zeros_like(logits).at[jnp.arange(logits.shape[0])[:, None], top_idx].set(top_g)
        importance = gates.sum(axis=0)
        load = (gates > 0).astype(jnp.float32).sum(axis=0)
        balance = balance + 0.01 * (_cv_squared(importance) + _cv_squared(load))
        # expert mixture (position-wise FFN experts), combined by gates
        new = jnp.zeros_like(out)
        for e in range(E):
            h = jax.nn.relu(out @ W1[l, e] + b1[l, e])
            y = h @ W2[l, e] + b2[l, e]
            new = new + gates[:, e][:, None, None, None] * y
        out = out + new  # residual_connection=1
    Bsz = x.shape[0]
    flat = out.transpose(0, 2, 1, 3).reshape(Bsz, N, L * D)
    pred = flat @ W_proj + b_proj       # [B, N, P]
    pred = pred.transpose(0, 2, 1)      # [B, P, N]
    pred = pred * std + mean            # RevIN denorm
    return pred, balance

if __name__ == "__main__":
    import jax
    _d = setup_inputs()
    print(jax.jit(kernel)(*tuple(_d.values())))

</pallas_src>

<mosaic_0001>
#map = affine_map<(d0, d1) -> (0, 0)>
#map1 = affine_map<(d0, d1) -> (0)>
module attributes {stable_mosaic.version = 14 : i64} {
  func.func @_balance_sc_body(%arg0: i32, %arg1: i32, %arg2: memref<3x128xf32, #tpu.memory_space<hbm>>, %arg3: memref<16xf32, #tpu.memory_space<hbm>>, %arg4: memref<3x128xf32, #tpu.memory_space<vmem>>, %arg5: memref<16xf32, #tpu.memory_space<vmem>>) attributes {dimension_semantics = [#tpu.dimension_semantics<core_parallel>, #tpu.dimension_semantics<subcore_parallel>], iteration_bounds = array<i64: 2, 16>, scalar_prefetch = 0 : i64, scratch_operands = 2 : i64, tpu.core_type = #tpu.core_type<sc_vector_subcore>, window_params = [{transform_indices = #map}, {transform_indices = #map1}]} {
    %mul3A = arith.constant 2 : i32
    %mul3A_0 = arith.muli %arg1, %mul3A : i32
    %add3A = arith.addi %mul3A_0, %arg0 : i32
    %eq3A = arith.constant 0 : i32
    %eq3A_1 = arith.cmpi eq, %add3A, %eq3A : i32
    %convert_element_type3A = arith.extui %eq3A_1 : i1 to i32
    %cond3A = arith.constant 0 : i32
    %cond3A_2 = arith.cmpi ne, %convert_element_type3A, %cond3A : i32
    scf.if %cond3A_2 {
      "tpu.region"() ({
        %run_scoped3A = tpu.sem_alloc : memref<!tpu.dma_semaphore, #tpu.memory_space<semaphore_mem>>
        tpu.enqueue_dma source(%arg2 : memref<3x128xf32, #tpu.memory_space<hbm>>) target(%arg4 : memref<3x128xf32, #tpu.memory_space<vmem>>) target_semaphore(%run_scoped3A : memref<!tpu.dma_semaphore, #tpu.memory_space<semaphore_mem>>)
        tpu.wait_dma2 semaphore(%run_scoped3A : memref<!tpu.dma_semaphore, #tpu.memory_space<semaphore_mem>>) src(%arg2 : memref<3x128xf32, #tpu.memory_space<hbm>>) dst(%arg4 : memref<3x128xf32, #tpu.memory_space<vmem>>)
        tpu.yield
      }) : () -> ()
      %iota3A = tpu.iota {dimensions = array<i32: 0>} : vector<16xi32>
      %lt3A = arith.constant 8 : i32
      %lt3A_3 = vector.broadcast %lt3A : i32 to vector<16xi32>
      %lt3A_4 = arith.cmpi slt, %iota3A, %lt3A_3 : vector<16xi32>
      %broadcast_in_dim3A = arith.constant 0.000000e+00 : f32
      %broadcast_in_dim3A_5 = vector.broadcast %broadcast_in_dim3A : f32 to vector<16xf32>
      %get3A = arith.constant 0 : i32
      %get3A_6 = arith.index_cast %get3A : i32 to index
      %get3A_7 = arith.constant 0 : index
      %get3A_8 = tpu.vector_load %arg4[%get3A_6, %get3A_7] {strides = array<i32>} : memref<3x128xf32, #tpu.memory_space<vmem>>, vector<1x16xf32>,
      %get3A_9 = vector.shape_cast %get3A_8 : vector<1x16xf32> to vector<16xf32>
      %add3A_10 = arith.addf %broadcast_in_dim3A_5, %get3A_9 : vector<16xf32>
      %gt3A = arith.constant 0.000000e+00 : f32
      %gt3A_11 = vector.broadcast %gt3A : f32 to vector<16xf32>
      %gt3A_12 = arith.cmpf ogt, %get3A_9, %gt3A_11 : vector<16xf32>
      %jit3A = arith.constant 1.000000e+00 : f32
      %jit3A_13 = arith.constant 0.000000e+00 : f32
      %broadcast_in_dim3A_14 = vector.broadcast %jit3A : f32 to vector<16xf32>
      %broadcast_in_dim3A_15 = vector.broadcast %jit3A_13 : f32 to vector<16xf32>
      %select_n3A = arith.select %gt3A_12, %broadcast_in_dim3A_14, %broadcast_in_dim3A_15 : vector<16xi1>, vector<16xf32>
      %add3A_16 = arith.addf %broadcast_in_dim3A_5, %select_n3A : vector<16xf32>
      %get3A_17 = arith.constant 0 : i32
      %get3A_18 = arith.index_cast %get3A_17 : i32 to index
      %get3A_19 = arith.constant 16 : index
      %get3A_20 = tpu.vector_load %arg4[%get3A_18, %get3A_19] {strides = array<i32>} : memref<3x128xf32, #tpu.memory_space<vmem>>, vector<1x16xf32>,
      %get3A_21 = vector.shape_cast %get3A_20 : vector<1x16xf32> to vector<16xf32>
      %add3A_22 = arith.addf %add3A_10, %get3A_21 : vector<16xf32>
      %gt3A_23 = arith.constant 0.000000e+00 : f32
      %gt3A_24 = vector.broadcast %gt3A_23 : f32 to vector<16xf32>
      %gt3A_25 = arith.cmpf ogt, %get3A_21, %gt3A_24 : vector<16xf32>
      %jit3A_26 = arith.constant 1.000000e+00 : f32
      %jit3A_27 = arith.constant 0.000000e+00 : f32
      %broadcast_in_dim3A_28 = vector.broadcast %jit3A_26 : f32 to vector<16xf32>
      %broadcast_in_dim3A_29 = vector.broadcast %jit3A_27 : f32 to vector<16xf32>
      %select_n3A_30 = arith.select %gt3A_25, %broadcast_in_dim3A_28, %broadcast_in_dim3A_29 : vector<16xi1>, vector<16xf32>
      %add3A_31 = arith.addf %add3A_16, %select_n3A_30 : vector<16xf32>
      %get3A_32 = arith.constant 0 : i32
      %get3A_33 = arith.index_cast %get3A_32 : i32 to index
      %get3A_34 = arith.constant 32 : index
      %get3A_35 = tpu.vector_load %arg4[%get3A_33, %get3A_34] {strides = array<i32>} : memref<3x128xf32, #tpu.memory_space<vmem>>, vector<1x16xf32>,
      %get3A_36 = vector.shape_cast %get3A_35 : vector<1x16xf32> to vector<16xf32>
      %add3A_37 = arith.addf %add3A_22, %get3A_36 : vector<16xf32>
      %gt3A_38 = arith.constant 0.000000e+00 : f32
      %gt3A_39 = vector.broadcast %gt3A_38 : f32 to vector<16xf32>
      %gt3A_40 = arith.cmpf ogt, %get3A_36, %gt3A_39 : vector<16xf32>
      %jit3A_41 = arith.constant 1.000000e+00 : f32
      %jit3A_42 = arith.constant 0.000000e+00 : f32
      %broadcast_in_dim3A_43 = vector.broadcast %jit3A_41 : f32 to vector<16xf32>
      %broadcast_in_dim3A_44 = vector.broadcast %jit3A_42 : f32 to vector<16xf32>
      %select_n3A_45 = arith.select %gt3A_40, %broadcast_in_dim3A_43, %broadcast_in_dim3A_44 : vector<16xi1>, vector<16xf32>
      %add3A_46 = arith.addf %add3A_31, %select_n3A_45 : vector<16xf32>
      %get3A_47 = arith.constant 0 : i32
      %get3A_48 = arith.index_cast %get3A_47 : i32 to index
      %get3A_49 = arith.constant 48 : index
      %get3A_50 = tpu.vector_load %arg4[%get3A_48, %get3A_49] {strides = array<i32>} : memref<3x128xf32, #tpu.memory_space<vmem>>, vector<1x16xf32>,
      %get3A_51 = vector.shape_cast %get3A_50 : vector<1x16xf32> to vector<16xf32>
      %add3A_52 = arith.addf %add3A_37, %get3A_51 : vector<16xf32>
      %gt3A_53 = arith.constant 0.000000e+00 : f32
      %gt3A_54 = vector.broadcast %gt3A_53 : f32 to vector<16xf32>
      %gt3A_55 = arith.cmpf ogt, %get3A_51, %gt3A_54 : vector<16xf32>
      %jit3A_56 = arith.constant 1.000000e+00 : f32
      %jit3A_57 = arith.constant 0.000000e+00 : f32
      %broadcast_in_dim3A_58 = vector.broadcast %jit3A_56 : f32 to vector<16xf32>
      %broadcast_in_dim3A_59 = vector.broadcast %jit3A_57 : f32 to vector<16xf32>
      %select_n3A_60 = arith.select %gt3A_55, %broadcast_in_dim3A_58, %broadcast_in_dim3A_59 : vector<16xi1>, vector<16xf32>
      %add3A_61 = arith.addf %add3A_46, %select_n3A_60 : vector<16xf32>
      %get3A_62 = arith.constant 0 : i32
      %get3A_63 = arith.index_cast %get3A_62 : i32 to index
      %get3A_64 = arith.constant 64 : index
      %get3A_65 = tpu.vector_load %arg4[%get3A_63, %get3A_64] {strides = array<i32>} : memref<3x128xf32, #tpu.memory_space<vmem>>, vector<1x16xf32>,
      %get3A_66 = vector.shape_cast %get3A_65 : vector<1x16xf32> to vector<16xf32>
      %add3A_67 = arith.addf %add3A_52, %get3A_66 : vector<16xf32>
      %gt3A_68 = arith.constant 0.000000e+00 : f32
      %gt3A_69 = vector.broadcast %gt3A_68 : f32 to vector<16xf32>
      %gt3A_70 = arith.cmpf ogt, %get3A_66, %gt3A_69 : vector<16xf32>
      %jit3A_71 = arith.constant 1.000000e+00 : f32
      %jit3A_72 = arith.constant 0.000000e+00 : f32
      %broadcast_in_dim3A_73 = vector.broadcast %jit3A_71 : f32 to vector<16xf32>
      %broadcast_in_dim3A_74 = vector.broadcast %jit3A_72 : f32 to vector<16xf32>
      %select_n3A_75 = arith.select %gt3A_70, %broadcast_in_dim3A_73, %broadcast_in_dim3A_74 : vector<16xi1>, vector<16xf32>
      %add3A_76 = arith.addf %add3A_61, %select_n3A_75 : vector<16xf32>
      %get3A_77 = arith.constant 0 : i32
      %get3A_78 = arith.index_cast %get3A_77 : i32 to index
      %get3A_79 = arith.constant 80 : index
      %get3A_80 = tpu.vector_load %arg4[%get3A_78, %get3A_79] {strides = array<i32>} : memref<3x128xf32, #tpu.memory_space<vmem>>, vector<1x16xf32>,
      %get3A_81 = vector.shape_cast %get3A_80 : vector<1x16xf32> to vector<16xf32>
      %add3A_82 = arith.addf %add3A_67, %get3A_81 : vector<16xf32>
      %gt3A_83 = arith.constant 0.000000e+00 : f32
      %gt3A_84 = vector.broadcast %gt3A_83 : f32 to vector<16xf32>
      %gt3A_85 = arith.cmpf ogt, %get3A_81, %gt3A_84 : vector<16xf32>
      %jit3A_86 = arith.constant 1.000000e+00 : f32
      %jit3A_87 = arith.constant 0.000000e+00 : f32
      %broadcast_in_dim3A_88 = vector.broadcast %jit3A_86 : f32 to vector<16xf32>
      %broadcast_in_dim3A_89 = vector.broadcast %jit3A_87 : f32 to vector<16xf32>
      %select_n3A_90 = arith.select %gt3A_85, %broadcast_in_dim3A_88, %broadcast_in_dim3A_89 : vector<16xi1>, vector<16xf32>
      %add3A_91 = arith.addf %add3A_76, %select_n3A_90 : vector<16xf32>
      %get3A_92 = arith.constant 0 : i32
      %get3A_93 = arith.index_cast %get3A_92 : i32 to index
      %get3A_94 = arith.constant 96 : index
      %get3A_95 = tpu.vector_load %arg4[%get3A_93, %get3A_94] {strides = array<i32>} : memref<3x128xf32, #tpu.memory_space<vmem>>, vector<1x16xf32>,
      %get3A_96 = vector.shape_cast %get3A_95 : vector<1x16xf32> to vector<16xf32>
      %add3A_97 = arith.addf %add3A_82, %get3A_96 : vector<16xf32>
      %gt3A_98 = arith.constant 0.000000e+00 : f32
      %gt3A_99 = vector.broadcast %gt3A_98 : f32 to vector<16xf32>
      %gt3A_100 = arith.cmpf ogt, %get3A_96, %gt3A_99 : vector<16xf32>
      %jit3A_101 = arith.constant 1.000000e+00 : f32
      %jit3A_102 = arith.constant 0.000000e+00 : f32
      %broadcast_in_dim3A_103 = vector.broadcast %jit3A_101 : f32 to vector<16xf32>
      %broadcast_in_dim3A_104 = vector.broadcast %jit3A_102 : f32 to vector<16xf32>
      %select_n3A_105 = arith.select %gt3A_100, %broadcast_in_dim3A_103, %broadcast_in_dim3A_104 : vector<16xi1>, vector<16xf32>
      %add3A_106 = arith.addf %add3A_91, %select_n3A_105 : vector<16xf32>
      %get3A_107 = arith.constant 0 : i32
      %get3A_108 = arith.index_cast %get3A_107 : i32 to index
      %get3A_109 = arith.constant 112 : index
      %get3A_110 = tpu.vector_load %arg4[%get3A_108, %get3A_109] {strides = array<i32>} : memref<3x128xf32, #tpu.memory_space<vmem>>, vector<1x16xf32>,
      %get3A_111 = vector.shape_cast %get3A_110 : vector<1x16xf32> to vector<16xf32>
      %add3A_112 = arith.addf %add3A_97, %get3A_111 : vector<16xf32>
      %gt3A_113 = arith.constant 0.000000e+00 : f32
      %gt3A_114 = vector.broadcast %gt3A_113 : f32 to vector<16xf32>
      %gt3A_115 = arith.cmpf ogt, %get3A_111, %gt3A_114 : vector<16xf32>
      %jit3A_116 = arith.constant 1.000000e+00 : f32
      %jit3A_117 = arith.constant 0.000000e+00 : f32
      %broadcast_in_dim3A_118 = vector.broadcast %jit3A_116 : f32 to vector<16xf32>
      %broadcast_in_dim3A_119 = vector.broadcast %jit3A_117 : f32 to vector<16xf32>
      %select_n3A_120 = arith.select %gt3A_115, %broadcast_in_dim3A_118, %broadcast_in_dim3A_119 : vector<16xi1>, vector<16xf32>
      %add3A_121 = arith.addf %add3A_106, %select_n3A_120 : vector<16xf32>
      %add3A_122 = arith.constant 8 : i32
      %add3A_123 = vector.broadcast %add3A_122 : i32 to vector<16xi32>
      %add3A_124 = arith.addi %iota3A, %add3A_123 : vector<16xi32>
      %and3A = arith.constant 15 : i32
      %and3A_125 = vector.broadcast %and3A : i32 to vector<16xi32>
      %and3A_126 = arith.andi %add3A_124, %and3A_125 : vector<16xi32>
      %lt3A_127 = arith.constant 0 : i32
      %lt3A_128 = vector.broadcast %lt3A_127 : i32 to vector<16xi32>
      %lt3A_129 = arith.cmpi slt, %and3A_126, %lt3A_128 : vector<16xi32>
      %add3A_130 = arith.constant 16 : i32
      %add3A_131 = vector.broadcast %add3A_130 : i32 to vector<16xi32>
      %add3A_132 = arith.addi %and3A_126, %add3A_131 : vector<16xi32>
      %select_n3A_133 = arith.select %lt3A_129, %add3A_132, %and3A_126 : vector<16xi1>, vector<16xi32>
      %broadcast_in_dim3A_134 = vector.shape_cast %select_n3A_133 : vector<16xi32> to vector<16x1xi32>
      %gather3A = vector.shape_cast %broadcast_in_dim3A_134 : vector<16x1xi32> to vector<16xi32>
      %gather3A_135 = tpu.dynamic_gather %add3A_112[%gather3A] in [0] : vector<16xf32>, vector<16xi32> -> vector<16xf32>
      %add3A_136 = arith.addf %add3A_112, %gather3A_135 : vector<16xf32>
      %add3A_137 = arith.constant 4 : i32
      %add3A_138 = vector.broadcast %add3A_137 : i32 to vector<16xi32>
      %add3A_139 = arith.addi %iota3A, %add3A_138 : vector<16xi32>
      %and3A_140 = arith.constant 15 : i32
      %and3A_141 = vector.broadcast %and3A_140 : i32 to vector<16xi32>
      %and3A_142 = arith.andi %add3A_139, %and3A_141 : vector<16xi32>
      %lt3A_143 = arith.constant 0 : i32
      %lt3A_144 = vector.broadcast %lt3A_143 : i32 to vector<16xi32>
      %lt3A_145 = arith.cmpi slt, %and3A_142, %lt3A_144 : vector<16xi32>
      %add3A_146 = arith.constant 16 : i32
      %add3A_147 = vector.broadcast %add3A_146 : i32 to vector<16xi32>
      %add3A_148 = arith.addi %and3A_142, %add3A_147 : vector<16xi32>
      %select_n3A_149 = arith.select %lt3A_145, %add3A_148, %and3A_142 : vector<16xi1>, vector<16xi32>
      %broadcast_in_dim3A_150 = vector.shape_cast %select_n3A_149 : vector<16xi32> to vector<16x1xi32>
      %gather3A_151 = vector.shape_cast %broadcast_in_dim3A_150 : vector<16x1xi32> to vector<16xi32>
      %gather3A_152 = tpu.dynamic_gather %add3A_136[%gather3A_151] in [0] : vector<16xf32>, vector<16xi32> -> vector<16xf32>
      %add3A_153 = arith.addf %add3A_136, %gather3A_152 : vector<16xf32>
      %add3A_154 = arith.constant 2 : i32
      %add3A_155 = vector.broadcast %add3A_154 : i32 to vector<16xi32>
      %add3A_156 = arith.addi %iota3A, %add3A_155 : vector<16xi32>
      %and3A_157 = arith.constant 15 : i32
      %and3A_158 = vector.broadcast %and3A_157 : i32 to vector<16xi32>
      %and3A_159 = arith.andi %add3A_156, %and3A_158 : vector<16xi32>
      %lt3A_160 = arith.constant 0 : i32
      %lt3A_161 = vector.broadcast %lt3A_160 : i32 to vector<16xi32>
      %lt3A_162 = arith.cmpi slt, %and3A_159, %lt3A_161 : vector<16xi32>
      %add3A_163 = arith.constant 16 : i32
      %add3A_164 = vector.broadcast %add3A_163 : i32 to vector<16xi32>
      %add3A_165 = arith.addi %and3A_159, %add3A_164 : vector<16xi32>
      %select_n3A_166 = arith.select %lt3A_162, %add3A_165, %and3A_159 : vector<16xi1>, vector<16xi32>
      %broadcast_in_dim3A_167 = vector.shape_cast %select_n3A_166 : vector<16xi32> to vector<16x1xi32>
      %gather3A_168 = vector.shape_cast %broadcast_in_dim3A_167 : vector<16x1xi32> to vector<16xi32>
      %gather3A_169 = tpu.dynamic_gather %add3A_153[%gather3A_168] in [0] : vector<16xf32>, vector<16xi32> -> vector<16xf32>
      %add3A_170 = arith.addf %add3A_153, %gather3A_169 : vector<16xf32>
      %add3A_171 = arith.constant 1 : i32
      %add3A_172 = vector.broadcast %add3A_171 : i32 to vector<16xi32>
      %add3A_173 = arith.addi %iota3A, %add3A_172 : vector<16xi32>
      %and3A_174 = arith.constant 15 : i32
      %and3A_175 = vector.broadcast %and3A_174 : i32 to vector<16xi32>
      %and3A_176 = arith.andi %add3A_173, %and3A_175 : vector<16xi32>
      %lt3A_177 = arith.constant 0 : i32
      %lt3A_178 = vector.broadcast %lt3A_177 : i32 to vector<16xi32>
      %lt3A_179 = arith.cmpi slt, %and3A_176, %lt3A_178 : vector<16xi32>
      %add3A_180 = arith.constant 16 : i32
      %add3A_181 = vector.broadcast %add3A_180 : i32 to vector<16xi32>
      %add3A_182 = arith.addi %and3A_176, %add3A_181 : vector<16xi32>
      %select_n3A_183 = arith.select %lt3A_179, %add3A_182, %and3A_176 : vector<16xi1>, vector<16xi32>
      %broadcast_in_dim3A_184 = vector.shape_cast %select_n3A_183 : vector<16xi32> to vector<16x1xi32>
      %gather3A_185 = vector.shape_cast %broadcast_in_dim3A_184 : vector<16x1xi32> to vector<16xi32>
      %gather3A_186 = tpu.dynamic_gather %add3A_170[%gather3A_185] in [0] : vector<16xf32>, vector<16xi32> -> vector<16xf32>
      %add3A_187 = arith.addf %add3A_170, %gather3A_186 : vector<16xf32>
      %mul3A_188 = arith.constant 0 : i32
      %mul3A_189 = vector.broadcast %mul3A_188 : i32 to vector<16xi32>
      %mul3A_190 = arith.muli %iota3A, %mul3A_189 : vector<16xi32>
      %lt3A_191 = arith.constant 0 : i32
      %lt3A_192 = vector.broadcast %lt3A_191 : i32 to vector<16xi32>
      %lt3A_193 = arith.cmpi slt, %mul3A_190, %lt3A_192 : vector<16xi32>
      %add3A_194 = arith.constant 16 : i32
      %add3A_195 = vector.broadcast %add3A_194 : i32 to vector<16xi32>
      %add3A_196 = arith.addi %mul3A_190, %add3A_195 : vector<16xi32>
      %select_n3A_197 = arith.select %lt3A_193, %add3A_196, %mul3A_190 : vector<16xi1>, vector<16xi32>
      %broadcast_in_dim3A_198 = vector.shape_cast %select_n3A_197 : vector<16xi32> to vector<16x1xi32>
      %gather3A_199 = vector.shape_cast %broadcast_in_dim3A_198 : vector<16x1xi32> to vector<16xi32>
      %gather3A_200 = tpu.dynamic_gather %add3A_187[%gather3A_199] in [0] : vector<16xf32>, vector<16xi32> -> vector<16xf32>
      %mul3A_201 = arith.constant 1.250000e-01 : f32
      %mul3A_202 = vector.broadcast %mul3A_201 : f32 to vector<16xf32>
      %mul3A_203 = arith.mulf %gather3A_200, %mul3A_202 : vector<16xf32>
      %sub3A = arith.subf %add3A_112, %mul3A_203 : vector<16xf32>
      %select_n3A_204 = arith.select %lt3A_4, %sub3A, %broadcast_in_dim3A_5 : vector<16xi1>, vector<16xf32>
      %mul3A_205 = arith.mulf %select_n3A_204, %select_n3A_204 : vector<16xf32>
      %add3A_206 = arith.constant 8 : i32
      %add3A_207 = vector.broadcast %add3A_206 : i32 to vector<16xi32>
      %add3A_208 = arith.addi %iota3A, %add3A_207 : vector<16xi32>
      %and3A_209 = arith.constant 15 : i32
      %and3A_210 = vector.broadcast %and3A_209 : i32 to vector<16xi32>
      %and3A_211 = arith.andi %add3A_208, %and3A_210 : vector<16xi32>
      %lt3A_212 = arith.constant 0 : i32
      %lt3A_213 = vector.broadcast %lt3A_212 : i32 to vector<16xi32>
      %lt3A_214 = arith.cmpi slt, %and3A_211, %lt3A_213 : vector<16xi32>
      %add3A_215 = arith.constant 16 : i32
      %add3A_216 = vector.broadcast %add3A_215 : i32 to vector<16xi32>
      %add3A_217 = arith.addi %and3A_211, %add3A_216 : vector<16xi32>
      %select_n3A_218 = arith.select %lt3A_214, %add3A_217, %and3A_211 : vector<16xi1>, vector<16xi32>
      %broadcast_in_dim3A_219 = vector.shape_cast %select_n3A_218 : vector<16xi32> to vector<16x1xi32>
      %gather3A_220 = vector.shape_cast %broadcast_in_dim3A_219 : vector<16x1xi32> to vector<16xi32>
      %gather3A_221 = tpu.dynamic_gather %mul3A_205[%gather3A_220] in [0] : vector<16xf32>, vector<16xi32> -> vector<16xf32>
      %add3A_222 = arith.addf %mul3A_205, %gather3A_221 : vector<16xf32>
      %add3A_223 = arith.constant 4 : i32
      %add3A_224 = vector.broadcast %add3A_223 : i32 to vector<16xi32>
      %add3A_225 = arith.addi %iota3A, %add3A_224 : vector<16xi32>
      %and3A_226 = arith.constant 15 : i32
      %and3A_227 = vector.broadcast %and3A_226 : i32 to vector<16xi32>
      %and3A_228 = arith.andi %add3A_225, %and3A_227 : vector<16xi32>
      %lt3A_229 = arith.constant 0 : i32
      %lt3A_230 = vector.broadcast %lt3A_229 : i32 to vector<16xi32>
      %lt3A_231 = arith.cmpi slt, %and3A_228, %lt3A_230 : vector<16xi32>
      %add3A_232 = arith.constant 16 : i32
      %add3A_233 = vector.broadcast %add3A_232 : i32 to vector<16xi32>
      %add3A_234 = arith.addi %and3A_228, %add3A_233 : vector<16xi32>
      %select_n3A_235 = arith.select %lt3A_231, %add3A_234, %and3A_228 : vector<16xi1>, vector<16xi32>
      %broadcast_in_dim3A_236 = vector.shape_cast %select_n3A_235 : vector<16xi32> to vector<16x1xi32>
      %gather3A_237 = vector.shape_cast %broadcast_in_dim3A_236 : vector<16x1xi32> to vector<16xi32>
      %gather3A_238 = tpu.dynamic_gather %add3A_222[%gather3A_237] in [0] : vector<16xf32>, vector<16xi32> -> vector<16xf32>
      %add3A_239 = arith.addf %add3A_222, %gather3A_238 : vector<16xf32>
      %add3A_240 = arith.constant 2 : i32
      %add3A_241 = vector.broadcast %add3A_240 : i32 to vector<16xi32>
      %add3A_242 = arith.addi %iota3A, %add3A_241 : vector<16xi32>
      %and3A_243 = arith.constant 15 : i32
      %and3A_244 = vector.broadcast %and3A_243 : i32 to vector<16xi32>
      %and3A_245 = arith.andi %add3A_242, %and3A_244 : vector<16xi32>
      %lt3A_246 = arith.constant 0 : i32
      %lt3A_247 = vector.broadcast %lt3A_246 : i32 to vector<16xi32>
      %lt3A_248 = arith.cmpi slt, %and3A_245, %lt3A_247 : vector<16xi32>
      %add3A_249 = arith.constant 16 : i32
      %add3A_250 = vector.broadcast %add3A_249 : i32 to vector<16xi32>
      %add3A_251 = arith.addi %and3A_245, %add3A_250 : vector<16xi32>
      %select_n3A_252 = arith.select %lt3A_248, %add3A_251, %and3A_245 : vector<16xi1>, vector<16xi32>
      %broadcast_in_dim3A_253 = vector.shape_cast %select_n3A_252 : vector<16xi32> to vector<16x1xi32>
      %gather3A_254 = vector.shape_cast %broadcast_in_dim3A_253 : vector<16x1xi32> to vector<16xi32>
      %gather3A_255 = tpu.dynamic_gather %add3A_239[%gather3A_254] in [0] : vector<16xf32>, vector<16xi32> -> vector<16xf32>
      %add3A_256 = arith.addf %add3A_239, %gather3A_255 : vector<16xf32>
      %add3A_257 = arith.constant 1 : i32
      %add3A_258 = vector.broadcast %add3A_257 : i32 to vector<16xi32>
      %add3A_259 = arith.addi %iota3A, %add3A_258 : vector<16xi32>
      %and3A_260 = arith.constant 15 : i32
      %and3A_261 = vector.broadcast %and3A_260 : i32 to vector<16xi32>
      %and3A_262 = arith.andi %add3A_259, %and3A_261 : vector<16xi32>
      %lt3A_263 = arith.constant 0 : i32
      %lt3A_264 = vector.broadcast %lt3A_263 : i32 to vector<16xi32>
      %lt3A_265 = arith.cmpi slt, %and3A_262, %lt3A_264 : vector<16xi32>
      %add3A_266 = arith.constant 16 : i32
      %add3A_267 = vector.broadcast %add3A_266 : i32 to vector<16xi32>
      %add3A_268 = arith.addi %and3A_262, %add3A_267 : vector<16xi32>
      %select_n3A_269 = arith.select %lt3A_265, %add3A_268, %and3A_262 : vector<16xi1>, vector<16xi32>
      %broadcast_in_dim3A_270 = vector.shape_cast %select_n3A_269 : vector<16xi32> to vector<16x1xi32>
      %gather3A_271 = vector.shape_cast %broadcast_in_dim3A_270 : vector<16x1xi32> to vector<16xi32>
      %gather3A_272 = tpu.dynamic_gather %add3A_256[%gather3A_271] in [0] : vector<16xf32>, vector<16xi32> -> vector<16xf32>
      %add3A_273 = arith.addf %add3A_256, %gather3A_272 : vector<16xf32>
      %mul3A_274 = arith.constant 0 : i32
      %mul3A_275 = vector.broadcast %mul3A_274 : i32 to vector<16xi32>
      %mul3A_276 = arith.muli %iota3A, %mul3A_275 : vector<16xi32>
      %lt3A_277 = arith.constant 0 : i32
      %lt3A_278 = vector.broadcast %lt3A_277 : i32 to vector<16xi32>
      %lt3A_279 = arith.cmpi slt, %mul3A_276, %lt3A_278 : vector<16xi32>
      %add3A_280 = arith.constant 16 : i32
      %add3A_281 = vector.broadcast %add3A_280 : i32 to vector<16xi32>
      %add3A_282 = arith.addi %mul3A_276, %add3A_281 : vector<16xi32>
      %select_n3A_283 = arith.select %lt3A_279, %add3A_282, %mul3A_276 : vector<16xi1>, vector<16xi32>
      %broadcast_in_dim3A_284 = vector.shape_cast %select_n3A_283 : vector<16xi32> to vector<16x1xi32>
      %gather3A_285 = vector.shape_cast %broadcast_in_dim3A_284 : vector<16x1xi32> to vector<16xi32>
      %gather3A_286 = tpu.dynamic_gather %add3A_273[%gather3A_285] in [0] : vector<16xf32>, vector<16xi32> -> vector<16xf32>
      %mul3A_287 = arith.constant 1.250000e-01 : f32
      %mul3A_288 = vector.broadcast %mul3A_287 : f32 to vector<16xf32>
      %mul3A_289 = arith.mulf %gather3A_286, %mul3A_288 : vector<16xf32>
      %mul3A_290 = arith.mulf %mul3A_203, %mul3A_203 : vector<16xf32>
      %add3A_291 = arith.constant 1.000000e-10 : f32
      %add3A_292 = vector.broadcast %add3A_291 : f32 to vector<16xf32>
      %add3A_293 = arith.addf %mul3A_290, %add3A_292 : vector<16xf32>
      %div3A = arith.divf %mul3A_289, %add3A_293 : vector<16xf32>
      %add3A_294 = arith.addf %broadcast_in_dim3A_5, %div3A : vector<16xf32>
      %add3A_295 = arith.constant 8 : i32
      %add3A_296 = vector.broadcast %add3A_295 : i32 to vector<16xi32>
      %add3A_297 = arith.addi %iota3A, %add3A_296 : vector<16xi32>
      %and3A_298 = arith.constant 15 : i32
      %and3A_299 = vector.broadcast %and3A_298 : i32 to vector<16xi32>
      %and3A_300 = arith.andi %add3A_297, %and3A_299 : vector<16xi32>
      %lt3A_301 = arith.constant 0 : i32
      %lt3A_302 = vector.broadcast %lt3A_301 : i32 to vector<16xi32>
      %lt3A_303 = arith.cmpi slt, %and3A_300, %lt3A_302 : vector<16xi32>
      %add3A_304 = arith.constant 16 : i32
      %add3A_305 = vector.broadcast %add3A_304 : i32 to vector<16xi32>
      %add3A_306 = arith.addi %and3A_300, %add3A_305 : vector<16xi32>
      %select_n3A_307 = arith.select %lt3A_303, %add3A_306, %and3A_300 : vector<16xi1>, vector<16xi32>
      %broadcast_in_dim3A_308 = vector.shape_cast %select_n3A_307 : vector<16xi32> to vector<16x1xi32>
      %gather3A_309 = vector.shape_cast %broadcast_in_dim3A_308 : vector<16x1xi32> to vector<16xi32>
      %gather3A_310 = tpu.dynamic_gather %add3A_121[%gather3A_309] in [0] : vector<16xf32>, vector<16xi32> -> vector<16xf32>
      %add3A_311 = arith.addf %add3A_121, %gather3A_310 : vector<16xf32>
      %add3A_312 = arith.constant 4 : i32
      %add3A_313 = vector.broadcast %add3A_312 : i32 to vector<16xi32>
      %add3A_314 = arith.addi %iota3A, %add3A_313 : vector<16xi32>
      %and3A_315 = arith.constant 15 : i32
      %and3A_316 = vector.broadcast %and3A_315 : i32 to vector<16xi32>
      %and3A_317 = arith.andi %add3A_314, %and3A_316 : vector<16xi32>
      %lt3A_318 = arith.constant 0 : i32
      %lt3A_319 = vector.broadcast %lt3A_318 : i32 to vector<16xi32>
      %lt3A_320 = arith.cmpi slt, %and3A_317, %lt3A_319 : vector<16xi32>
      %add3A_321 = arith.constant 16 : i32
      %add3A_322 = vector.broadcast %add3A_321 : i32 to vector<16xi32>
      %add3A_323 = arith.addi %and3A_317, %add3A_322 : vector<16xi32>
      %select_n3A_324 = arith.select %lt3A_320, %add3A_323, %and3A_317 : vector<16xi1>, vector<16xi32>
      %broadcast_in_dim3A_325 = vector.shape_cast %select_n3A_324 : vector<16xi32> to vector<16x1xi32>
      %gather3A_326 = vector.shape_cast %broadcast_in_dim3A_325 : vector<16x1xi32> to vector<16xi32>
      %gather3A_327 = tpu.dynamic_gather %add3A_311[%gather3A_326] in [0] : vector<16xf32>, vector<16xi32> -> vector<16xf32>
      %add3A_328 = arith.addf %add3A_311, %gather3A_327 : vector<16xf32>
      %add3A_329 = arith.constant 2 : i32
      %add3A_330 = vector.broadcast %add3A_329 : i32 to vector<16xi32>
      %add3A_331 = arith.addi %iota3A, %add3A_330 : vector<16xi32>
      %and3A_332 = arith.constant 15 : i32
      %and3A_333 = vector.broadcast %and3A_332 : i32 to vector<16xi32>
      %and3A_334 = arith.andi %add3A_331, %and3A_333 : vector<16xi32>
      %lt3A_335 = arith.constant 0 : i32
      %lt3A_336 = vector.broadcast %lt3A_335 : i32 to vector<16xi32>
      %lt3A_337 = arith.cmpi slt, %and3A_334, %lt3A_336 : vector<16xi32>
      %add3A_338 = arith.constant 16 : i32
      %add3A_339 = vector.broadcast %add3A_338 : i32 to vector<16xi32>
      %add3A_340 = arith.addi %and3A_334, %add3A_339 : vector<16xi32>
      %select_n3A_341 = arith.select %lt3A_337, %add3A_340, %and3A_334 : vector<16xi1>, vector<16xi32>
      %broadcast_in_dim3A_342 = vector.shape_cast %select_n3A_341 : vector<16xi32> to vector<16x1xi32>
      %gather3A_343 = vector.shape_cast %broadcast_in_dim3A_342 : vector<16x1xi32> to vector<16xi32>
      %gather3A_344 = tpu.dynamic_gather %add3A_328[%gather3A_343] in [0] : vector<16xf32>, vector<16xi32> -> vector<16xf32>
      %add3A_345 = arith.addf %add3A_328, %gather3A_344 : vector<16xf32>
      %add3A_346 = arith.constant 1 : i32
      %add3A_347 = vector.broadcast %add3A_346 : i32 to vector<16xi32>
      %add3A_348 = arith.addi %iota3A, %add3A_347 : vector<16xi32>
      %and3A_349 = arith.constant 15 : i32
      %and3A_350 = vector.broadcast %and3A_349 : i32 to vector<16xi32>
      %and3A_351 = arith.andi %add3A_348, %and3A_350 : vector<16xi32>
      %lt3A_352 = arith.constant 0 : i32
      %lt3A_353 = vector.broadcast %lt3A_352 : i32 to vector<16xi32>
      %lt3A_354 = arith.cmpi slt, %and3A_351, %lt3A_353 : vector<16xi32>
      %add3A_355 = arith.constant 16 : i32
      %add3A_356 = vector.broadcast %add3A_355 : i32 to vector<16xi32>
      %add3A_357 = arith.addi %and3A_351, %add3A_356 : vector<16xi32>
      %select_n3A_358 = arith.select %lt3A_354, %add3A_357, %and3A_351 : vector<16xi1>, vector<16xi32>
      %broadcast_in_dim3A_359 = vector.shape_cast %select_n3A_358 : vector<16xi32> to vector<16x1xi32>
      %gather3A_360 = vector.shape_cast %broadcast_in_dim3A_359 : vector<16x1xi32> to vector<16xi32>
      %gather3A_361 = tpu.dynamic_gather %add3A_345[%gather3A_360] in [0] : vector<16xf32>, vector<16xi32> -> vector<16xf32>
      %add3A_362 = arith.addf %add3A_345, %gather3A_361 : vector<16xf32>
      %mul3A_363 = arith.constant 0 : i32
      %mul3A_364 = vector.broadcast %mul3A_363 : i32 to vector<16xi32>
      %mul3A_365 = arith.muli %iota3A, %mul3A_364 : vector<16xi32>
      %lt3A_366 = arith.constant 0 : i32
      %lt3A_367 = vector.broadcast %lt3A_366 : i32 to vector<16xi32>
      %lt3A_368 = arith.cmpi slt, %mul3A_365, %lt3A_367 : vector<16xi32>
      %add3A_369 = arith.constant 16 : i32
      %add3A_370 = vector.broadcast %add3A_369 : i32 to vector<16xi32>
      %add3A_371 = arith.addi %mul3A_365, %add3A_370 : vector<16xi32>
      %select_n3A_372 = arith.select %lt3A_368, %add3A_371, %mul3A_365 : vector<16xi1>, vector<16xi32>
      %broadcast_in_dim3A_373 = vector.shape_cast %select_n3A_372 : vector<16xi32> to vector<16x1xi32>
      %gather3A_374 = vector.shape_cast %broadcast_in_dim3A_373 : vector<16x1xi32> to vector<16xi32>
      %gather3A_375 = tpu.dynamic_gather %add3A_362[%gather3A_374] in [0] : vector<16xf32>, vector<16xi32> -> vector<16xf32>
      %mul3A_376 = arith.constant 1.250000e-01 : f32
      %mul3A_377 = vector.broadcast %mul3A_376 : f32 to vector<16xf32>
      %mul3A_378 = arith.mulf %gather3A_375, %mul3A_377 : vector<16xf32>
      %sub3A_379 = arith.subf %add3A_121, %mul3A_378 : vector<16xf32>
      %select_n3A_380 = arith.select %lt3A_4, %sub3A_379, %broadcast_in_dim3A_5 : vector<16xi1>, vector<16xf32>
      %mul3A_381 = arith.mulf %select_n3A_380, %select_n3A_380 : vector<16xf32>
      %add3A_382 = arith.constant 8 : i32
      %add3A_383 = vector.broadcast %add3A_382 : i32 to vector<16xi32>
      %add3A_384 = arith.addi %iota3A, %add3A_383 : vector<16xi32>
      %and3A_385 = arith.constant 15 : i32
      %and3A_386 = vector.broadcast %and3A_385 : i32 to vector<16xi32>
      %and3A_387 = arith.andi %add3A_384, %and3A_386 : vector<16xi32>
      %lt3A_388 = arith.constant 0 : i32
      %lt3A_389 = vector.broadcast %lt3A_388 : i32 to vector<16xi32>
      %lt3A_390 = arith.cmpi slt, %and3A_387, %lt3A_389 : vector<16xi32>
      %add3A_391 = arith.constant 16 : i32
      %add3A_392 = vector.broadcast %add3A_391 : i32 to vector<16xi32>
      %add3A_393 = arith.addi %and3A_387, %add3A_392 : vector<16xi32>
      %select_n3A_394 = arith.select %lt3A_390, %add3A_393, %and3A_387 : vector<16xi1>, vector<16xi32>
      %broadcast_in_dim3A_395 = vector.shape_cast %select_n3A_394 : vector<16xi32> to vector<16x1xi32>
      %gather3A_396 = vector.shape_cast %broadcast_in_dim3A_395 : vector<16x1xi32> to vector<16xi32>
      %gather3A_397 = tpu.dynamic_gather %mul3A_381[%gather3A_396] in [0] : vector<16xf32>, vector<16xi32> -> vector<16xf32>
      %add3A_398 = arith.addf %mul3A_381, %gather3A_397 : vector<16xf32>
      %add3A_399 = arith.constant 4 : i32
      %add3A_400 = vector.broadcast %add3A_399 : i32 to vector<16xi32>
      %add3A_401 = arith.addi %iota3A, %add3A_400 : vector<16xi32>
      %and3A_402 = arith.constant 15 : i32
      %and3A_403 = vector.broadcast %and3A_402 : i32 to vector<16xi32>
      %and3A_404 = arith.andi %add3A_401, %and3A_403 : vector<16xi32>
      %lt3A_405 = arith.constant 0 : i32
      %lt3A_406 = vector.broadcast %lt3A_405 : i32 to vector<16xi32>
      %lt3A_407 = arith.cmpi slt, %and3A_404, %lt3A_406 : vector<16xi32>
      %add3A_408 = arith.constant 16 : i32
      %add3A_409 = vector.broadcast %add3A_408 : i32 to vector<16xi32>
      %add3A_410 = arith.addi %and3A_404, %add3A_409 : vector<16xi32>
      %select_n3A_411 = arith.select %lt3A_407, %add3A_410, %and3A_404 : vector<16xi1>, vector<16xi32>
      %broadcast_in_dim3A_412 = vector.shape_cast %select_n3A_411 : vector<16xi32> to vector<16x1xi32>
      %gather3A_413 = vector.shape_cast %broadcast_in_dim3A_412 : vector<16x1xi32> to vector<16xi32>
      %gather3A_414 = tpu.dynamic_gather %add3A_398[%gather3A_413] in [0] : vector<16xf32>, vector<16xi32> -> vector<16xf32>
      %add3A_415 = arith.addf %add3A_398, %gather3A_414 : vector<16xf32>
      %add3A_416 = arith.constant 2 : i32
      %add3A_417 = vector.broadcast %add3A_416 : i32 to vector<16xi32>
      %add3A_418 = arith.addi %iota3A, %add3A_417 : vector<16xi32>
      %and3A_419 = arith.constant 15 : i32
      %and3A_420 = vector.broadcast %and3A_419 : i32 to vector<16xi32>
      %and3A_421 = arith.andi %add3A_418, %and3A_420 : vector<16xi32>
      %lt3A_422 = arith.constant 0 : i32
      %lt3A_423 = vector.broadcast %lt3A_422 : i32 to vector<16xi32>
      %lt3A_424 = arith.cmpi slt, %and3A_421, %lt3A_423 : vector<16xi32>
      %add3A_425 = arith.constant 16 : i32
      %add3A_426 = vector.broadcast %add3A_425 : i32 to vector<16xi32>
      %add3A_427 = arith.addi %and3A_421, %add3A_426 : vector<16xi32>
      %select_n3A_428 = arith.select %lt3A_424, %add3A_427, %and3A_421 : vector<16xi1>, vector<16xi32>
      %broadcast_in_dim3A_429 = vector.shape_cast %select_n3A_428 : vector<16xi32> to vector<16x1xi32>
      %gather3A_430 = vector.shape_cast %broadcast_in_dim3A_429 : vector<16x1xi32> to vector<16xi32>
      %gather3A_431 = tpu.dynamic_gather %add3A_415[%gather3A_430] in [0] : vector<16xf32>, vector<16xi32> -> vector<16xf32>
      %add3A_432 = arith.addf %add3A_415, %gather3A_431 : vector<16xf32>
      %add3A_433 = arith.constant 1 : i32
      %add3A_434 = vector.broadcast %add3A_433 : i32 to vector<16xi32>
      %add3A_435 = arith.addi %iota3A, %add3A_434 : vector<16xi32>
      %and3A_436 = arith.constant 15 : i32
      %and3A_437 = vector.broadcast %and3A_436 : i32 to vector<16xi32>
      %and3A_438 = arith.andi %add3A_435, %and3A_437 : vector<16xi32>
      %lt3A_439 = arith.constant 0 : i32
      %lt3A_440 = vector.broadcast %lt3A_439 : i32 to vector<16xi32>
      %lt3A_441 = arith.cmpi slt, %and3A_438, %lt3A_440 : vector<16xi32>
      %add3A_442 = arith.constant 16 : i32
      %add3A_443 = vector.broadcast %add3A_442 : i32 to vector<16xi32>
      %add3A_444 = arith.addi %and3A_438, %add3A_443 : vector<16xi32>
      %select_n3A_445 = arith.select %lt3A_441, %add3A_444, %and3A_438 : vector<16xi1>, vector<16xi32>
      %broadcast_in_dim3A_446 = vector.shape_cast %select_n3A_445 : vector<16xi32> to vector<16x1xi32>
      %gather3A_447 = vector.shape_cast %broadcast_in_dim3A_446 : vector<16x1xi32> to vector<16xi32>
      %gather3A_448 = tpu.dynamic_gather %add3A_432[%gather3A_447] in [0] : vector<16xf32>, vector<16xi32> -> vector<16xf32>
      %add3A_449 = arith.addf %add3A_432, %gather3A_448 : vector<16xf32>
      %mul3A_450 = arith.constant 0 : i32
      %mul3A_451 = vector.broadcast %mul3A_450 : i32 to vector<16xi32>
      %mul3A_452 = arith.muli %iota3A, %mul3A_451 : vector<16xi32>
      %lt3A_453 = arith.constant 0 : i32
      %lt3A_454 = vector.broadcast %lt3A_453 : i32 to vector<16xi32>
      %lt3A_455 = arith.cmpi slt, %mul3A_452, %lt3A_454 : vector<16xi32>
      %add3A_456 = arith.constant 16 : i32
      %add3A_457 = vector.broadcast %add3A_456 : i32 to vector<16xi32>
      %add3A_458 = arith.addi %mul3A_452, %add3A_457 : vector<16xi32>
      %select_n3A_459 = arith.select %lt3A_455, %add3A_458, %mul3A_452 : vector<16xi1>, vector<16xi32>
      %broadcast_in_dim3A_460 = vector.shape_cast %select_n3A_459 : vector<16xi32> to vector<16x1xi32>
      %gather3A_461 = vector.shape_cast %broadcast_in_dim3A_460 : vector<16x1xi32> to vector<16xi32>
      %gather3A_462 = tpu.dynamic_gather %add3A_449[%gather3A_461] in [0] : vector<16xf32>, vector<16xi32> -> vector<16xf32>
      %mul3A_463 = arith.constant 1.250000e-01 : f32
      %mul3A_464 = vector.broadcast %mul3A_463 : f32 to vector<16xf32>
      %mul3A_465 = arith.mulf %gather3A_462, %mul3A_464 : vector<16xf32>
      %mul3A_466 = arith.mulf %mul3A_378, %mul3A_378 : vector<16xf32>
      %add3A_467 = arith.constant 1.000000e-10 : f32
      %add3A_468 = vector.broadcast %add3A_467 : f32 to vector<16xf32>
      %add3A_469 = arith.addf %mul3A_466, %add3A_468 : vector<16xf32>
      %div3A_470 = arith.divf %mul3A_465, %add3A_469 : vector<16xf32>
      %add3A_471 = arith.addf %add3A_294, %div3A_470 : vector<16xf32>
      %get3A_472 = arith.constant 1 : i32
      %get3A_473 = arith.index_cast %get3A_472 : i32 to index
      %get3A_474 = arith.constant 0 : index
      %get3A_475 = tpu.vector_load %arg4[%get3A_473, %get3A_474] {strides = array<i32>} : memref<3x128xf32, #tpu.memory_space<vmem>>, vector<1x16xf32>,
      %get3A_476 = vector.shape_cast %get3A_475 : vector<1x16xf32> to vector<16xf32>
      %add3A_477 = arith.addf %broadcast_in_dim3A_5, %get3A_476 : vector<16xf32>
      %gt3A_478 = arith.constant 0.000000e+00 : f32
      %gt3A_479 = vector.broadcast %gt3A_478 : f32 to vector<16xf32>
      %gt3A_480 = arith.cmpf ogt, %get3A_476, %gt3A_479 : vector<16xf32>
      %jit3A_481 = arith.constant 1.000000e+00 : f32
      %jit3A_482 = arith.constant 0.000000e+00 : f32
      %broadcast_in_dim3A_483 = vector.broadcast %jit3A_481 : f32 to vector<16xf32>
      %broadcast_in_dim3A_484 = vector.broadcast %jit3A_482 : f32 to vector<16xf32>
      %select_n3A_485 = arith.select %gt3A_480, %broadcast_in_dim3A_483, %broadcast_in_dim3A_484 : vector<16xi1>, vector<16xf32>
      %add3A_486 = arith.addf %broadcast_in_dim3A_5, %select_n3A_485 : vector<16xf32>
      %get3A_487 = arith.constant 1 : i32
      %get3A_488 = arith.index_cast %get3A_487 : i32 to index
      %get3A_489 = arith.constant 16 : index
      %get3A_490 = tpu.vector_load %arg4[%get3A_488, %get3A_489] {strides = array<i32>} : memref<3x128xf32, #tpu.memory_space<vmem>>, vector<1x16xf32>,
      %get3A_491 = vector.shape_cast %get3A_490 : vector<1x16xf32> to vector<16xf32>
      %add3A_492 = arith.addf %add3A_477, %get3A_491 : vector<16xf32>
      %gt3A_493 = arith.constant 0.000000e+00 : f32
      %gt3A_494 = vector.broadcast %gt3A_493 : f32 to vector<16xf32>
      %gt3A_495 = arith.cmpf ogt, %get3A_491, %gt3A_494 : vector<16xf32>
      %jit3A_496 = arith.constant 1.000000e+00 : f32
      %jit3A_497 = arith.constant 0.000000e+00 : f32
      %broadcast_in_dim3A_498 = vector.broadcast %jit3A_496 : f32 to vector<16xf32>
      %broadcast_in_dim3A_499 = vector.broadcast %jit3A_497 : f32 to vector<16xf32>
      %select_n3A_500 = arith.select %gt3A_495, %broadcast_in_dim3A_498, %broadcast_in_dim3A_499 : vector<16xi1>, vector<16xf32>
      %add3A_501 = arith.addf %add3A_486, %select_n3A_500 : vector<16xf32>
      %get3A_502 = arith.constant 1 : i32
      %get3A_503 = arith.index_cast %get3A_502 : i32 to index
      %get3A_504 = arith.constant 32 : index
      %get3A_505 = tpu.vector_load %arg4[%get3A_503, %get3A_504] {strides = array<i32>} : memref<3x128xf32, #tpu.memory_space<vmem>>, vector<1x16xf32>,
      %get3A_506 = vector.shape_cast %get3A_505 : vector<1x16xf32> to vector<16xf32>
      %add3A_507 = arith.addf %add3A_492, %get3A_506 : vector<16xf32>
      %gt3A_508 = arith.constant 0.000000e+00 : f32
      %gt3A_509 = vector.broadcast %gt3A_508 : f32 to vector<16xf32>
      %gt3A_510 = arith.cmpf ogt, %get3A_506, %gt3A_509 : vector<16xf32>
      %jit3A_511 = arith.constant 1.000000e+00 : f32
      %jit3A_512 = arith.constant 0.000000e+00 : f32
      %broadcast_in_dim3A_513 = vector.broadcast %jit3A_511 : f32 to vector<16xf32>
      %broadcast_in_dim3A_514 = vector.broadcast %jit3A_512 : f32 to vector<16xf32>
      %select_n3A_515 = arith.select %gt3A_510, %broadcast_in_dim3A_513, %broadcast_in_dim3A_514 : vector<16xi1>, vector<16xf32>
      %add3A_516 = arith.addf %add3A_501, %select_n3A_515 : vector<16xf32>
      %get3A_517 = arith.constant 1 : i32
      %get3A_518 = arith.index_cast %get3A_517 : i32 to index
      %get3A_519 = arith.constant 48 : index
      %get3A_520 = tpu.vector_load %arg4[%get3A_518, %get3A_519] {strides = array<i32>} : memref<3x128xf32, #tpu.memory_space<vmem>>, vector<1x16xf32>,
      %get3A_521 = vector.shape_cast %get3A_520 : vector<1x16xf32> to vector<16xf32>
      %add3A_522 = arith.addf %add3A_507, %get3A_521 : vector<16xf32>
      %gt3A_523 = arith.constant 0.000000e+00 : f32
      %gt3A_524 = vector.broadcast %gt3A_523 : f32 to vector<16xf32>
      %gt3A_525 = arith.cmpf ogt, %get3A_521, %gt3A_524 : vector<16xf32>
      %jit3A_526 = arith.constant 1.000000e+00 : f32
      %jit3A_527 = arith.constant 0.000000e+00 : f32
      %broadcast_in_dim3A_528 = vector.broadcast %jit3A_526 : f32 to vector<16xf32>
      %broadcast_in_dim3A_529 = vector.broadcast %jit3A_527 : f32 to vector<16xf32>
      %select_n3A_530 = arith.select %gt3A_525, %broadcast_in_dim3A_528, %broadcast_in_dim3A_529 : vector<16xi1>, vector<16xf32>
      %add3A_531 = arith.addf %add3A_516, %select_n3A_530 : vector<16xf32>
      %get3A_532 = arith.constant 1 : i32
      %get3A_533 = arith.index_cast %get3A_532 : i32 to index
      %get3A_534 = arith.constant 64 : index
      %get3A_535 = tpu.vector_load %arg4[%get3A_533, %get3A_534] {strides = array<i32>} : memref<3x128xf32, #tpu.memory_space<vmem>>, vector<1x16xf32>,
      %get3A_536 = vector.shape_cast %get3A_535 : vector<1x16xf32> to vector<16xf32>
      %add3A_537 = arith.addf %add3A_522, %get3A_536 : vector<16xf32>
      %gt3A_538 = arith.constant 0.000000e+00 : f32
      %gt3A_539 = vector.broadcast %gt3A_538 : f32 to vector<16xf32>
      %gt3A_540 = arith.cmpf ogt, %get3A_536, %gt3A_539 : vector<16xf32>
      %jit3A_541 = arith.constant 1.000000e+00 : f32
      %jit3A_542 = arith.constant 0.000000e+00 : f32
      %broadcast_in_dim3A_543 = vector.broadcast %jit3A_541 : f32 to vector<16xf32>
      %broadcast_in_dim3A_544 = vector.broadcast %jit3A_542 : f32 to vector<16xf32>
      %select_n3A_545 = arith.select %gt3A_540, %broadcast_in_dim3A_543, %broadcast_in_dim3A_544 : vector<16xi1>, vector<16xf32>
      %add3A_546 = arith.addf %add3A_531, %select_n3A_545 : vector<16xf32>
      %get3A_547 = arith.constant 1 : i32
      %get3A_548 = arith.index_cast %get3A_547 : i32 to index
      %get3A_549 = arith.constant 80 : index
      %get3A_550 = tpu.vector_load %arg4[%get3A_548, %get3A_549] {strides = array<i32>} : memref<3x128xf32, #tpu.memory_space<vmem>>, vector<1x16xf32>,
      %get3A_551 = vector.shape_cast %get3A_550 : vector<1x16xf32> to vector<16xf32>
      %add3A_552 = arith.addf %add3A_537, %get3A_551 : vector<16xf32>
      %gt3A_553 = arith.constant 0.000000e+00 : f32
      %gt3A_554 = vector.broadcast %gt3A_553 : f32 to vector<16xf32>
      %gt3A_555 = arith.cmpf ogt, %get3A_551, %gt3A_554 : vector<16xf32>
      %jit3A_556 = arith.constant 1.000000e+00 : f32
      %jit3A_557 = arith.constant 0.000000e+00 : f32
      %broadcast_in_dim3A_558 = vector.broadcast %jit3A_556 : f32 to vector<16xf32>
      %broadcast_in_dim3A_559 = vector.broadcast %jit3A_557 : f32 to vector<16xf32>
      %select_n3A_560 = arith.select %gt3A_555, %broadcast_in_dim3A_558, %broadcast_in_dim3A_559 : vector<16xi1>, vector<16xf32>
      %add3A_561 = arith.addf %add3A_546, %select_n3A_560 : vector<16xf32>
      %get3A_562 = arith.constant 1 : i32
      %get3A_563 = arith.index_cast %get3A_562 : i32 to index
      %get3A_564 = arith.constant 96 : index
      %get3A_565 = tpu.vector_load %arg4[%get3A_563, %get3A_564] {strides = array<i32>} : memref<3x128xf32, #tpu.memory_space<vmem>>, vector<1x16xf32>,
      %get3A_566 = vector.shape_cast %get3A_565 : vector<1x16xf32> to vector<16xf32>
      %add3A_567 = arith.addf %add3A_552, %get3A_566 : vector<16xf32>
      %gt3A_568 = arith.constant 0.000000e+00 : f32
      %gt3A_569 = vector.broadcast %gt3A_568 : f32 to vector<16xf32>
      %gt3A_570 = arith.cmpf ogt, %get3A_566, %gt3A_569 : vector<16xf32>
      %jit3A_571 = arith.constant 1.000000e+00 : f32
      %jit3A_572 = arith.constant 0.000000e+00 : f32
      %broadcast_in_dim3A_573 = vector.broadcast %jit3A_571 : f32 to vector<16xf32>
      %broadcast_in_dim3A_574 = vector.broadcast %jit3A_572 : f32 to vector<16xf32>
      %select_n3A_575 = arith.select %gt3A_570, %broadcast_in_dim3A_573, %broadcast_in_dim3A_574 : vector<16xi1>, vector<16xf32>
      %add3A_576 = arith.addf %add3A_561, %select_n3A_575 : vector<16xf32>
      %get3A_577 = arith.constant 1 : i32
      %get3A_578 = arith.index_cast %get3A_577 : i32 to index
      %get3A_579 = arith.constant 112 : index
      %get3A_580 = tpu.vector_load %arg4[%get3A_578, %get3A_579] {strides = array<i32>} : memref<3x128xf32, #tpu.memory_space<vmem>>, vector<1x16xf32>,
      %get3A_581 = vector.shape_cast %get3A_580 : vector<1x16xf32> to vector<16xf32>
      %add3A_582 = arith.addf %add3A_567, %get3A_581 : vector<16xf32>
      %gt3A_583 = arith.constant 0.000000e+00 : f32
      %gt3A_584 = vector.broadcast %gt3A_583 : f32 to vector<16xf32>
      %gt3A_585 = arith.cmpf ogt, %get3A_581, %gt3A_584 : vector<16xf32>
      %jit3A_586 = arith.constant 1.000000e+00 : f32
      %jit3A_587 = arith.constant 0.000000e+00 : f32
      %broadcast_in_dim3A_588 = vector.broadcast %jit3A_586 : f32 to vector<16xf32>
      %broadcast_in_dim3A_589 = vector.broadcast %jit3A_587 : f32 to vector<16xf32>
      %select_n3A_590 = arith.select %gt3A_585, %broadcast_in_dim3A_588, %broadcast_in_dim3A_589 : vector<16xi1>, vector<16xf32>
      %add3A_591 = arith.addf %add3A_576, %select_n3A_590 : vector<16xf32>
      %add3A_592 = arith.constant 8 : i32
      %add3A_593 = vector.broadcast %add3A_592 : i32 to vector<16xi32>
      %add3A_594 = arith.addi %iota3A, %add3A_593 : vector<16xi32>
      %and3A_595 = arith.constant 15 : i32
      %and3A_596 = vector.broadcast %and3A_595 : i32 to vector<16xi32>
      %and3A_597 = arith.andi %add3A_594, %and3A_596 : vector<16xi32>
      %lt3A_598 = arith.constant 0 : i32
      %lt3A_599 = vector.broadcast %lt3A_598 : i32 to vector<16xi32>
      %lt3A_600 = arith.cmpi slt, %and3A_597, %lt3A_599 : vector<16xi32>
      %add3A_601 = arith.constant 16 : i32
      %add3A_602 = vector.broadcast %add3A_601 : i32 to vector<16xi32>
      %add3A_603 = arith.addi %and3A_597, %add3A_602 : vector<16xi32>
      %select_n3A_604 = arith.select %lt3A_600, %add3A_603, %and3A_597 : vector<16xi1>, vector<16xi32>
      %broadcast_in_dim3A_605 = vector.shape_cast %select_n3A_604 : vector<16xi32> to vector<16x1xi32>
      %gather3A_606 = vector.shape_cast %broadcast_in_dim3A_605 : vector<16x1xi32> to vector<16xi32>
      %gather3A_607 = tpu.dynamic_gather %add3A_582[%gather3A_606] in [0] : vector<16xf32>, vector<16xi32> -> vector<16xf32>
      %add3A_608 = arith.addf %add3A_582, %gather3A_607 : vector<16xf32>
      %add3A_609 = arith.constant 4 : i32
      %add3A_610 = vector.broadcast %add3A_609 : i32 to vector<16xi32>
      %add3A_611 = arith.addi %iota3A, %add3A_610 : vector<16xi32>
      %and3A_612 = arith.constant 15 : i32
      %and3A_613 = vector.broadcast %and3A_612 : i32 to vector<16xi32>
      %and3A_614 = arith.andi %add3A_611, %and3A_613 : vector<16xi32>
      %lt3A_615 = arith.constant 0 : i32
      %lt3A_616 = vector.broadcast %lt3A_615 : i32 to vector<16xi32>
      %lt3A_617 = arith.cmpi slt, %and3A_614, %lt3A_616 : vector<16xi32>
      %add3A_618 = arith.constant 16 : i32
      %add3A_619 = vector.broadcast %add3A_618 : i32 to vector<16xi32>
      %add3A_620 = arith.addi %and3A_614, %add3A_619 : vector<16xi32>
      %select_n3A_621 = arith.select %lt3A_617, %add3A_620, %and3A_614 : vector<16xi1>, vector<16xi32>
      %broadcast_in_dim3A_622 = vector.shape_cast %select_n3A_621 : vector<16xi32> to vector<16x1xi32>
      %gather3A_623 = vector.shape_cast %broadcast_in_dim3A_622 : vector<16x1xi32> to vector<16xi32>
      %gather3A_624 = tpu.dynamic_gather %add3A_608[%gather3A_623] in [0] : vector<16xf32>, vector<16xi32> -> vector<16xf32>
      %add3A_625 = arith.addf %add3A_608, %gather3A_624 : vector<16xf32>
      %add3A_626 = arith.constant 2 : i32
      %add3A_627 = vector.broadcast %add3A_626 : i32 to vector<16xi32>
      %add3A_628 = arith.addi %iota3A, %add3A_627 : vector<16xi32>
      %and3A_629 = arith.constant 15 : i32
      %and3A_630 = vector.broadcast %and3A_629 : i32 to vector<16xi32>
      %and3A_631 = arith.andi %add3A_628, %and3A_630 : vector<16xi32>
      %lt3A_632 = arith.constant 0 : i32
      %lt3A_633 = vector.broadcast %lt3A_632 : i32 to vector<16xi32>
      %lt3A_634 = arith.cmpi slt, %and3A_631, %lt3A_633 : vector<16xi32>
      %add3A_635 = arith.constant 16 : i32
      %add3A_636 = vector.broadcast %add3A_635 : i32 to vector<16xi32>
      %add3A_637 = arith.addi %and3A_631, %add3A_636 : vector<16xi32>
      %select_n3A_638 = arith.select %lt3A_634, %add3A_637, %and3A_631 : vector<16xi1>, vector<16xi32>
      %broadcast_in_dim3A_639 = vector.shape_cast %select_n3A_638 : vector<16xi32> to vector<16x1xi32>
      %gather3A_640 = vector.shape_cast %broadcast_in_dim3A_639 : vector<16x1xi32> to vector<16xi32>
      %gather3A_641 = tpu.dynamic_gather %add3A_625[%gather3A_640] in [0] : vector<16xf32>, vector<16xi32> -> vector<16xf32>
      %add3A_642 = arith.addf %add3A_625, %gather3A_641 : vector<16xf32>
      %add3A_643 = arith.constant 1 : i32
      %add3A_644 = vector.broadcast %add3A_643 : i32 to vector<16xi32>
      %add3A_645 = arith.addi %iota3A, %add3A_644 : vector<16xi32>
      %and3A_646 = arith.constant 15 : i32
      %and3A_647 = vector.broadcast %and3A_646 : i32 to vector<16xi32>
      %and3A_648 = arith.andi %add3A_645, %and3A_647 : vector<16xi32>
      %lt3A_649 = arith.constant 0 : i32
      %lt3A_650 = vector.broadcast %lt3A_649 : i32 to vector<16xi32>
      %lt3A_651 = arith.cmpi slt, %and3A_648, %lt3A_650 : vector<16xi32>
      %add3A_652 = arith.constant 16 : i32
      %add3A_653 = vector.broadcast %add3A_652 : i32 to vector<16xi32>
      %add3A_654 = arith.addi %and3A_648, %add3A_653 : vector<16xi32>
      %select_n3A_655 = arith.select %lt3A_651, %add3A_654, %and3A_648 : vector<16xi1>, vector<16xi32>
      %broadcast_in_dim3A_656 = vector.shape_cast %select_n3A_655 : vector<16xi32> to vector<16x1xi32>
      %gather3A_657 = vector.shape_cast %broadcast_in_dim3A_656 : vector<16x1xi32> to vector<16xi32>
      %gather3A_658 = tpu.dynamic_gather %add3A_642[%gather3A_657] in [0] : vector<16xf32>, vector<16xi32> -> vector<16xf32>
      %add3A_659 = arith.addf %add3A_642, %gather3A_658 : vector<16xf32>
      %mul3A_660 = arith.constant 0 : i32
      %mul3A_661 = vector.broadcast %mul3A_660 : i32 to vector<16xi32>
      %mul3A_662 = arith.muli %iota3A, %mul3A_661 : vector<16xi32>
      %lt3A_663 = arith.constant 0 : i32
      %lt3A_664 = vector.broadcast %lt3A_663 : i32 to vector<16xi32>
      %lt3A_665 = arith.cmpi slt, %mul3A_662, %lt3A_664 : vector<16xi32>
      %add3A_666 = arith.constant 16 : i32
      %add3A_667 = vector.broadcast %add3A_666 : i32 to vector<16xi32>
      %add3A_668 = arith.addi %mul3A_662, %add3A_667 : vector<16xi32>
      %select_n3A_669 = arith.select %lt3A_665, %add3A_668, %mul3A_662 : vector<16xi1>, vector<16xi32>
      %broadcast_in_dim3A_670 = vector.shape_cast %select_n3A_669 : vector<16xi32> to vector<16x1xi32>
      %gather3A_671 = vector.shape_cast %broadcast_in_dim3A_670 : vector<16x1xi32> to vector<16xi32>
      %gather3A_672 = tpu.dynamic_gather %add3A_659[%gather3A_671] in [0] : vector<16xf32>, vector<16xi32> -> vector<16xf32>
      %mul3A_673 = arith.constant 1.250000e-01 : f32
      %mul3A_674 = vector.broadcast %mul3A_673 : f32 to vector<16xf32>
      %mul3A_675 = arith.mulf %gather3A_672, %mul3A_674 : vector<16xf32>
      %sub3A_676 = arith.subf %add3A_582, %mul3A_675 : vector<16xf32>
      %select_n3A_677 = arith.select %lt3A_4, %sub3A_676, %broadcast_in_dim3A_5 : vector<16xi1>, vector<16xf32>
      %mul3A_678 = arith.mulf %select_n3A_677, %select_n3A_677 : vector<16xf32>
      %add3A_679 = arith.constant 8 : i32
      %add3A_680 = vector.broadcast %add3A_679 : i32 to vector<16xi32>
      %add3A_681 = arith.addi %iota3A, %add3A_680 : vector<16xi32>
      %and3A_682 = arith.constant 15 : i32
      %and3A_683 = vector.broadcast %and3A_682 : i32 to vector<16xi32>
      %and3A_684 = arith.andi %add3A_681, %and3A_683 : vector<16xi32>
      %lt3A_685 = arith.constant 0 : i32
      %lt3A_686 = vector.broadcast %lt3A_685 : i32 to vector<16xi32>
      %lt3A_687 = arith.cmpi slt, %and3A_684, %lt3A_686 : vector<16xi32>
      %add3A_688 = arith.constant 16 : i32
      %add3A_689 = vector.broadcast %add3A_688 : i32 to vector<16xi32>
      %add3A_690 = arith.addi %and3A_684, %add3A_689 : vector<16xi32>
      %select_n3A_691 = arith.select %lt3A_687, %add3A_690, %and3A_684 : vector<16xi1>, vector<16xi32>
      %broadcast_in_dim3A_692 = vector.shape_cast %select_n3A_691 : vector<16xi32> to vector<16x1xi32>
      %gather3A_693 = vector.shape_cast %broadcast_in_dim3A_692 : vector<16x1xi32> to vector<16xi32>
      %gather3A_694 = tpu.dynamic_gather %mul3A_678[%gather3A_693] in [0] : vector<16xf32>, vector<16xi32> -> vector<16xf32>
      %add3A_695 = arith.addf %mul3A_678, %gather3A_694 : vector<16xf32>
      %add3A_696 = arith.constant 4 : i32
      %add3A_697 = vector.broadcast %add3A_696 : i32 to vector<16xi32>
      %add3A_698 = arith.addi %iota3A, %add3A_697 : vector<16xi32>
      %and3A_699 = arith.constant 15 : i32
      %and3A_700 = vector.broadcast %and3A_699 : i32 to vector<16xi32>
      %and3A_701 = arith.andi %add3A_698, %and3A_700 : vector<16xi32>
      %lt3A_702 = arith.constant 0 : i32
      %lt3A_703 = vector.broadcast %lt3A_702 : i32 to vector<16xi32>
      %lt3A_704 = arith.cmpi slt, %and3A_701, %lt3A_703 : vector<16xi32>
      %add3A_705 = arith.constant 16 : i32
      %add3A_706 = vector.broadcast %add3A_705 : i32 to vector<16xi32>
      %add3A_707 = arith.addi %and3A_701, %add3A_706 : vector<16xi32>
      %select_n3A_708 = arith.select %lt3A_704, %add3A_707, %and3A_701 : vector<16xi1>, vector<16xi32>
      %broadcast_in_dim3A_709 = vector.shape_cast %select_n3A_708 : vector<16xi32> to vector<16x1xi32>
      %gather3A_710 = vector.shape_cast %broadcast_in_dim3A_709 : vector<16x1xi32> to vector<16xi32>
      %gather3A_711 = tpu.dynamic_gather %add3A_695[%gather3A_710] in [0] : vector<16xf32>, vector<16xi32> -> vector<16xf32>
      %add3A_712 = arith.addf %add3A_695, %gather3A_711 : vector<16xf32>
      %add3A_713 = arith.constant 2 : i32
      %add3A_714 = vector.broadcast %add3A_713 : i32 to vector<16xi32>
      %add3A_715 = arith.addi %iota3A, %add3A_714 : vector<16xi32>
      %and3A_716 = arith.constant 15 : i32
      %and3A_717 = vector.broadcast %and3A_716 : i32 to vector<16xi32>
      %and3A_718 = arith.andi %add3A_715, %and3A_717 : vector<16xi32>
      %lt3A_719 = arith.constant 0 : i32
      %lt3A_720 = vector.broadcast %lt3A_719 : i32 to vector<16xi32>
      %lt3A_721 = arith.cmpi slt, %and3A_718, %lt3A_720 : vector<16xi32>
      %add3A_722 = arith.constant 16 : i32
      %add3A_723 = vector.broadcast %add3A_722 : i32 to vector<16xi32>
      %add3A_724 = arith.addi %and3A_718, %add3A_723 : vector<16xi32>
      %select_n3A_725 = arith.select %lt3A_721, %add3A_724, %and3A_718 : vector<16xi1>, vector<16xi32>
      %broadcast_in_dim3A_726 = vector.shape_cast %select_n3A_725 : vector<16xi32> to vector<16x1xi32>
      %gather3A_727 = vector.shape_cast %broadcast_in_dim3A_726 : vector<16x1xi32> to vector<16xi32>
      %gather3A_728 = tpu.dynamic_gather %add3A_712[%gather3A_727] in [0] : vector<16xf32>, vector<16xi32> -> vector<16xf32>
      %add3A_729 = arith.addf %add3A_712, %gather3A_728 : vector<16xf32>
      %add3A_730 = arith.constant 1 : i32
      %add3A_731 = vector.broadcast %add3A_730 : i32 to vector<16xi32>
      %add3A_732 = arith.addi %iota3A, %add3A_731 : vector<16xi32>
      %and3A_733 = arith.constant 15 : i32
      %and3A_734 = vector.broadcast %and3A_733 : i32 to vector<16xi32>
      %and3A_735 = arith.andi %add3A_732, %and3A_734 : vector<16xi32>
      %lt3A_736 = arith.constant 0 : i32
      %lt3A_737 = vector.broadcast %lt3A_736 : i32 to vector<16xi32>
      %lt3A_738 = arith.cmpi slt, %and3A_735, %lt3A_737 : vector<16xi32>
      %add3A_739 = arith.constant 16 : i32
      %add3A_740 = vector.broadcast %add3A_739 : i32 to vector<16xi32>
      %add3A_741 = arith.addi %and3A_735, %add3A_740 : vector<16xi32>
      %select_n3A_742 = arith.select %lt3A_738, %add3A_741, %and3A_735 : vector<16xi1>, vector<16xi32>
      %broadcast_in_dim3A_743 = vector.shape_cast %select_n3A_742 : vector<16xi32> to vector<16x1xi32>
      %gather3A_744 = vector.shape_cast %broadcast_in_dim3A_743 : vector<16x1xi32> to vector<16xi32>
      %gather3A_745 = tpu.dynamic_gather %add3A_729[%gather3A_744] in [0] : vector<16xf32>, vector<16xi32> -> vector<16xf32>
      %add3A_746 = arith.addf %add3A_729, %gather3A_745 : vector<16xf32>
      %mul3A_747 = arith.constant 0 : i32
      %mul3A_748 = vector.broadcast %mul3A_747 : i32 to vector<16xi32>
      %mul3A_749 = arith.muli %iota3A, %mul3A_748 : vector<16xi32>
      %lt3A_750 = arith.constant 0 : i32
      %lt3A_751 = vector.broadcast %lt3A_750 : i32 to vector<16xi32>
      %lt3A_752 = arith.cmpi slt, %mul3A_749, %lt3A_751 : vector<16xi32>
      %add3A_753 = arith.constant 16 : i32
      %add3A_754 = vector.broadcast %add3A_753 : i32 to vector<16xi32>
      %add3A_755 = arith.addi %mul3A_749, %add3A_754 : vector<16xi32>
      %select_n3A_756 = arith.select %lt3A_752, %add3A_755, %mul3A_749 : vector<16xi1>, vector<16xi32>
      %broadcast_in_dim3A_757 = vector.shape_cast %select_n3A_756 : vector<16xi32> to vector<16x1xi32>
      %gather3A_758 = vector.shape_cast %broadcast_in_dim3A_757 : vector<16x1xi32> to vector<16xi32>
      %gather3A_759 = tpu.dynamic_gather %add3A_746[%gather3A_758] in [0] : vector<16xf32>, vector<16xi32> -> vector<16xf32>
      %mul3A_760 = arith.constant 1.250000e-01 : f32
      %mul3A_761 = vector.broadcast %mul3A_760 : f32 to vector<16xf32>
      %mul3A_762 = arith.mulf %gather3A_759, %mul3A_761 : vector<16xf32>
      %mul3A_763 = arith.mulf %mul3A_675, %mul3A_675 : vector<16xf32>
      %add3A_764 = arith.constant 1.000000e-10 : f32
      %add3A_765 = vector.broadcast %add3A_764 : f32 to vector<16xf32>
      %add3A_766 = arith.addf %mul3A_763, %add3A_765 : vector<16xf32>
      %div3A_767 = arith.divf %mul3A_762, %add3A_766 : vector<16xf32>
      %add3A_768 = arith.addf %add3A_471, %div3A_767 : vector<16xf32>
      %add3A_769 = arith.constant 8 : i32
      %add3A_770 = vector.broadcast %add3A_769 : i32 to vector<16xi32>
      %add3A_771 = arith.addi %iota3A, %add3A_770 : vector<16xi32>
      %and3A_772 = arith.constant 15 : i32
      %and3A_773 = vector.broadcast %and3A_772 : i32 to vector<16xi32>
      %and3A_774 = arith.andi %add3A_771, %and3A_773 : vector<16xi32>
      %lt3A_775 = arith.constant 0 : i32
      %lt3A_776 = vector.broadcast %lt3A_775 : i32 to vector<16xi32>
      %lt3A_777 = arith.cmpi slt, %and3A_774, %lt3A_776 : vector<16xi32>
      %add3A_778 = arith.constant 16 : i32
      %add3A_779 = vector.broadcast %add3A_778 : i32 to vector<16xi32>
      %add3A_780 = arith.addi %and3A_774, %add3A_779 : vector<16xi32>
      %select_n3A_781 = arith.select %lt3A_777, %add3A_780, %and3A_774 : vector<16xi1>, vector<16xi32>
      %broadcast_in_dim3A_782 = vector.shape_cast %select_n3A_781 : vector<16xi32> to vector<16x1xi32>
      %gather3A_783 = vector.shape_cast %broadcast_in_dim3A_782 : vector<16x1xi32> to vector<16xi32>
      %gather3A_784 = tpu.dynamic_gather %add3A_591[%gather3A_783] in [0] : vector<16xf32>, vector<16xi32> -> vector<16xf32>
      %add3A_785 = arith.addf %add3A_591, %gather3A_784 : vector<16xf32>
      %add3A_786 = arith.constant 4 : i32
      %add3A_787 = vector.broadcast %add3A_786 : i32 to vector<16xi32>
      %add3A_788 = arith.addi %iota3A, %add3A_787 : vector<16xi32>
      %and3A_789 = arith.constant 15 : i32
      %and3A_790 = vector.broadcast %and3A_789 : i32 to vector<16xi32>
      %and3A_791 = arith.andi %add3A_788, %and3A_790 : vector<16xi32>
      %lt3A_792 = arith.constant 0 : i32
      %lt3A_793 = vector.broadcast %lt3A_792 : i32 to vector<16xi32>
      %lt3A_794 = arith.cmpi slt, %and3A_791, %lt3A_793 : vector<16xi32>
      %add3A_795 = arith.constant 16 : i32
      %add3A_796 = vector.broadcast %add3A_795 : i32 to vector<16xi32>
      %add3A_797 = arith.addi %and3A_791, %add3A_796 : vector<16xi32>
      %select_n3A_798 = arith.select %lt3A_794, %add3A_797, %and3A_791 : vector<16xi1>, vector<16xi32>
      %broadcast_in_dim3A_799 = vector.shape_cast %select_n3A_798 : vector<16xi32> to vector<16x1xi32>
      %gather3A_800 = vector.shape_cast %broadcast_in_dim3A_799 : vector<16x1xi32> to vector<16xi32>
      %gather3A_801 = tpu.dynamic_gather %add3A_785[%gather3A_800] in [0] : vector<16xf32>, vector<16xi32> -> vector<16xf32>
      %add3A_802 = arith.addf %add3A_785, %gather3A_801 : vector<16xf32>
      %add3A_803 = arith.constant 2 : i32
      %add3A_804 = vector.broadcast %add3A_803 : i32 to vector<16xi32>
      %add3A_805 = arith.addi %iota3A, %add3A_804 : vector<16xi32>
      %and3A_806 = arith.constant 15 : i32
      %and3A_807 = vector.broadcast %and3A_806 : i32 to vector<16xi32>
      %and3A_808 = arith.andi %add3A_805, %and3A_807 : vector<16xi32>
      %lt3A_809 = arith.constant 0 : i32
      %lt3A_810 = vector.broadcast %lt3A_809 : i32 to vector<16xi32>
      %lt3A_811 = arith.cmpi slt, %and3A_808, %lt3A_810 : vector<16xi32>
      %add3A_812 = arith.constant 16 : i32
      %add3A_813 = vector.broadcast %add3A_812 : i32 to vector<16xi32>
      %add3A_814 = arith.addi %and3A_808, %add3A_813 : vector<16xi32>
      %select_n3A_815 = arith.select %lt3A_811, %add3A_814, %and3A_808 : vector<16xi1>, vector<16xi32>
      %broadcast_in_dim3A_816 = vector.shape_cast %select_n3A_815 : vector<16xi32> to vector<16x1xi32>
      %gather3A_817 = vector.shape_cast %broadcast_in_dim3A_816 : vector<16x1xi32> to vector<16xi32>
      %gather3A_818 = tpu.dynamic_gather %add3A_802[%gather3A_817] in [0] : vector<16xf32>, vector<16xi32> -> vector<16xf32>
      %add3A_819 = arith.addf %add3A_802, %gather3A_818 : vector<16xf32>
      %add3A_820 = arith.constant 1 : i32
      %add3A_821 = vector.broadcast %add3A_820 : i32 to vector<16xi32>
      %add3A_822 = arith.addi %iota3A, %add3A_821 : vector<16xi32>
      %and3A_823 = arith.constant 15 : i32
      %and3A_824 = vector.broadcast %and3A_823 : i32 to vector<16xi32>
      %and3A_825 = arith.andi %add3A_822, %and3A_824 : vector<16xi32>
      %lt3A_826 = arith.constant 0 : i32
      %lt3A_827 = vector.broadcast %lt3A_826 : i32 to vector<16xi32>
      %lt3A_828 = arith.cmpi slt, %and3A_825, %lt3A_827 : vector<16xi32>
      %add3A_829 = arith.constant 16 : i32
      %add3A_830 = vector.broadcast %add3A_829 : i32 to vector<16xi32>
      %add3A_831 = arith.addi %and3A_825, %add3A_830 : vector<16xi32>
      %select_n3A_832 = arith.select %lt3A_828, %add3A_831, %and3A_825 : vector<16xi1>, vector<16xi32>
      %broadcast_in_dim3A_833 = vector.shape_cast %select_n3A_832 : vector<16xi32> to vector<16x1xi32>
      %gather3A_834 = vector.shape_cast %broadcast_in_dim3A_833 : vector<16x1xi32> to vector<16xi32>
      %gather3A_835 = tpu.dynamic_gather %add3A_819[%gather3A_834] in [0] : vector<16xf32>, vector<16xi32> -> vector<16xf32>
      %add3A_836 = arith.addf %add3A_819, %gather3A_835 : vector<16xf32>
      %mul3A_837 = arith.constant 0 : i32
      %mul3A_838 = vector.broadcast %mul3A_837 : i32 to vector<16xi32>
      %mul3A_839 = arith.muli %iota3A, %mul3A_838 : vector<16xi32>
      %lt3A_840 = arith.constant 0 : i32
      %lt3A_841 = vector.broadcast %lt3A_840 : i32 to vector<16xi32>
      %lt3A_842 = arith.cmpi slt, %mul3A_839, %lt3A_841 : vector<16xi32>
      %add3A_843 = arith.constant 16 : i32
      %add3A_844 = vector.broadcast %add3A_843 : i32 to vector<16xi32>
      %add3A_845 = arith.addi %mul3A_839, %add3A_844 : vector<16xi32>
      %select_n3A_846 = arith.select %lt3A_842, %add3A_845, %mul3A_839 : vector<16xi1>, vector<16xi32>
      %broadcast_in_dim3A_847 = vector.shape_cast %select_n3A_846 : vector<16xi32> to vector<16x1xi32>
      %gather3A_848 = vector.shape_cast %broadcast_in_dim3A_847 : vector<16x1xi32> to vector<16xi32>
      %gather3A_849 = tpu.dynamic_gather %add3A_836[%gather3A_848] in [0] : vector<16xf32>, vector<16xi32> -> vector<16xf32>
      %mul3A_850 = arith.constant 1.250000e-01 : f32
      %mul3A_851 = vector.broadcast %mul3A_850 : f32 to vector<16xf32>
      %mul3A_852 = arith.mulf %gather3A_849, %mul3A_851 : vector<16xf32>
      %sub3A_853 = arith.subf %add3A_591, %mul3A_852 : vector<16xf32>
      %select_n3A_854 = arith.select %lt3A_4, %sub3A_853, %broadcast_in_dim3A_5 : vector<16xi1>, vector<16xf32>
      %mul3A_855 = arith.mulf %select_n3A_854, %select_n3A_854 : vector<16xf32>
      %add3A_856 = arith.constant 8 : i32
      %add3A_857 = vector.broadcast %add3A_856 : i32 to vector<16xi32>
      %add3A_858 = arith.addi %iota3A, %add3A_857 : vector<16xi32>
      %and3A_859 = arith.constant 15 : i32
      %and3A_860 = vector.broadcast %and3A_859 : i32 to vector<16xi32>
      %and3A_861 = arith.andi %add3A_858, %and3A_860 : vector<16xi32>
      %lt3A_862 = arith.constant 0 : i32
      %lt3A_863 = vector.broadcast %lt3A_862 : i32 to vector<16xi32>
      %lt3A_864 = arith.cmpi slt, %and3A_861, %lt3A_863 : vector<16xi32>
      %add3A_865 = arith.constant 16 : i32
      %add3A_866 = vector.broadcast %add3A_865 : i32 to vector<16xi32>
      %add3A_867 = arith.addi %and3A_861, %add3A_866 : vector<16xi32>
      %select_n3A_868 = arith.select %lt3A_864, %add3A_867, %and3A_861 : vector<16xi1>, vector<16xi32>
      %broadcast_in_dim3A_869 = vector.shape_cast %select_n3A_868 : vector<16xi32> to vector<16x1xi32>
      %gather3A_870 = vector.shape_cast %broadcast_in_dim3A_869 : vector<16x1xi32> to vector<16xi32>
      %gather3A_871 = tpu.dynamic_gather %mul3A_855[%gather3A_870] in [0] : vector<16xf32>, vector<16xi32> -> vector<16xf32>
      %add3A_872 = arith.addf %mul3A_855, %gather3A_871 : vector<16xf32>
      %add3A_873 = arith.constant 4 : i32
      %add3A_874 = vector.broadcast %add3A_873 : i32 to vector<16xi32>
      %add3A_875 = arith.addi %iota3A, %add3A_874 : vector<16xi32>
      %and3A_876 = arith.constant 15 : i32
      %and3A_877 = vector.broadcast %and3A_876 : i32 to vector<16xi32>
      %and3A_878 = arith.andi %add3A_875, %and3A_877 : vector<16xi32>
      %lt3A_879 = arith.constant 0 : i32
      %lt3A_880 = vector.broadcast %lt3A_879 : i32 to vector<16xi32>
      %lt3A_881 = arith.cmpi slt, %and3A_878, %lt3A_880 : vector<16xi32>
      %add3A_882 = arith.constant 16 : i32
      %add3A_883 = vector.broadcast %add3A_882 : i32 to vector<16xi32>
      %add3A_884 = arith.addi %and3A_878, %add3A_883 : vector<16xi32>
      %select_n3A_885 = arith.select %lt3A_881, %add3A_884, %and3A_878 : vector<16xi1>, vector<16xi32>
      %broadcast_in_dim3A_886 = vector.shape_cast %select_n3A_885 : vector<16xi32> to vector<16x1xi32>
      %gather3A_887 = vector.shape_cast %broadcast_in_dim3A_886 : vector<16x1xi32> to vector<16xi32>
      %gather3A_888 = tpu.dynamic_gather %add3A_872[%gather3A_887] in [0] : vector<16xf32>, vector<16xi32> -> vector<16xf32>
      %add3A_889 = arith.addf %add3A_872, %gather3A_888 : vector<16xf32>
      %add3A_890 = arith.constant 2 : i32
      %add3A_891 = vector.broadcast %add3A_890 : i32 to vector<16xi32>
      %add3A_892 = arith.addi %iota3A, %add3A_891 : vector<16xi32>
      %and3A_893 = arith.constant 15 : i32
      %and3A_894 = vector.broadcast %and3A_893 : i32 to vector<16xi32>
      %and3A_895 = arith.andi %add3A_892, %and3A_894 : vector<16xi32>
      %lt3A_896 = arith.constant 0 : i32
      %lt3A_897 = vector.broadcast %lt3A_896 : i32 to vector<16xi32>
      %lt3A_898 = arith.cmpi slt, %and3A_895, %lt3A_897 : vector<16xi32>
      %add3A_899 = arith.constant 16 : i32
      %add3A_900 = vector.broadcast %add3A_899 : i32 to vector<16xi32>
      %add3A_901 = arith.addi %and3A_895, %add3A_900 : vector<16xi32>
      %select_n3A_902 = arith.select %lt3A_898, %add3A_901, %and3A_895 : vector<16xi1>, vector<16xi32>
      %broadcast_in_dim3A_903 = vector.shape_cast %select_n3A_902 : vector<16xi32> to vector<16x1xi32>
      %gather3A_904 = vector.shape_cast %broadcast_in_dim3A_903 : vector<16x1xi32> to vector<16xi32>
      %gather3A_905 = tpu.dynamic_gather %add3A_889[%gather3A_904] in [0] : vector<16xf32>, vector<16xi32> -> vector<16xf32>
      %add3A_906 = arith.addf %add3A_889, %gather3A_905 : vector<16xf32>
      %add3A_907 = arith.constant 1 : i32
      %add3A_908 = vector.broadcast %add3A_907 : i32 to vector<16xi32>
      %add3A_909 = arith.addi %iota3A, %add3A_908 : vector<16xi32>
      %and3A_910 = arith.constant 15 : i32
      %and3A_911 = vector.broadcast %and3A_910 : i32 to vector<16xi32>
      %and3A_912 = arith.andi %add3A_909, %and3A_911 : vector<16xi32>
      %lt3A_913 = arith.constant 0 : i32
      %lt3A_914 = vector.broadcast %lt3A_913 : i32 to vector<16xi32>
      %lt3A_915 = arith.cmpi slt, %and3A_912, %lt3A_914 : vector<16xi32>
      %add3A_916 = arith.constant 16 : i32
      %add3A_917 = vector.broadcast %add3A_916 : i32 to vector<16xi32>
      %add3A_918 = arith.addi %and3A_912, %add3A_917 : vector<16xi32>
      %select_n3A_919 = arith.select %lt3A_915, %add3A_918, %and3A_912 : vector<16xi1>, vector<16xi32>
      %broadcast_in_dim3A_920 = vector.shape_cast %select_n3A_919 : vector<16xi32> to vector<16x1xi32>
      %gather3A_921 = vector.shape_cast %broadcast_in_dim3A_920 : vector<16x1xi32> to vector<16xi32>
      %gather3A_922 = tpu.dynamic_gather %add3A_906[%gather3A_921] in [0] : vector<16xf32>, vector<16xi32> -> vector<16xf32>
      %add3A_923 = arith.addf %add3A_906, %gather3A_922 : vector<16xf32>
      %mul3A_924 = arith.constant 0 : i32
      %mul3A_925 = vector.broadcast %mul3A_924 : i32 to vector<16xi32>
      %mul3A_926 = arith.muli %iota3A, %mul3A_925 : vector<16xi32>
      %lt3A_927 = arith.constant 0 : i32
      %lt3A_928 = vector.broadcast %lt3A_927 : i32 to vector<16xi32>
      %lt3A_929 = arith.cmpi slt, %mul3A_926, %lt3A_928 : vector<16xi32>
      %add3A_930 = arith.constant 16 : i32
      %add3A_931 = vector.broadcast %add3A_930 : i32 to vector<16xi32>
      %add3A_932 = arith.addi %mul3A_926, %add3A_931 : vector<16xi32>
      %select_n3A_933 = arith.select %lt3A_929, %add3A_932, %mul3A_926 : vector<16xi1>, vector<16xi32>
      %broadcast_in_dim3A_934 = vector.shape_cast %select_n3A_933 : vector<16xi32> to vector<16x1xi32>
      %gather3A_935 = vector.shape_cast %broadcast_in_dim3A_934 : vector<16x1xi32> to vector<16xi32>
      %gather3A_936 = tpu.dynamic_gather %add3A_923[%gather3A_935] in [0] : vector<16xf32>, vector<16xi32> -> vector<16xf32>
      %mul3A_937 = arith.constant 1.250000e-01 : f32
      %mul3A_938 = vector.broadcast %mul3A_937 : f32 to vector<16xf32>
      %mul3A_939 = arith.mulf %gather3A_936, %mul3A_938 : vector<16xf32>
      %mul3A_940 = arith.mulf %mul3A_852, %mul3A_852 : vector<16xf32>
      %add3A_941 = arith.constant 1.000000e-10 : f32
      %add3A_942 = vector.broadcast %add3A_941 : f32 to vector<16xf32>
      %add3A_943 = arith.addf %mul3A_940, %add3A_942 : vector<16xf32>
      %div3A_944 = arith.divf %mul3A_939, %add3A_943 : vector<16xf32>
      %add3A_945 = arith.addf %add3A_768, %div3A_944 : vector<16xf32>
      %get3A_946 = arith.constant 2 : i32
      %get3A_947 = arith.index_cast %get3A_946 : i32 to index
      %get3A_948 = arith.constant 0 : index
      %get3A_949 = tpu.vector_load %arg4[%get3A_947, %get3A_948] {strides = array<i32>} : memref<3x128xf32, #tpu.memory_space<vmem>>, vector<1x16xf32>,
      %get3A_950 = vector.shape_cast %get3A_949 : vector<1x16xf32> to vector<16xf32>
      %add3A_951 = arith.addf %broadcast_in_dim3A_5, %get3A_950 : vector<16xf32>
      %gt3A_952 = arith.constant 0.000000e+00 : f32
      %gt3A_953 = vector.broadcast %gt3A_952 : f32 to vector<16xf32>
      %gt3A_954 = arith.cmpf ogt, %get3A_950, %gt3A_953 : vector<16xf32>
      %jit3A_955 = arith.constant 1.000000e+00 : f32
      %jit3A_956 = arith.constant 0.000000e+00 : f32
      %broadcast_in_dim3A_957 = vector.broadcast %jit3A_955 : f32 to vector<16xf32>
      %broadcast_in_dim3A_958 = vector.broadcast %jit3A_956 : f32 to vector<16xf32>
      %select_n3A_959 = arith.select %gt3A_954, %broadcast_in_dim3A_957, %broadcast_in_dim3A_958 : vector<16xi1>, vector<16xf32>
      %add3A_960 = arith.addf %broadcast_in_dim3A_5, %select_n3A_959 : vector<16xf32>
      %get3A_961 = arith.constant 2 : i32
      %get3A_962 = arith.index_cast %get3A_961 : i32 to index
      %get3A_963 = arith.constant 16 : index
      %get3A_964 = tpu.vector_load %arg4[%get3A_962, %get3A_963] {strides = array<i32>} : memref<3x128xf32, #tpu.memory_space<vmem>>, vector<1x16xf32>,
      %get3A_965 = vector.shape_cast %get3A_964 : vector<1x16xf32> to vector<16xf32>
      %add3A_966 = arith.addf %add3A_951, %get3A_965 : vector<16xf32>
      %gt3A_967 = arith.constant 0.000000e+00 : f32
      %gt3A_968 = vector.broadcast %gt3A_967 : f32 to vector<16xf32>
      %gt3A_969 = arith.cmpf ogt, %get3A_965, %gt3A_968 : vector<16xf32>
      %jit3A_970 = arith.constant 1.000000e+00 : f32
      %jit3A_971 = arith.constant 0.000000e+00 : f32
      %broadcast_in_dim3A_972 = vector.broadcast %jit3A_970 : f32 to vector<16xf32>
      %broadcast_in_dim3A_973 = vector.broadcast %jit3A_971 : f32 to vector<16xf32>
      %select_n3A_974 = arith.select %gt3A_969, %broadcast_in_dim3A_972, %broadcast_in_dim3A_973 : vector<16xi1>, vector<16xf32>
      %add3A_975 = arith.addf %add3A_960, %select_n3A_974 : vector<16xf32>
      %get3A_976 = arith.constant 2 : i32
      %get3A_977 = arith.index_cast %get3A_976 : i32 to index
      %get3A_978 = arith.constant 32 : index
      %get3A_979 = tpu.vector_load %arg4[%get3A_977, %get3A_978] {strides = array<i32>} : memref<3x128xf32, #tpu.memory_space<vmem>>, vector<1x16xf32>,
      %get3A_980 = vector.shape_cast %get3A_979 : vector<1x16xf32> to vector<16xf32>
      %add3A_981 = arith.addf %add3A_966, %get3A_980 : vector<16xf32>
      %gt3A_982 = arith.constant 0.000000e+00 : f32
      %gt3A_983 = vector.broadcast %gt3A_982 : f32 to vector<16xf32>
      %gt3A_984 = arith.cmpf ogt, %get3A_980, %gt3A_983 : vector<16xf32>
      %jit3A_985 = arith.constant 1.000000e+00 : f32
      %jit3A_986 = arith.constant 0.000000e+00 : f32
      %broadcast_in_dim3A_987 = vector.broadcast %jit3A_985 : f32 to vector<16xf32>
      %broadcast_in_dim3A_988 = vector.broadcast %jit3A_986 : f32 to vector<16xf32>
      %select_n3A_989 = arith.select %gt3A_984, %broadcast_in_dim3A_987, %broadcast_in_dim3A_988 : vector<16xi1>, vector<16xf32>
      %add3A_990 = arith.addf %add3A_975, %select_n3A_989 : vector<16xf32>
      %get3A_991 = arith.constant 2 : i32
      %get3A_992 = arith.index_cast %get3A_991 : i32 to index
      %get3A_993 = arith.constant 48 : index
      %get3A_994 = tpu.vector_load %arg4[%get3A_992, %get3A_993] {strides = array<i32>} : memref<3x128xf32, #tpu.memory_space<vmem>>, vector<1x16xf32>,
      %get3A_995 = vector.shape_cast %get3A_994 : vector<1x16xf32> to vector<16xf32>
      %add3A_996 = arith.addf %add3A_981, %get3A_995 : vector<16xf32>
      %gt3A_997 = arith.constant 0.000000e+00 : f32
      %gt3A_998 = vector.broadcast %gt3A_997 : f32 to vector<16xf32>
      %gt3A_999 = arith.cmpf ogt, %get3A_995, %gt3A_998 : vector<16xf32>
      %jit3A_1000 = arith.constant 1.000000e+00 : f32
      %jit3A_1001 = arith.constant 0.000000e+00 : f32
      %broadcast_in_dim3A_1002 = vector.broadcast %jit3A_1000 : f32 to vector<16xf32>
      %broadcast_in_dim3A_1003 = vector.broadcast %jit3A_1001 : f32 to vector<16xf32>
      %select_n3A_1004 = arith.select %gt3A_999, %broadcast_in_dim3A_1002, %broadcast_in_dim3A_1003 : vector<16xi1>, vector<16xf32>
      %add3A_1005 = arith.addf %add3A_990, %select_n3A_1004 : vector<16xf32>
      %get3A_1006 = arith.constant 2 : i32
      %get3A_1007 = arith.index_cast %get3A_1006 : i32 to index
      %get3A_1008 = arith.constant 64 : index
      %get3A_1009 = tpu.vector_load %arg4[%get3A_1007, %get3A_1008] {strides = array<i32>} : memref<3x128xf32, #tpu.memory_space<vmem>>, vector<1x16xf32>,
      %get3A_1010 = vector.shape_cast %get3A_1009 : vector<1x16xf32> to vector<16xf32>
      %add3A_1011 = arith.addf %add3A_996, %get3A_1010 : vector<16xf32>
      %gt3A_1012 = arith.constant 0.000000e+00 : f32
      %gt3A_1013 = vector.broadcast %gt3A_1012 : f32 to vector<16xf32>
      %gt3A_1014 = arith.cmpf ogt, %get3A_1010, %gt3A_1013 : vector<16xf32>
      %jit3A_1015 = arith.constant 1.000000e+00 : f32
      %jit3A_1016 = arith.constant 0.000000e+00 : f32
      %broadcast_in_dim3A_1017 = vector.broadcast %jit3A_1015 : f32 to vector<16xf32>
      %broadcast_in_dim3A_1018 = vector.broadcast %jit3A_1016 : f32 to vector<16xf32>
      %select_n3A_1019 = arith.select %gt3A_1014, %broadcast_in_dim3A_1017, %broadcast_in_dim3A_1018 : vector<16xi1>, vector<16xf32>
      %add3A_1020 = arith.addf %add3A_1005, %select_n3A_1019 : vector<16xf32>
      %get3A_1021 = arith.constant 2 : i32
      %get3A_1022 = arith.index_cast %get3A_1021 : i32 to index
      %get3A_1023 = arith.constant 80 : index
      %get3A_1024 = tpu.vector_load %arg4[%get3A_1022, %get3A_1023] {strides = array<i32>} : memref<3x128xf32, #tpu.memory_space<vmem>>, vector<1x16xf32>,
      %get3A_1025 = vector.shape_cast %get3A_1024 : vector<1x16xf32> to vector<16xf32>
      %add3A_1026 = arith.addf %add3A_1011, %get3A_1025 : vector<16xf32>
      %gt3A_1027 = arith.constant 0.000000e+00 : f32
      %gt3A_1028 = vector.broadcast %gt3A_1027 : f32 to vector<16xf32>
      %gt3A_1029 = arith.cmpf ogt, %get3A_1025, %gt3A_1028 : vector<16xf32>
      %jit3A_1030 = arith.constant 1.000000e+00 : f32
      %jit3A_1031 = arith.constant 0.000000e+00 : f32
      %broadcast_in_dim3A_1032 = vector.broadcast %jit3A_1030 : f32 to vector<16xf32>
      %broadcast_in_dim3A_1033 = vector.broadcast %jit3A_1031 : f32 to vector<16xf32>
      %select_n3A_1034 = arith.select %gt3A_1029, %broadcast_in_dim3A_1032, %broadcast_in_dim3A_1033 : vector<16xi1>, vector<16xf32>
      %add3A_1035 = arith.addf %add3A_1020, %select_n3A_1034 : vector<16xf32>
      %get3A_1036 = arith.constant 2 : i32
      %get3A_1037 = arith.index_cast %get3A_1036 : i32 to index
      %get3A_1038 = arith.constant 96 : index
      %get3A_1039 = tpu.vector_load %arg4[%get3A_1037, %get3A_1038] {strides = array<i32>} : memref<3x128xf32, #tpu.memory_space<vmem>>, vector<1x16xf32>,
      %get3A_1040 = vector.shape_cast %get3A_1039 : vector<1x16xf32> to vector<16xf32>
      %add3A_1041 = arith.addf %add3A_1026, %get3A_1040 : vector<16xf32>
      %gt3A_1042 = arith.constant 0.000000e+00 : f32
      %gt3A_1043 = vector.broadcast %gt3A_1042 : f32 to vector<16xf32>
      %gt3A_1044 = arith.cmpf ogt, %get3A_1040, %gt3A_1043 : vector<16xf32>
      %jit3A_1045 = arith.constant 1.000000e+00 : f32
      %jit3A_1046 = arith.constant 0.000000e+00 : f32
      %broadcast_in_dim3A_1047 = vector.broadcast %jit3A_1045 : f32 to vector<16xf32>
      %broadcast_in_dim3A_1048 = vector.broadcast %jit3A_1046 : f32 to vector<16xf32>
      %select_n3A_1049 = arith.select %gt3A_1044, %broadcast_in_dim3A_1047, %broadcast_in_dim3A_1048 : vector<16xi1>, vector<16xf32>
      %add3A_1050 = arith.addf %add3A_1035, %select_n3A_1049 : vector<16xf32>
      %get3A_1051 = arith.constant 2 : i32
      %get3A_1052 = arith.index_cast %get3A_1051 : i32 to index
      %get3A_1053 = arith.constant 112 : index
      %get3A_1054 = tpu.vector_load %arg4[%get3A_1052, %get3A_1053] {strides = array<i32>} : memref<3x128xf32, #tpu.memory_space<vmem>>, vector<1x16xf32>,
      %get3A_1055 = vector.shape_cast %get3A_1054 : vector<1x16xf32> to vector<16xf32>
      %add3A_1056 = arith.addf %add3A_1041, %get3A_1055 : vector<16xf32>
      %gt3A_1057 = arith.constant 0.000000e+00 : f32
      %gt3A_1058 = vector.broadcast %gt3A_1057 : f32 to vector<16xf32>
      %gt3A_1059 = arith.cmpf ogt, %get3A_1055, %gt3A_1058 : vector<16xf32>
      %jit3A_1060 = arith.constant 1.000000e+00 : f32
      %jit3A_1061 = arith.constant 0.000000e+00 : f32
      %broadcast_in_dim3A_1062 = vector.broadcast %jit3A_1060 : f32 to vector<16xf32>
      %broadcast_in_dim3A_1063 = vector.broadcast %jit3A_1061 : f32 to vector<16xf32>
      %select_n3A_1064 = arith.select %gt3A_1059, %broadcast_in_dim3A_1062, %broadcast_in_dim3A_1063 : vector<16xi1>, vector<16xf32>
      %add3A_1065 = arith.addf %add3A_1050, %select_n3A_1064 : vector<16xf32>
      %add3A_1066 = arith.constant 8 : i32
      %add3A_1067 = vector.broadcast %add3A_1066 : i32 to vector<16xi32>
      %add3A_1068 = arith.addi %iota3A, %add3A_1067 : vector<16xi32>
      %and3A_1069 = arith.constant 15 : i32
      %and3A_1070 = vector.broadcast %and3A_1069 : i32 to vector<16xi32>
      %and3A_1071 = arith.andi %add3A_1068, %and3A_1070 : vector<16xi32>
      %lt3A_1072 = arith.constant 0 : i32
      %lt3A_1073 = vector.broadcast %lt3A_1072 : i32 to vector<16xi32>
      %lt3A_1074 = arith.cmpi slt, %and3A_1071, %lt3A_1073 : vector<16xi32>
      %add3A_1075 = arith.constant 16 : i32
      %add3A_1076 = vector.broadcast %add3A_1075 : i32 to vector<16xi32>
      %add3A_1077 = arith.addi %and3A_1071, %add3A_1076 : vector<16xi32>
      %select_n3A_1078 = arith.select %lt3A_1074, %add3A_1077, %and3A_1071 : vector<16xi1>, vector<16xi32>
      %broadcast_in_dim3A_1079 = vector.shape_cast %select_n3A_1078 : vector<16xi32> to vector<16x1xi32>
      %gather3A_1080 = vector.shape_cast %broadcast_in_dim3A_1079 : vector<16x1xi32> to vector<16xi32>
      %gather3A_1081 = tpu.dynamic_gather %add3A_1056[%gather3A_1080] in [0] : vector<16xf32>, vector<16xi32> -> vector<16xf32>
      %add3A_1082 = arith.addf %add3A_1056, %gather3A_1081 : vector<16xf32>
      %add3A_1083 = arith.constant 4 : i32
      %add3A_1084 = vector.broadcast %add3A_1083 : i32 to vector<16xi32>
      %add3A_1085 = arith.addi %iota3A, %add3A_1084 : vector<16xi32>
      %and3A_1086 = arith.constant 15 : i32
      %and3A_1087 = vector.broadcast %and3A_1086 : i32 to vector<16xi32>
      %and3A_1088 = arith.andi %add3A_1085, %and3A_1087 : vector<16xi32>
      %lt3A_1089 = arith.constant 0 : i32
      %lt3A_1090 = vector.broadcast %lt3A_1089 : i32 to vector<16xi32>
      %lt3A_1091 = arith.cmpi slt, %and3A_1088, %lt3A_1090 : vector<16xi32>
      %add3A_1092 = arith.constant 16 : i32
      %add3A_1093 = vector.broadcast %add3A_1092 : i32 to vector<16xi32>
      %add3A_1094 = arith.addi %and3A_1088, %add3A_1093 : vector<16xi32>
      %select_n3A_1095 = arith.select %lt3A_1091, %add3A_1094, %and3A_1088 : vector<16xi1>, vector<16xi32>
      %broadcast_in_dim3A_1096 = vector.shape_cast %select_n3A_1095 : vector<16xi32> to vector<16x1xi32>
      %gather3A_1097 = vector.shape_cast %broadcast_in_dim3A_1096 : vector<16x1xi32> to vector<16xi32>
      %gather3A_1098 = tpu.dynamic_gather %add3A_1082[%gather3A_1097] in [0] : vector<16xf32>, vector<16xi32> -> vector<16xf32>
      %add3A_1099 = arith.addf %add3A_1082, %gather3A_1098 : vector<16xf32>
      %add3A_1100 = arith.constant 2 : i32
      %add3A_1101 = vector.broadcast %add3A_1100 : i32 to vector<16xi32>
      %add3A_1102 = arith.addi %iota3A, %add3A_1101 : vector<16xi32>
      %and3A_1103 = arith.constant 15 : i32
      %and3A_1104 = vector.broadcast %and3A_1103 : i32 to vector<16xi32>
      %and3A_1105 = arith.andi %add3A_1102, %and3A_1104 : vector<16xi32>
      %lt3A_1106 = arith.constant 0 : i32
      %lt3A_1107 = vector.broadcast %lt3A_1106 : i32 to vector<16xi32>
      %lt3A_1108 = arith.cmpi slt, %and3A_1105, %lt3A_1107 : vector<16xi32>
      %add3A_1109 = arith.constant 16 : i32
      %add3A_1110 = vector.broadcast %add3A_1109 : i32 to vector<16xi32>
      %add3A_1111 = arith.addi %and3A_1105, %add3A_1110 : vector<16xi32>
      %select_n3A_1112 = arith.select %lt3A_1108, %add3A_1111, %and3A_1105 : vector<16xi1>, vector<16xi32>
      %broadcast_in_dim3A_1113 = vector.shape_cast %select_n3A_1112 : vector<16xi32> to vector<16x1xi32>
      %gather3A_1114 = vector.shape_cast %broadcast_in_dim3A_1113 : vector<16x1xi32> to vector<16xi32>
      %gather3A_1115 = tpu.dynamic_gather %add3A_1099[%gather3A_1114] in [0] : vector<16xf32>, vector<16xi32> -> vector<16xf32>
      %add3A_1116 = arith.addf %add3A_1099, %gather3A_1115 : vector<16xf32>
      %add3A_1117 = arith.constant 1 : i32
      %add3A_1118 = vector.broadcast %add3A_1117 : i32 to vector<16xi32>
      %add3A_1119 = arith.addi %iota3A, %add3A_1118 : vector<16xi32>
      %and3A_1120 = arith.constant 15 : i32
      %and3A_1121 = vector.broadcast %and3A_1120 : i32 to vector<16xi32>
      %and3A_1122 = arith.andi %add3A_1119, %and3A_1121 : vector<16xi32>
      %lt3A_1123 = arith.constant 0 : i32
      %lt3A_1124 = vector.broadcast %lt3A_1123 : i32 to vector<16xi32>
      %lt3A_1125 = arith.cmpi slt, %and3A_1122, %lt3A_1124 : vector<16xi32>
      %add3A_1126 = arith.constant 16 : i32
      %add3A_1127 = vector.broadcast %add3A_1126 : i32 to vector<16xi32>
      %add3A_1128 = arith.addi %and3A_1122, %add3A_1127 : vector<16xi32>
      %select_n3A_1129 = arith.select %lt3A_1125, %add3A_1128, %and3A_1122 : vector<16xi1>, vector<16xi32>
      %broadcast_in_dim3A_1130 = vector.shape_cast %select_n3A_1129 : vector<16xi32> to vector<16x1xi32>
      %gather3A_1131 = vector.shape_cast %broadcast_in_dim3A_1130 : vector<16x1xi32> to vector<16xi32>
      %gather3A_1132 = tpu.dynamic_gather %add3A_1116[%gather3A_1131] in [0] : vector<16xf32>, vector<16xi32> -> vector<16xf32>
      %add3A_1133 = arith.addf %add3A_1116, %gather3A_1132 : vector<16xf32>
      %mul3A_1134 = arith.constant 0 : i32
      %mul3A_1135 = vector.broadcast %mul3A_1134 : i32 to vector<16xi32>
      %mul3A_1136 = arith.muli %iota3A, %mul3A_1135 : vector<16xi32>
      %lt3A_1137 = arith.constant 0 : i32
      %lt3A_1138 = vector.broadcast %lt3A_1137 : i32 to vector<16xi32>
      %lt3A_1139 = arith.cmpi slt, %mul3A_1136, %lt3A_1138 : vector<16xi32>
      %add3A_1140 = arith.constant 16 : i32
      %add3A_1141 = vector.broadcast %add3A_1140 : i32 to vector<16xi32>
      %add3A_1142 = arith.addi %mul3A_1136, %add3A_1141 : vector<16xi32>
      %select_n3A_1143 = arith.select %lt3A_1139, %add3A_1142, %mul3A_1136 : vector<16xi1>, vector<16xi32>
      %broadcast_in_dim3A_1144 = vector.shape_cast %select_n3A_1143 : vector<16xi32> to vector<16x1xi32>
      %gather3A_1145 = vector.shape_cast %broadcast_in_dim3A_1144 : vector<16x1xi32> to vector<16xi32>
      %gather3A_1146 = tpu.dynamic_gather %add3A_1133[%gather3A_1145] in [0] : vector<16xf32>, vector<16xi32> -> vector<16xf32>
      %mul3A_1147 = arith.constant 1.250000e-01 : f32
      %mul3A_1148 = vector.broadcast %mul3A_1147 : f32 to vector<16xf32>
      %mul3A_1149 = arith.mulf %gather3A_1146, %mul3A_1148 : vector<16xf32>
      %sub3A_1150 = arith.subf %add3A_1056, %mul3A_1149 : vector<16xf32>
      %select_n3A_1151 = arith.select %lt3A_4, %sub3A_1150, %broadcast_in_dim3A_5 : vector<16xi1>, vector<16xf32>
      %mul3A_1152 = arith.mulf %select_n3A_1151, %select_n3A_1151 : vector<16xf32>
      %add3A_1153 = arith.constant 8 : i32
      %add3A_1154 = vector.broadcast %add3A_1153 : i32 to vector<16xi32>
      %add3A_1155 = arith.addi %iota3A, %add3A_1154 : vector<16xi32>
      %and3A_1156 = arith.constant 15 : i32
      %and3A_1157 = vector.broadcast %and3A_1156 : i32 to vector<16xi32>
      %and3A_1158 = arith.andi %add3A_1155, %and3A_1157 : vector<16xi32>
      %lt3A_1159 = arith.constant 0 : i32
      %lt3A_1160 = vector.broadcast %lt3A_1159 : i32 to vector<16xi32>
      %lt3A_1161 = arith.cmpi slt, %and3A_1158, %lt3A_1160 : vector<16xi32>
      %add3A_1162 = arith.constant 16 : i32
      %add3A_1163 = vector.broadcast %add3A_1162 : i32 to vector<16xi32>
      %add3A_1164 = arith.addi %and3A_1158, %add3A_1163 : vector<16xi32>
      %select_n3A_1165 = arith.select %lt3A_1161, %add3A_1164, %and3A_1158 : vector<16xi1>, vector<16xi32>
      %broadcast_in_dim3A_1166 = vector.shape_cast %select_n3A_1165 : vector<16xi32> to vector<16x1xi32>
      %gather3A_1167 = vector.shape_cast %broadcast_in_dim3A_1166 : vector<16x1xi32> to vector<16xi32>
      %gather3A_1168 = tpu.dynamic_gather %mul3A_1152[%gather3A_1167] in [0] : vector<16xf32>, vector<16xi32> -> vector<16xf32>
      %add3A_1169 = arith.addf %mul3A_1152, %gather3A_1168 : vector<16xf32>
      %add3A_1170 = arith.constant 4 : i32
      %add3A_1171 = vector.broadcast %add3A_1170 : i32 to vector<16xi32>
      %add3A_1172 = arith.addi %iota3A, %add3A_1171 : vector<16xi32>
      %and3A_1173 = arith.constant 15 : i32
      %and3A_1174 = vector.broadcast %and3A_1173 : i32 to vector<16xi32>
      %and3A_1175 = arith.andi %add3A_1172, %and3A_1174 : vector<16xi32>
      %lt3A_1176 = arith.constant 0 : i32
      %lt3A_1177 = vector.broadcast %lt3A_1176 : i32 to vector<16xi32>
      %lt3A_1178 = arith.cmpi slt, %and3A_1175, %lt3A_1177 : vector<16xi32>
      %add3A_1179 = arith.constant 16 : i32
      %add3A_1180 = vector.broadcast %add3A_1179 : i32 to vector<16xi32>
      %add3A_1181 = arith.addi %and3A_1175, %add3A_1180 : vector<16xi32>
      %select_n3A_1182 = arith.select %lt3A_1178, %add3A_1181, %and3A_1175 : vector<16xi1>, vector<16xi32>
      %broadcast_in_dim3A_1183 = vector.shape_cast %select_n3A_1182 : vector<16xi32> to vector<16x1xi32>
      %gather3A_1184 = vector.shape_cast %broadcast_in_dim3A_1183 : vector<16x1xi32> to vector<16xi32>
      %gather3A_1185 = tpu.dynamic_gather %add3A_1169[%gather3A_1184] in [0] : vector<16xf32>, vector<16xi32> -> vector<16xf32>
      %add3A_1186 = arith.addf %add3A_1169, %gather3A_1185 : vector<16xf32>
      %add3A_1187 = arith.constant 2 : i32
      %add3A_1188 = vector.broadcast %add3A_1187 : i32 to vector<16xi32>
      %add3A_1189 = arith.addi %iota3A, %add3A_1188 : vector<16xi32>
      %and3A_1190 = arith.constant 15 : i32
      %and3A_1191 = vector.broadcast %and3A_1190 : i32 to vector<16xi32>
      %and3A_1192 = arith.andi %add3A_1189, %and3A_1191 : vector<16xi32>
      %lt3A_1193 = arith.constant 0 : i32
      %lt3A_1194 = vector.broadcast %lt3A_1193 : i32 to vector<16xi32>
      %lt3A_1195 = arith.cmpi slt, %and3A_1192, %lt3A_1194 : vector<16xi32>
      %add3A_1196 = arith.constant 16 : i32
      %add3A_1197 = vector.broadcast %add3A_1196 : i32 to vector<16xi32>
      %add3A_1198 = arith.addi %and3A_1192, %add3A_1197 : vector<16xi32>
      %select_n3A_1199 = arith.select %lt3A_1195, %add3A_1198, %and3A_1192 : vector<16xi1>, vector<16xi32>
      %broadcast_in_dim3A_1200 = vector.shape_cast %select_n3A_1199 : vector<16xi32> to vector<16x1xi32>
      %gather3A_1201 = vector.shape_cast %broadcast_in_dim3A_1200 : vector<16x1xi32> to vector<16xi32>
      %gather3A_1202 = tpu.dynamic_gather %add3A_1186[%gather3A_1201] in [0] : vector<16xf32>, vector<16xi32> -> vector<16xf32>
      %add3A_1203 = arith.addf %add3A_1186, %gather3A_1202 : vector<16xf32>
      %add3A_1204 = arith.constant 1 : i32
      %add3A_1205 = vector.broadcast %add3A_1204 : i32 to vector<16xi32>
      %add3A_1206 = arith.addi %iota3A, %add3A_1205 : vector<16xi32>
      %and3A_1207 = arith.constant 15 : i32
      %and3A_1208 = vector.broadcast %and3A_1207 : i32 to vector<16xi32>
      %and3A_1209 = arith.andi %add3A_1206, %and3A_1208 : vector<16xi32>
      %lt3A_1210 = arith.constant 0 : i32
      %lt3A_1211 = vector.broadcast %lt3A_1210 : i32 to vector<16xi32>
      %lt3A_1212 = arith.cmpi slt, %and3A_1209, %lt3A_1211 : vector<16xi32>
      %add3A_1213 = arith.constant 16 : i32
      %add3A_1214 = vector.broadcast %add3A_1213 : i32 to vector<16xi32>
      %add3A_1215 = arith.addi %and3A_1209, %add3A_1214 : vector<16xi32>
      %select_n3A_1216 = arith.select %lt3A_1212, %add3A_1215, %and3A_1209 : vector<16xi1>, vector<16xi32>
      %broadcast_in_dim3A_1217 = vector.shape_cast %select_n3A_1216 : vector<16xi32> to vector<16x1xi32>
      %gather3A_1218 = vector.shape_cast %broadcast_in_dim3A_1217 : vector<16x1xi32> to vector<16xi32>
      %gather3A_1219 = tpu.dynamic_gather %add3A_1203[%gather3A_1218] in [0] : vector<16xf32>, vector<16xi32> -> vector<16xf32>
      %add3A_1220 = arith.addf %add3A_1203, %gather3A_1219 : vector<16xf32>
      %mul3A_1221 = arith.constant 0 : i32
      %mul3A_1222 = vector.broadcast %mul3A_1221 : i32 to vector<16xi32>
      %mul3A_1223 = arith.muli %iota3A, %mul3A_1222 : vector<16xi32>
      %lt3A_1224 = arith.constant 0 : i32
      %lt3A_1225 = vector.broadcast %lt3A_1224 : i32 to vector<16xi32>
      %lt3A_1226 = arith.cmpi slt, %mul3A_1223, %lt3A_1225 : vector<16xi32>
      %add3A_1227 = arith.constant 16 : i32
      %add3A_1228 = vector.broadcast %add3A_1227 : i32 to vector<16xi32>
      %add3A_1229 = arith.addi %mul3A_1223, %add3A_1228 : vector<16xi32>
      %select_n3A_1230 = arith.select %lt3A_1226, %add3A_1229, %mul3A_1223 : vector<16xi1>, vector<16xi32>
      %broadcast_in_dim3A_1231 = vector.shape_cast %select_n3A_1230 : vector<16xi32> to vector<16x1xi32>
      %gather3A_1232 = vector.shape_cast %broadcast_in_dim3A_1231 : vector<16x1xi32> to vector<16xi32>
      %gather3A_1233 = tpu.dynamic_gather %add3A_1220[%gather3A_1232] in [0] : vector<16xf32>, vector<16xi32> -> vector<16xf32>
      %mul3A_1234 = arith.constant 1.250000e-01 : f32
      %mul3A_1235 = vector.broadcast %mul3A_1234 : f32 to vector<16xf32>
      %mul3A_1236 = arith.mulf %gather3A_1233, %mul3A_1235 : vector<16xf32>
      %mul3A_1237 = arith.mulf %mul3A_1149, %mul3A_1149 : vector<16xf32>
      %add3A_1238 = arith.constant 1.000000e-10 : f32
      %add3A_1239 = vector.broadcast %add3A_1238 : f32 to vector<16xf32>
      %add3A_1240 = arith.addf %mul3A_1237, %add3A_1239 : vector<16xf32>
      %div3A_1241 = arith.divf %mul3A_1236, %add3A_1240 : vector<16xf32>
      %add3A_1242 = arith.addf %add3A_945, %div3A_1241 : vector<16xf32>
      %add3A_1243 = arith.constant 8 : i32
      %add3A_1244 = vector.broadcast %add3A_1243 : i32 to vector<16xi32>
      %add3A_1245 = arith.addi %iota3A, %add3A_1244 : vector<16xi32>
      %and3A_1246 = arith.constant 15 : i32
      %and3A_1247 = vector.broadcast %and3A_1246 : i32 to vector<16xi32>
      %and3A_1248 = arith.andi %add3A_1245, %and3A_1247 : vector<16xi32>
      %lt3A_1249 = arith.constant 0 : i32
      %lt3A_1250 = vector.broadcast %lt3A_1249 : i32 to vector<16xi32>
      %lt3A_1251 = arith.cmpi slt, %and3A_1248, %lt3A_1250 : vector<16xi32>
      %add3A_1252 = arith.constant 16 : i32
      %add3A_1253 = vector.broadcast %add3A_1252 : i32 to vector<16xi32>
      %add3A_1254 = arith.addi %and3A_1248, %add3A_1253 : vector<16xi32>
      %select_n3A_1255 = arith.select %lt3A_1251, %add3A_1254, %and3A_1248 : vector<16xi1>, vector<16xi32>
      %broadcast_in_dim3A_1256 = vector.shape_cast %select_n3A_1255 : vector<16xi32> to vector<16x1xi32>
      %gather3A_1257 = vector.shape_cast %broadcast_in_dim3A_1256 : vector<16x1xi32> to vector<16xi32>
      %gather3A_1258 = tpu.dynamic_gather %add3A_1065[%gather3A_1257] in [0] : vector<16xf32>, vector<16xi32> -> vector<16xf32>
      %add3A_1259 = arith.addf %add3A_1065, %gather3A_1258 : vector<16xf32>
      %add3A_1260 = arith.constant 4 : i32
      %add3A_1261 = vector.broadcast %add3A_1260 : i32 to vector<16xi32>
      %add3A_1262 = arith.addi %iota3A, %add3A_1261 : vector<16xi32>
      %and3A_1263 = arith.constant 15 : i32
      %and3A_1264 = vector.broadcast %and3A_1263 : i32 to vector<16xi32>
      %and3A_1265 = arith.andi %add3A_1262, %and3A_1264 : vector<16xi32>
      %lt3A_1266 = arith.constant 0 : i32
      %lt3A_1267 = vector.broadcast %lt3A_1266 : i32 to vector<16xi32>
      %lt3A_1268 = arith.cmpi slt, %and3A_1265, %lt3A_1267 : vector<16xi32>
      %add3A_1269 = arith.constant 16 : i32
      %add3A_1270 = vector.broadcast %add3A_1269 : i32 to vector<16xi32>
      %add3A_1271 = arith.addi %and3A_1265, %add3A_1270 : vector<16xi32>
      %select_n3A_1272 = arith.select %lt3A_1268, %add3A_1271, %and3A_1265 : vector<16xi1>, vector<16xi32>
      %broadcast_in_dim3A_1273 = vector.shape_cast %select_n3A_1272 : vector<16xi32> to vector<16x1xi32>
      %gather3A_1274 = vector.shape_cast %broadcast_in_dim3A_1273 : vector<16x1xi32> to vector<16xi32>
      %gather3A_1275 = tpu.dynamic_gather %add3A_1259[%gather3A_1274] in [0] : vector<16xf32>, vector<16xi32> -> vector<16xf32>
      %add3A_1276 = arith.addf %add3A_1259, %gather3A_1275 : vector<16xf32>
      %add3A_1277 = arith.constant 2 : i32
      %add3A_1278 = vector.broadcast %add3A_1277 : i32 to vector<16xi32>
      %add3A_1279 = arith.addi %iota3A, %add3A_1278 : vector<16xi32>
      %and3A_1280 = arith.constant 15 : i32
      %and3A_1281 = vector.broadcast %and3A_1280 : i32 to vector<16xi32>
      %and3A_1282 = arith.andi %add3A_1279, %and3A_1281 : vector<16xi32>
      %lt3A_1283 = arith.constant 0 : i32
      %lt3A_1284 = vector.broadcast %lt3A_1283 : i32 to vector<16xi32>
      %lt3A_1285 = arith.cmpi slt, %and3A_1282, %lt3A_1284 : vector<16xi32>
      %add3A_1286 = arith.constant 16 : i32
      %add3A_1287 = vector.broadcast %add3A_1286 : i32 to vector<16xi32>
      %add3A_1288 = arith.addi %and3A_1282, %add3A_1287 : vector<16xi32>
      %select_n3A_1289 = arith.select %lt3A_1285, %add3A_1288, %and3A_1282 : vector<16xi1>, vector<16xi32>
      %broadcast_in_dim3A_1290 = vector.shape_cast %select_n3A_1289 : vector<16xi32> to vector<16x1xi32>
      %gather3A_1291 = vector.shape_cast %broadcast_in_dim3A_1290 : vector<16x1xi32> to vector<16xi32>
      %gather3A_1292 = tpu.dynamic_gather %add3A_1276[%gather3A_1291] in [0] : vector<16xf32>, vector<16xi32> -> vector<16xf32>
      %add3A_1293 = arith.addf %add3A_1276, %gather3A_1292 : vector<16xf32>
      %add3A_1294 = arith.constant 1 : i32
      %add3A_1295 = vector.broadcast %add3A_1294 : i32 to vector<16xi32>
      %add3A_1296 = arith.addi %iota3A, %add3A_1295 : vector<16xi32>
      %and3A_1297 = arith.constant 15 : i32
      %and3A_1298 = vector.broadcast %and3A_1297 : i32 to vector<16xi32>
      %and3A_1299 = arith.andi %add3A_1296, %and3A_1298 : vector<16xi32>
      %lt3A_1300 = arith.constant 0 : i32
      %lt3A_1301 = vector.broadcast %lt3A_1300 : i32 to vector<16xi32>
      %lt3A_1302 = arith.cmpi slt, %and3A_1299, %lt3A_1301 : vector<16xi32>
      %add3A_1303 = arith.constant 16 : i32
      %add3A_1304 = vector.broadcast %add3A_1303 : i32 to vector<16xi32>
      %add3A_1305 = arith.addi %and3A_1299, %add3A_1304 : vector<16xi32>
      %select_n3A_1306 = arith.select %lt3A_1302, %add3A_1305, %and3A_1299 : vector<16xi1>, vector<16xi32>
      %broadcast_in_dim3A_1307 = vector.shape_cast %select_n3A_1306 : vector<16xi32> to vector<16x1xi32>
      %gather3A_1308 = vector.shape_cast %broadcast_in_dim3A_1307 : vector<16x1xi32> to vector<16xi32>
      %gather3A_1309 = tpu.dynamic_gather %add3A_1293[%gather3A_1308] in [0] : vector<16xf32>, vector<16xi32> -> vector<16xf32>
      %add3A_1310 = arith.addf %add3A_1293, %gather3A_1309 : vector<16xf32>
      %mul3A_1311 = arith.constant 0 : i32
      %mul3A_1312 = vector.broadcast %mul3A_1311 : i32 to vector<16xi32>
      %mul3A_1313 = arith.muli %iota3A, %mul3A_1312 : vector<16xi32>
      %lt3A_1314 = arith.constant 0 : i32
      %lt3A_1315 = vector.broadcast %lt3A_1314 : i32 to vector<16xi32>
      %lt3A_1316 = arith.cmpi slt, %mul3A_1313, %lt3A_1315 : vector<16xi32>
      %add3A_1317 = arith.constant 16 : i32
      %add3A_1318 = vector.broadcast %add3A_1317 : i32 to vector<16xi32>
      %add3A_1319 = arith.addi %mul3A_1313, %add3A_1318 : vector<16xi32>
      %select_n3A_1320 = arith.select %lt3A_1316, %add3A_1319, %mul3A_1313 : vector<16xi1>, vector<16xi32>
      %broadcast_in_dim3A_1321 = vector.shape_cast %select_n3A_1320 : vector<16xi32> to vector<16x1xi32>
      %gather3A_1322 = vector.shape_cast %broadcast_in_dim3A_1321 : vector<16x1xi32> to vector<16xi32>
      %gather3A_1323 = tpu.dynamic_gather %add3A_1310[%gather3A_1322] in [0] : vector<16xf32>, vector<16xi32> -> vector<16xf32>
      %mul3A_1324 = arith.constant 1.250000e-01 : f32
      %mul3A_1325 = vector.broadcast %mul3A_1324 : f32 to vector<16xf32>
      %mul3A_1326 = arith.mulf %gather3A_1323, %mul3A_1325 : vector<16xf32>
      %sub3A_1327 = arith.subf %add3A_1065, %mul3A_1326 : vector<16xf32>
      %select_n3A_1328 = arith.select %lt3A_4, %sub3A_1327, %broadcast_in_dim3A_5 : vector<16xi1>, vector<16xf32>
      %mul3A_1329 = arith.mulf %select_n3A_1328, %select_n3A_1328 : vector<16xf32>
      %add3A_1330 = arith.constant 8 : i32
      %add3A_1331 = vector.broadcast %add3A_1330 : i32 to vector<16xi32>
      %add3A_1332 = arith.addi %iota3A, %add3A_1331 : vector<16xi32>
      %and3A_1333 = arith.constant 15 : i32
      %and3A_1334 = vector.broadcast %and3A_1333 : i32 to vector<16xi32>
      %and3A_1335 = arith.andi %add3A_1332, %and3A_1334 : vector<16xi32>
      %lt3A_1336 = arith.constant 0 : i32
      %lt3A_1337 = vector.broadcast %lt3A_1336 : i32 to vector<16xi32>
      %lt3A_1338 = arith.cmpi slt, %and3A_1335, %lt3A_1337 : vector<16xi32>
      %add3A_1339 = arith.constant 16 : i32
      %add3A_1340 = vector.broadcast %add3A_1339 : i32 to vector<16xi32>
      %add3A_1341 = arith.addi %and3A_1335, %add3A_1340 : vector<16xi32>
      %select_n3A_1342 = arith.select %lt3A_1338, %add3A_1341, %and3A_1335 : vector<16xi1>, vector<16xi32>
      %broadcast_in_dim3A_1343 = vector.shape_cast %select_n3A_1342 : vector<16xi32> to vector<16x1xi32>
      %gather3A_1344 = vector.shape_cast %broadcast_in_dim3A_1343 : vector<16x1xi32> to vector<16xi32>
      %gather3A_1345 = tpu.dynamic_gather %mul3A_1329[%gather3A_1344] in [0] : vector<16xf32>, vector<16xi32> -> vector<16xf32>
      %add3A_1346 = arith.addf %mul3A_1329, %gather3A_1345 : vector<16xf32>
      %add3A_1347 = arith.constant 4 : i32
      %add3A_1348 = vector.broadcast %add3A_1347 : i32 to vector<16xi32>
      %add3A_1349 = arith.addi %iota3A, %add3A_1348 : vector<16xi32>
      %and3A_1350 = arith.constant 15 : i32
      %and3A_1351 = vector.broadcast %and3A_1350 : i32 to vector<16xi32>
      %and3A_1352 = arith.andi %add3A_1349, %and3A_1351 : vector<16xi32>
      %lt3A_1353 = arith.constant 0 : i32
      %lt3A_1354 = vector.broadcast %lt3A_1353 : i32 to vector<16xi32>
      %lt3A_1355 = arith.cmpi slt, %and3A_1352, %lt3A_1354 : vector<16xi32>
      %add3A_1356 = arith.constant 16 : i32
      %add3A_1357 = vector.broadcast %add3A_1356 : i32 to vector<16xi32>
      %add3A_1358 = arith.addi %and3A_1352, %add3A_1357 : vector<16xi32>
      %select_n3A_1359 = arith.select %lt3A_1355, %add3A_1358, %and3A_1352 : vector<16xi1>, vector<16xi32>
      %broadcast_in_dim3A_1360 = vector.shape_cast %select_n3A_1359 : vector<16xi32> to vector<16x1xi32>
      %gather3A_1361 = vector.shape_cast %broadcast_in_dim3A_1360 : vector<16x1xi32> to vector<16xi32>
      %gather3A_1362 = tpu.dynamic_gather %add3A_1346[%gather3A_1361] in [0] : vector<16xf32>, vector<16xi32> -> vector<16xf32>
      %add3A_1363 = arith.addf %add3A_1346, %gather3A_1362 : vector<16xf32>
      %add3A_1364 = arith.constant 2 : i32
      %add3A_1365 = vector.broadcast %add3A_1364 : i32 to vector<16xi32>
      %add3A_1366 = arith.addi %iota3A, %add3A_1365 : vector<16xi32>
      %and3A_1367 = arith.constant 15 : i32
      %and3A_1368 = vector.broadcast %and3A_1367 : i32 to vector<16xi32>
      %and3A_1369 = arith.andi %add3A_1366, %and3A_1368 : vector<16xi32>
      %lt3A_1370 = arith.constant 0 : i32
      %lt3A_1371 = vector.broadcast %lt3A_1370 : i32 to vector<16xi32>
      %lt3A_1372 = arith.cmpi slt, %and3A_1369, %lt3A_1371 : vector<16xi32>
      %add3A_1373 = arith.constant 16 : i32
      %add3A_1374 = vector.broadcast %add3A_1373 : i32 to vector<16xi32>
      %add3A_1375 = arith.addi %and3A_1369, %add3A_1374 : vector<16xi32>
      %select_n3A_1376 = arith.select %lt3A_1372, %add3A_1375, %and3A_1369 : vector<16xi1>, vector<16xi32>
      %broadcast_in_dim3A_1377 = vector.shape_cast %select_n3A_1376 : vector<16xi32> to vector<16x1xi32>
      %gather3A_1378 = vector.shape_cast %broadcast_in_dim3A_1377 : vector<16x1xi32> to vector<16xi32>
      %gather3A_1379 = tpu.dynamic_gather %add3A_1363[%gather3A_1378] in [0] : vector<16xf32>, vector<16xi32> -> vector<16xf32>
      %add3A_1380 = arith.addf %add3A_1363, %gather3A_1379 : vector<16xf32>
      %add3A_1381 = arith.constant 1 : i32
      %add3A_1382 = vector.broadcast %add3A_1381 : i32 to vector<16xi32>
      %add3A_1383 = arith.addi %iota3A, %add3A_1382 : vector<16xi32>
      %and3A_1384 = arith.constant 15 : i32
      %and3A_1385 = vector.broadcast %and3A_1384 : i32 to vector<16xi32>
      %and3A_1386 = arith.andi %add3A_1383, %and3A_1385 : vector<16xi32>
      %lt3A_1387 = arith.constant 0 : i32
      %lt3A_1388 = vector.broadcast %lt3A_1387 : i32 to vector<16xi32>
      %lt3A_1389 = arith.cmpi slt, %and3A_1386, %lt3A_1388 : vector<16xi32>
      %add3A_1390 = arith.constant 16 : i32
      %add3A_1391 = vector.broadcast %add3A_1390 : i32 to vector<16xi32>
      %add3A_1392 = arith.addi %and3A_1386, %add3A_1391 : vector<16xi32>
      %select_n3A_1393 = arith.select %lt3A_1389, %add3A_1392, %and3A_1386 : vector<16xi1>, vector<16xi32>
      %broadcast_in_dim3A_1394 = vector.shape_cast %select_n3A_1393 : vector<16xi32> to vector<16x1xi32>
      %gather3A_1395 = vector.shape_cast %broadcast_in_dim3A_1394 : vector<16x1xi32> to vector<16xi32>
      %gather3A_1396 = tpu.dynamic_gather %add3A_1380[%gather3A_1395] in [0] : vector<16xf32>, vector<16xi32> -> vector<16xf32>
      %add3A_1397 = arith.addf %add3A_1380, %gather3A_1396 : vector<16xf32>
      %mul3A_1398 = arith.constant 0 : i32
      %mul3A_1399 = vector.broadcast %mul3A_1398 : i32 to vector<16xi32>
      %mul3A_1400 = arith.muli %iota3A, %mul3A_1399 : vector<16xi32>
      %lt3A_1401 = arith.constant 0 : i32
      %lt3A_1402 = vector.broadcast %lt3A_1401 : i32 to vector<16xi32>
      %lt3A_1403 = arith.cmpi slt, %mul3A_1400, %lt3A_1402 : vector<16xi32>
      %add3A_1404 = arith.constant 16 : i32
      %add3A_1405 = vector.broadcast %add3A_1404 : i32 to vector<16xi32>
      %add3A_1406 = arith.addi %mul3A_1400, %add3A_1405 : vector<16xi32>
      %select_n3A_1407 = arith.select %lt3A_1403, %add3A_1406, %mul3A_1400 : vector<16xi1>, vector<16xi32>
      %broadcast_in_dim3A_1408 = vector.shape_cast %select_n3A_1407 : vector<16xi32> to vector<16x1xi32>
      %gather3A_1409 = vector.shape_cast %broadcast_in_dim3A_1408 : vector<16x1xi32> to vector<16xi32>
      %gather3A_1410 = tpu.dynamic_gather %add3A_1397[%gather3A_1409] in [0] : vector<16xf32>, vector<16xi32> -> vector<16xf32>
      %mul3A_1411 = arith.constant 1.250000e-01 : f32
      %mul3A_1412 = vector.broadcast %mul3A_1411 : f32 to vector<16xf32>
      %mul3A_1413 = arith.mulf %gather3A_1410, %mul3A_1412 : vector<16xf32>
      %mul3A_1414 = arith.mulf %mul3A_1326, %mul3A_1326 : vector<16xf32>
      %add3A_1415 = arith.constant 1.000000e-10 : f32
      %add3A_1416 = vector.broadcast %add3A_1415 : f32 to vector<16xf32>
      %add3A_1417 = arith.addf %mul3A_1414, %add3A_1416 : vector<16xf32>
      %div3A_1418 = arith.divf %mul3A_1413, %add3A_1417 : vector<16xf32>
      %add3A_1419 = arith.addf %add3A_1242, %div3A_1418 : vector<16xf32>
      %mul3A_1420 = arith.constant 0.00999999977 : f32
      %mul3A_1421 = vector.broadcast %mul3A_1420 : f32 to vector<16xf32>
      %mul3A_1422 = arith.mulf %add3A_1419, %mul3A_1421 : vector<16xf32>
      %swap3A = arith.constant 0 : index
      %swap3A_1423 = tpu.vector_load %arg5[%swap3A] {strides = array<i32>} : memref<16xf32, #tpu.memory_space<vmem>>, vector<16xf32>,
      %swap3A_1424 = vector.shape_cast %swap3A_1423 : vector<16xf32> to vector<16xf32>
      %swap3A_1425 = vector.shape_cast %mul3A_1422 : vector<16xf32> to vector<16xf32>
      tpu.vector_store %arg5[%swap3A], %swap3A_1425 {strides = array<i32>} : memref<16xf32, #tpu.memory_space<vmem>>, vector<16xf32>,
      "tpu.region"() ({
        %run_scoped3A = tpu.sem_alloc : memref<!tpu.dma_semaphore, #tpu.memory_space<semaphore_mem>>
        tpu.enqueue_dma source(%arg5 : memref<16xf32, #tpu.memory_space<vmem>>) target(%arg3 : memref<16xf32, #tpu.memory_space<hbm>>) target_semaphore(%run_scoped3A : memref<!tpu.dma_semaphore, #tpu.memory_space<semaphore_mem>>)
        tpu.wait_dma2 semaphore(%run_scoped3A : memref<!tpu.dma_semaphore, #tpu.memory_space<semaphore_mem>>) src(%arg5 : memref<16xf32, #tpu.memory_space<vmem>>) dst(%arg3 : memref<16xf32, #tpu.memory_space<hbm>>)
        tpu.yield
      }) : () -> ()
    } else {
    }
    return
  }
}

module attributes {stable_mosaic.version = 14 : i64} {
  func.func @_main_body(%arg0: i32, %arg1: memref<1x328x96xf32, #tpu.memory_space<vmem>>, %arg2: memref<3x8x96xf32, #tpu.memory_space<vmem>>, %arg3: memref<3x16x512xf32, #tpu.memory_space<vmem>>, %arg4: memref<3x512x16xf32, #tpu.memory_space<vmem>>, %arg5: memref<12x128x96xf32, #tpu.memory_space<vmem>>, %arg6: memref<1x16xf32, #tpu.memory_space<vmem>>, %arg7: memref<1x328x96xf32, #tpu.memory_space<vmem>>, %arg8: memref<1x8x8xf32, #tpu.memory_space<vmem>>) attributes {dimension_semantics = [#tpu.dimension_semantics<arbitrary>], iteration_bounds = array<i64: 8>, scalar_prefetch = 0 : i64, scratch_operands = 0 : i64, tpu.core_type = #tpu.core_type<tc>, window_params = [{transform_indices = @transform_0, window_bounds = array<i64: 1, 328, 96>}, {pipeline_mode = #tpu.pipeline_mode<synchronous>, transform_indices = @transform_1, window_bounds = array<i64: 3, 8, 96>}, {pipeline_mode = #tpu.pipeline_mode<synchronous>, transform_indices = @transform_2, window_bounds = array<i64: 3, 16, 512>}, {pipeline_mode = #tpu.pipeline_mode<synchronous>, transform_indices = @transform_3, window_bounds = array<i64: 3, 512, 16>}, {pipeline_mode = #tpu.pipeline_mode<synchronous>, transform_indices = @transform_4, window_bounds = array<i64: 12, 128, 96>}, {pipeline_mode = #tpu.pipeline_mode<synchronous>, transform_indices = @transform_5, window_bounds = array<i64: 1, 16>}, {transform_indices = @transform_6, window_bounds = array<i64: 1, 328, 96>}, {transform_indices = @transform_7, window_bounds = array<i64: 1, 8, 8>}]} {
    %get3A = arith.constant 0 : index
    %get3A_0 = arith.constant 0 : index
    %get3A_1 = arith.constant 0 : index
    %get3A_2 = vector.load %arg1[%get3A, %get3A_0, %get3A_1] : memref<1x328x96xf32, #tpu.memory_space<vmem>>, vector<1x328x96xf32>
    %get3A_3 = vector.shape_cast %get3A_2 : vector<1x328x96xf32> to vector<328x96xf32>
    %reduce_sum3A = arith.constant dense<0.000000e+00> : vector<328xf32>
    %reduce_sum3A_4 = vector.multi_reduction <add>, %get3A_3, %reduce_sum3A [1] : vector<328x96xf32> to vector<328xf32>
    %broadcast_in_dim3A = vector.shape_cast %reduce_sum3A_4 : vector<328xf32> to vector<328x1xf32>
    %mul3A = arith.constant 0.010416667 : f32
    %mul3A_5 = vector.broadcast %mul3A : f32 to vector<328x1xf32>
    %mul3A_6 = arith.mulf %broadcast_in_dim3A, %mul3A_5 : vector<328x1xf32>
    %sub3A = vector.broadcast %mul3A_6 : vector<328x1xf32> to vector<328x96xf32>
    %sub3A_7 = arith.subf %get3A_3, %sub3A : vector<328x96xf32>
    %integer_pow3A = arith.mulf %sub3A_7, %sub3A_7 : vector<328x96xf32>
    %reduce_sum3A_8 = arith.constant dense<0.000000e+00> : vector<328xf32>
    %reduce_sum3A_9 = vector.multi_reduction <add>, %integer_pow3A, %reduce_sum3A_8 [1] : vector<328x96xf32> to vector<328xf32>
    %broadcast_in_dim3A_10 = vector.shape_cast %reduce_sum3A_9 : vector<328xf32> to vector<328x1xf32>
    %mul3A_11 = arith.constant 0.010416667 : f32
    %mul3A_12 = vector.broadcast %mul3A_11 : f32 to vector<328x1xf32>
    %mul3A_13 = arith.mulf %broadcast_in_dim3A_10, %mul3A_12 : vector<328x1xf32>
    %add3A = arith.constant 9.99999974E-6 : f32
    %add3A_14 = vector.broadcast %add3A : f32 to vector<328x1xf32>
    %add3A_15 = arith.addf %mul3A_13, %add3A_14 : vector<328x1xf32>
    %sqrt3A = math.sqrt %add3A_15 : vector<328x1xf32>
    %sub3A_16 = vector.broadcast %mul3A_6 : vector<328x1xf32> to vector<328x96xf32>
    %sub3A_17 = arith.subf %get3A_3, %sub3A_16 : vector<328x96xf32>
    %div3A = vector.broadcast %sqrt3A : vector<328x1xf32> to vector<328x96xf32>
    %div3A_18 = arith.divf %sub3A_17, %div3A : vector<328x96xf32>
    %get3A_19 = arith.constant 0 : index
    %get3A_20 = arith.constant 0 : index
    %get3A_21 = vector.load %arg6[%get3A_19, %get3A_20] : memref<1x16xf32, #tpu.memory_space<vmem>>, vector<1x16xf32>
    %reshape3A = vector.shape_cast %get3A_21 : vector<1x16xf32> to vector<1x1x16xf32>
    %broadcast_in_dim3A_22 = vector.shape_cast %div3A_18 : vector<328x96xf32> to vector<328x96x1xf32>
    %mul3A_23 = vector.broadcast %broadcast_in_dim3A_22 : vector<328x96x1xf32> to vector<328x96x16xf32>
    %mul3A_24 = vector.broadcast %reshape3A : vector<1x1x16xf32> to vector<328x96x16xf32>
    %mul3A_25 = arith.mulf %mul3A_23, %mul3A_24 : vector<328x96x16xf32>
    %reshape3A_26 = vector.shape_cast %mul3A_25 : vector<328x96x16xf32> to vector<31488x16xf32>
    %iota3A = tpu.iota {dimensions = array<i32: 0>} : vector<512x128xi32>
    %iota3A_27 = tpu.iota {dimensions = array<i32: 1>} : vector<512x128xi32>
    %iota3A_28 = tpu.iota {dimensions = array<i32: 0>} : vector<128x512xi32>
    %iota3A_29 = tpu.iota {dimensions = array<i32: 1>} : vector<128x512xi32>
    %iota3A_30 = tpu.iota {dimensions = array<i32: 0>} : vector<8x1xi32>
    %iota3A_31 = tpu.iota {dimensions = array<i32: 1>} : vector<1x8xi32>
    %reshape3A_32 = vector.shape_cast %reshape3A_26 : vector<31488x16xf32> to vector<328x96x16xf32>
    %reduce_sum3A_33 = arith.constant dense<0.000000e+00> : vector<96x16xf32>
    %reduce_sum3A_34 = vector.multi_reduction <add>, %reshape3A_32, %reduce_sum3A_33 [0] : vector<328x96x16xf32> to vector<96x16xf32>
    %reduce_sum3A_35 = arith.constant dense<0.000000e+00> : vector<96xf32>
    %reduce_sum3A_36 = vector.multi_reduction <add>, %reduce_sum3A_34, %reduce_sum3A_35 [1] : vector<96x16xf32> to vector<96xf32>
    %broadcast_in_dim3A_37 = vector.shape_cast %reduce_sum3A_36 : vector<96xf32> to vector<96x1xf32>
    %get3A_38 = arith.constant 0 : index
    %get3A_39 = arith.constant 0 : index
    %get3A_40 = arith.constant 0 : index
    %get3A_41 = vector.load %arg2[%get3A_38, %get3A_39, %get3A_40] : memref<3x8x96xf32, #tpu.memory_space<vmem>>, vector<1x8x96xf32>
    %get3A_42 = vector.shape_cast %get3A_41 : vector<1x8x96xf32> to vector<8x96xf32>
    %dot_general3A = arith.constant dense<0.000000e+00> : vector<8x1xf32>
    %dot_general3A_43 = tpu.matmul %get3A_42, %broadcast_in_dim3A_37, %dot_general3A {dimension_numbers = #tpu.dot_dimension_numbers<[1], [0], [0], [1], [0, 0, 1, 1], [], []>, precision = #tpu.contract_precision<fp32>, transpose_lhs_hint = false} : vector<8x96xf32>, vector<96x1xf32>, vector<8x1xf32> -> vector<8x1xf32>
    %reduce_max3A = arith.constant dense<0xFF800000> : vector<1xf32>
    %reduce_max3A_44 = vector.multi_reduction <maximumf>, %dot_general3A_43, %reduce_max3A [0] : vector<8x1xf32> to vector<1xf32>
    %broadcast_in_dim3A_45 = vector.shape_cast %reduce_max3A_44 : vector<1xf32> to vector<1x1xf32>
    %eq3A = vector.broadcast %broadcast_in_dim3A_45 : vector<1x1xf32> to vector<8x1xf32>
    %eq3A_46 = arith.cmpf oeq, %dot_general3A_43, %eq3A : vector<8x1xf32>
    %jit3A = arith.constant 8 : i32
    %broadcast_in_dim3A_47 = vector.broadcast %jit3A : i32 to vector<8x1xi32>
    %select_n3A = arith.select %eq3A_46, %iota3A_30, %broadcast_in_dim3A_47 : vector<8x1xi1>, vector<8x1xi32>
    %reduce_min3A = arith.constant dense<2147483647> : vector<1xi32>
    %reduce_min3A_48 = vector.multi_reduction <minsi>, %select_n3A, %reduce_min3A [0] : vector<8x1xi32> to vector<1xi32>
    %broadcast_in_dim3A_49 = vector.shape_cast %reduce_min3A_48 : vector<1xi32> to vector<1x1xi32>
    %eq3A_50 = vector.broadcast %broadcast_in_dim3A_49 : vector<1x1xi32> to vector<8x1xi32>
    %eq3A_51 = arith.cmpi eq, %iota3A_30, %eq3A_50 : vector<8x1xi32>
    %jit3A_52 = arith.constant -1.000000e+30 : f32
    %broadcast_in_dim3A_53 = vector.broadcast %jit3A_52 : f32 to vector<8x1xf32>
    %select_n3A_54 = arith.select %eq3A_51, %broadcast_in_dim3A_53, %dot_general3A_43 : vector<8x1xi1>, vector<8x1xf32>
    %reduce_max3A_55 = arith.constant dense<0xFF800000> : vector<1xf32>
    %reduce_max3A_56 = vector.multi_reduction <maximumf>, %select_n3A_54, %reduce_max3A_55 [0] : vector<8x1xf32> to vector<1xf32>
    %broadcast_in_dim3A_57 = vector.shape_cast %reduce_max3A_56 : vector<1xf32> to vector<1x1xf32>
    %eq3A_58 = vector.broadcast %broadcast_in_dim3A_57 : vector<1x1xf32> to vector<8x1xf32>
    %eq3A_59 = arith.cmpf oeq, %select_n3A_54, %eq3A_58 : vector<8x1xf32>
    %jit3A_60 = arith.constant 8 : i32
    %broadcast_in_dim3A_61 = vector.broadcast %jit3A_60 : i32 to vector<8x1xi32>
    %select_n3A_62 = arith.select %eq3A_59, %iota3A_30, %broadcast_in_dim3A_61 : vector<8x1xi1>, vector<8x1xi32>
    %reduce_min3A_63 = arith.constant dense<2147483647> : vector<1xi32>
    %reduce_min3A_64 = vector.multi_reduction <minsi>, %select_n3A_62, %reduce_min3A_63 [0] : vector<8x1xi32> to vector<1xi32>
    %broadcast_in_dim3A_65 = vector.shape_cast %reduce_min3A_64 : vector<1xi32> to vector<1x1xi32>
    %sub3A_66 = arith.subf %broadcast_in_dim3A_57, %broadcast_in_dim3A_45 : vector<1x1xf32>
    %exp3A = math.exp %sub3A_66 : vector<1x1xf32>
    %add3A_67 = arith.constant 1.000000e+00 : f32
    %add3A_68 = vector.broadcast %add3A_67 : f32 to vector<1x1xf32>
    %add3A_69 = arith.addf %add3A_68, %exp3A : vector<1x1xf32>
    %div3A_70 = arith.constant 1.000000e+00 : f32
    %div3A_71 = vector.broadcast %div3A_70 : f32 to vector<1x1xf32>
    %div3A_72 = arith.divf %div3A_71, %add3A_69 : vector<1x1xf32>
    %sub3A_73 = arith.constant 1.000000e+00 : f32
    %sub3A_74 = vector.broadcast %sub3A_73 : f32 to vector<1x1xf32>
    %sub3A_75 = arith.subf %sub3A_74, %div3A_72 : vector<1x1xf32>
    %eq3A_76 = vector.broadcast %broadcast_in_dim3A_49 : vector<1x1xi32> to vector<1x8xi32>
    %eq3A_77 = arith.cmpi eq, %iota3A_31, %eq3A_76 : vector<1x8xi32>
    %jit3A_78 = arith.constant 0.000000e+00 : f32
    %broadcast_in_dim3A_79 = vector.shape_cast %div3A_72 : vector<1x1xf32> to vector<1x1xf32>
    %broadcast_in_dim3A_80 = vector.broadcast %broadcast_in_dim3A_79 : vector<1x1xf32> to vector<1x8xf32>
    %broadcast_in_dim3A_81 = vector.broadcast %jit3A_78 : f32 to vector<1x8xf32>
    %select_n3A_82 = arith.select %eq3A_77, %broadcast_in_dim3A_80, %broadcast_in_dim3A_81 : vector<1x8xi1>, vector<1x8xf32>
    %eq3A_83 = vector.broadcast %broadcast_in_dim3A_65 : vector<1x1xi32> to vector<1x8xi32>
    %eq3A_84 = arith.cmpi eq, %iota3A_31, %eq3A_83 : vector<1x8xi32>
    %jit3A_85 = arith.constant 0.000000e+00 : f32
    %broadcast_in_dim3A_86 = vector.shape_cast %sub3A_75 : vector<1x1xf32> to vector<1x1xf32>
    %broadcast_in_dim3A_87 = vector.broadcast %broadcast_in_dim3A_86 : vector<1x1xf32> to vector<1x8xf32>
    %broadcast_in_dim3A_88 = vector.broadcast %jit3A_85 : f32 to vector<1x8xf32>
    %select_n3A_89 = arith.select %eq3A_84, %broadcast_in_dim3A_87, %broadcast_in_dim3A_88 : vector<1x8xi1>, vector<1x8xf32>
    %add3A_90 = arith.addf %select_n3A_82, %select_n3A_89 : vector<1x8xf32>
    %lt3A = arith.constant 64 : i32
    %lt3A_91 = vector.broadcast %lt3A : i32 to vector<512x128xi32>
    %lt3A_92 = arith.cmpi slt, %iota3A_27, %lt3A_91 : vector<512x128xi32>
    %broadcast_in_dim3A_93 = vector.shape_cast %broadcast_in_dim3A_49 : vector<1x1xi32> to vector<1x1xi32>
    %broadcast_in_dim3A_94 = vector.broadcast %broadcast_in_dim3A_93 : vector<1x1xi32> to vector<512x128xi32>
    %broadcast_in_dim3A_95 = vector.shape_cast %broadcast_in_dim3A_65 : vector<1x1xi32> to vector<1x1xi32>
    %broadcast_in_dim3A_96 = vector.broadcast %broadcast_in_dim3A_95 : vector<1x1xi32> to vector<512x128xi32>
    %select_n3A_97 = arith.select %lt3A_92, %broadcast_in_dim3A_94, %broadcast_in_dim3A_96 : vector<512x128xi1>, vector<512x128xi32>
    %jit3A_98 = arith.constant 64 : i32
    %div3A_99 = vector.broadcast %jit3A_98 : i32 to vector<512x128xi32>
    %div3A_100 = arith.divsi %iota3A, %div3A_99 : vector<512x128xi32>
    %sign3A = arith.constant 0 : i32
    %sign3A_101 = vector.broadcast %sign3A : i32 to vector<512x128xi32>
    %sign3A_102 = arith.cmpi sgt, %iota3A, %sign3A_101 : vector<512x128xi32>
    %sign3A_103 = arith.extui %sign3A_102 : vector<512x128xi1> to vector<512x128xi32>
    %sign3A_104 = arith.constant 0 : i32
    %sign3A_105 = vector.broadcast %sign3A_104 : i32 to vector<512x128xi32>
    %sign3A_106 = arith.cmpi slt, %iota3A, %sign3A_105 : vector<512x128xi32>
    %sign3A_107 = arith.extui %sign3A_106 : vector<512x128xi1> to vector<512x128xi32>
    %sign3A_108 = arith.subi %sign3A_103, %sign3A_107 : vector<512x128xi32>
    %sign3A_109 = arith.constant 0 : i32
    %sign3A_110 = arith.cmpi sgt, %jit3A_98, %sign3A_109 : i32
    %sign3A_111 = arith.extui %sign3A_110 : i1 to i32
    %sign3A_112 = arith.constant 0 : i32
    %sign3A_113 = arith.cmpi slt, %jit3A_98, %sign3A_112 : i32
    %sign3A_114 = arith.extui %sign3A_113 : i1 to i32
    %sign3A_115 = arith.subi %sign3A_111, %sign3A_114 : i32
    %ne3A = vector.broadcast %sign3A_115 : i32 to vector<512x128xi32>
    %ne3A_116 = arith.cmpi ne, %sign3A_108, %ne3A : vector<512x128xi32>
    %rem3A = vector.broadcast %jit3A_98 : i32 to vector<512x128xi32>
    %rem3A_117 = arith.remsi %iota3A, %rem3A : vector<512x128xi32>
    %ne3A_118 = arith.constant 0 : i32
    %ne3A_119 = vector.broadcast %ne3A_118 : i32 to vector<512x128xi32>
    %ne3A_120 = arith.cmpi ne, %rem3A_117, %ne3A_119 : vector<512x128xi32>
    %and3A = arith.andi %ne3A_116, %ne3A_120 : vector<512x128xi1>
    %sub3A_121 = arith.constant 1 : i32
    %sub3A_122 = vector.broadcast %sub3A_121 : i32 to vector<512x128xi32>
    %sub3A_123 = arith.subi %div3A_100, %sub3A_122 : vector<512x128xi32>
    %select_n3A_124 = arith.select %and3A, %sub3A_123, %div3A_100 : vector<512x128xi1>, vector<512x128xi32>
    %eq3A_125 = arith.cmpi eq, %select_n3A_124, %select_n3A_97 : vector<512x128xi32>
    %jit3A_126 = arith.constant 64 : i32
    %eq3A_127 = arith.constant 0 : i32
    %eq3A_128 = arith.cmpi eq, %jit3A_126, %eq3A_127 : i32
    %jit3A_129 = arith.constant 1 : i32
    %select_n3A_130 = arith.select %eq3A_128, %jit3A_129, %jit3A_126 : i32
    %rem3A_131 = vector.broadcast %select_n3A_130 : i32 to vector<512x128xi32>
    %rem3A_132 = arith.remsi %iota3A, %rem3A_131 : vector<512x128xi32>
    %ne3A_133 = arith.constant 0 : i32
    %ne3A_134 = vector.broadcast %ne3A_133 : i32 to vector<512x128xi32>
    %ne3A_135 = arith.cmpi ne, %rem3A_132, %ne3A_134 : vector<512x128xi32>
    %lt3A_136 = arith.constant 0 : i32
    %lt3A_137 = vector.broadcast %lt3A_136 : i32 to vector<512x128xi32>
    %lt3A_138 = arith.cmpi slt, %rem3A_132, %lt3A_137 : vector<512x128xi32>
    %lt3A_139 = arith.constant 0 : i32
    %lt3A_140 = arith.cmpi slt, %select_n3A_130, %lt3A_139 : i32
    %ne3A_141 = vector.broadcast %lt3A_140 : i1 to vector<512x128xi1>
    %ne3A_142 = vector.broadcast %ne3A_141 : vector<512x128xi1> to vector<512x128xi1>
    %ne3A_143 = arith.xori %lt3A_138, %ne3A_142 : vector<512x128xi1>
    %and3A_144 = arith.andi %ne3A_143, %ne3A_135 : vector<512x128xi1>
    %add3A_145 = vector.broadcast %select_n3A_130 : i32 to vector<512x128xi32>
    %add3A_146 = arith.addi %rem3A_132, %add3A_145 : vector<512x128xi32>
    %select_n3A_147 = arith.select %and3A_144, %add3A_146, %rem3A_132 : vector<512x128xi1>, vector<512x128xi32>
    %jit3A_148 = arith.constant 64 : i32
    %eq3A_149 = arith.constant 0 : i32
    %eq3A_150 = arith.cmpi eq, %jit3A_148, %eq3A_149 : i32
    %jit3A_151 = arith.constant 1 : i32
    %select_n3A_152 = arith.select %eq3A_150, %jit3A_151, %jit3A_148 : i32
    %rem3A_153 = vector.broadcast %select_n3A_152 : i32 to vector<512x128xi32>
    %rem3A_154 = arith.remsi %iota3A_27, %rem3A_153 : vector<512x128xi32>
    %ne3A_155 = arith.constant 0 : i32
    %ne3A_156 = vector.broadcast %ne3A_155 : i32 to vector<512x128xi32>
    %ne3A_157 = arith.cmpi ne, %rem3A_154, %ne3A_156 : vector<512x128xi32>
    %lt3A_158 = arith.constant 0 : i32
    %lt3A_159 = vector.broadcast %lt3A_158 : i32 to vector<512x128xi32>
    %lt3A_160 = arith.cmpi slt, %rem3A_154, %lt3A_159 : vector<512x128xi32>
    %lt3A_161 = arith.constant 0 : i32
    %lt3A_162 = arith.cmpi slt, %select_n3A_152, %lt3A_161 : i32
    %ne3A_163 = vector.broadcast %lt3A_162 : i1 to vector<512x128xi1>
    %ne3A_164 = vector.broadcast %ne3A_163 : vector<512x128xi1> to vector<512x128xi1>
    %ne3A_165 = arith.xori %lt3A_160, %ne3A_164 : vector<512x128xi1>
    %and3A_166 = arith.andi %ne3A_165, %ne3A_157 : vector<512x128xi1>
    %add3A_167 = vector.broadcast %select_n3A_152 : i32 to vector<512x128xi32>
    %add3A_168 = arith.addi %rem3A_154, %add3A_167 : vector<512x128xi32>
    %select_n3A_169 = arith.select %and3A_166, %add3A_168, %rem3A_154 : vector<512x128xi1>, vector<512x128xi32>
    %eq3A_170 = arith.cmpi eq, %select_n3A_147, %select_n3A_169 : vector<512x128xi32>
    %and3A_171 = arith.andi %eq3A_125, %eq3A_170 : vector<512x128xi1>
    %jit3A_172 = arith.constant 1.000000e+00 : f32
    %jit3A_173 = arith.constant 0.000000e+00 : f32
    %broadcast_in_dim3A_174 = vector.broadcast %jit3A_172 : f32 to vector<512x128xf32>
    %broadcast_in_dim3A_175 = vector.broadcast %jit3A_173 : f32 to vector<512x128xf32>
    %select_n3A_176 = arith.select %and3A_171, %broadcast_in_dim3A_174, %broadcast_in_dim3A_175 : vector<512x128xi1>, vector<512x128xf32>
    %get3A_177 = arith.constant 0 : index
    %get3A_178 = arith.constant 0 : index
    %get3A_179 = arith.constant 0 : index
    %get3A_180 = vector.load %arg3[%get3A_177, %get3A_178, %get3A_179] : memref<3x16x512xf32, #tpu.memory_space<vmem>>, vector<1x16x512xf32>
    %get3A_181 = vector.shape_cast %get3A_180 : vector<1x16x512xf32> to vector<16x512xf32>
    %dot_general3A_182 = arith.constant dense<0.000000e+00> : vector<16x128xf32>
    %dot_general3A_183 = tpu.matmul %get3A_181, %select_n3A_176, %dot_general3A_182 {dimension_numbers = #tpu.dot_dimension_numbers<[1], [0], [0], [1], [0, 0, 1, 1], [], []>, transpose_lhs_hint = false} : vector<16x512xf32>, vector<512x128xf32>, vector<16x128xf32> -> vector<16x128xf32>
    %lt3A_184 = arith.constant 64 : i32
    %lt3A_185 = vector.broadcast %lt3A_184 : i32 to vector<128x512xi32>
    %lt3A_186 = arith.cmpi slt, %iota3A_28, %lt3A_185 : vector<128x512xi32>
    %broadcast_in_dim3A_187 = vector.shape_cast %broadcast_in_dim3A_49 : vector<1x1xi32> to vector<1x1xi32>
    %broadcast_in_dim3A_188 = vector.broadcast %broadcast_in_dim3A_187 : vector<1x1xi32> to vector<128x512xi32>
    %broadcast_in_dim3A_189 = vector.shape_cast %broadcast_in_dim3A_65 : vector<1x1xi32> to vector<1x1xi32>
    %broadcast_in_dim3A_190 = vector.broadcast %broadcast_in_dim3A_189 : vector<1x1xi32> to vector<128x512xi32>
    %select_n3A_191 = arith.select %lt3A_186, %broadcast_in_dim3A_188, %broadcast_in_dim3A_190 : vector<128x512xi1>, vector<128x512xi32>
    %lt3A_192 = arith.constant 64 : i32
    %lt3A_193 = vector.broadcast %lt3A_192 : i32 to vector<128x512xi32>
    %lt3A_194 = arith.cmpi slt, %iota3A_28, %lt3A_193 : vector<128x512xi32>
    %broadcast_in_dim3A_195 = vector.shape_cast %div3A_72 : vector<1x1xf32> to vector<1x1xf32>
    %broadcast_in_dim3A_196 = vector.broadcast %broadcast_in_dim3A_195 : vector<1x1xf32> to vector<128x512xf32>
    %broadcast_in_dim3A_197 = vector.shape_cast %sub3A_75 : vector<1x1xf32> to vector<1x1xf32>
    %broadcast_in_dim3A_198 = vector.broadcast %broadcast_in_dim3A_197 : vector<1x1xf32> to vector<128x512xf32>
    %select_n3A_199 = arith.select %lt3A_194, %broadcast_in_dim3A_196, %broadcast_in_dim3A_198 : vector<128x512xi1>, vector<128x512xf32>
    %jit3A_200 = arith.constant 64 : i32
    %div3A_201 = vector.broadcast %jit3A_200 : i32 to vector<128x512xi32>
    %div3A_202 = arith.divsi %iota3A_29, %div3A_201 : vector<128x512xi32>
    %sign3A_203 = arith.constant 0 : i32
    %sign3A_204 = vector.broadcast %sign3A_203 : i32 to vector<128x512xi32>
    %sign3A_205 = arith.cmpi sgt, %iota3A_29, %sign3A_204 : vector<128x512xi32>
    %sign3A_206 = arith.extui %sign3A_205 : vector<128x512xi1> to vector<128x512xi32>
    %sign3A_207 = arith.constant 0 : i32
    %sign3A_208 = vector.broadcast %sign3A_207 : i32 to vector<128x512xi32>
    %sign3A_209 = arith.cmpi slt, %iota3A_29, %sign3A_208 : vector<128x512xi32>
    %sign3A_210 = arith.extui %sign3A_209 : vector<128x512xi1> to vector<128x512xi32>
    %sign3A_211 = arith.subi %sign3A_206, %sign3A_210 : vector<128x512xi32>
    %sign3A_212 = arith.constant 0 : i32
    %sign3A_213 = arith.cmpi sgt, %jit3A_200, %sign3A_212 : i32
    %sign3A_214 = arith.extui %sign3A_213 : i1 to i32
    %sign3A_215 = arith.constant 0 : i32
    %sign3A_216 = arith.cmpi slt, %jit3A_200, %sign3A_215 : i32
    %sign3A_217 = arith.extui %sign3A_216 : i1 to i32
    %sign3A_218 = arith.subi %sign3A_214, %sign3A_217 : i32
    %ne3A_219 = vector.broadcast %sign3A_218 : i32 to vector<128x512xi32>
    %ne3A_220 = arith.cmpi ne, %sign3A_211, %ne3A_219 : vector<128x512xi32>
    %rem3A_221 = vector.broadcast %jit3A_200 : i32 to vector<128x512xi32>
    %rem3A_222 = arith.remsi %iota3A_29, %rem3A_221 : vector<128x512xi32>
    %ne3A_223 = arith.constant 0 : i32
    %ne3A_224 = vector.broadcast %ne3A_223 : i32 to vector<128x512xi32>
    %ne3A_225 = arith.cmpi ne, %rem3A_222, %ne3A_224 : vector<128x512xi32>
    %and3A_226 = arith.andi %ne3A_220, %ne3A_225 : vector<128x512xi1>
    %sub3A_227 = arith.constant 1 : i32
    %sub3A_228 = vector.broadcast %sub3A_227 : i32 to vector<128x512xi32>
    %sub3A_229 = arith.subi %div3A_202, %sub3A_228 : vector<128x512xi32>
    %select_n3A_230 = arith.select %and3A_226, %sub3A_229, %div3A_202 : vector<128x512xi1>, vector<128x512xi32>
    %eq3A_231 = arith.cmpi eq, %select_n3A_230, %select_n3A_191 : vector<128x512xi32>
    %jit3A_232 = arith.constant 64 : i32
    %eq3A_233 = arith.constant 0 : i32
    %eq3A_234 = arith.cmpi eq, %jit3A_232, %eq3A_233 : i32
    %jit3A_235 = arith.constant 1 : i32
    %select_n3A_236 = arith.select %eq3A_234, %jit3A_235, %jit3A_232 : i32
    %rem3A_237 = vector.broadcast %select_n3A_236 : i32 to vector<128x512xi32>
    %rem3A_238 = arith.remsi %iota3A_29, %rem3A_237 : vector<128x512xi32>
    %ne3A_239 = arith.constant 0 : i32
    %ne3A_240 = vector.broadcast %ne3A_239 : i32 to vector<128x512xi32>
    %ne3A_241 = arith.cmpi ne, %rem3A_238, %ne3A_240 : vector<128x512xi32>
    %lt3A_242 = arith.constant 0 : i32
    %lt3A_243 = vector.broadcast %lt3A_242 : i32 to vector<128x512xi32>
    %lt3A_244 = arith.cmpi slt, %rem3A_238, %lt3A_243 : vector<128x512xi32>
    %lt3A_245 = arith.constant 0 : i32
    %lt3A_246 = arith.cmpi slt, %select_n3A_236, %lt3A_245 : i32
    %ne3A_247 = vector.broadcast %lt3A_246 : i1 to vector<128x512xi1>
    %ne3A_248 = vector.broadcast %ne3A_247 : vector<128x512xi1> to vector<128x512xi1>
    %ne3A_249 = arith.xori %lt3A_244, %ne3A_248 : vector<128x512xi1>
    %and3A_250 = arith.andi %ne3A_249, %ne3A_241 : vector<128x512xi1>
    %add3A_251 = vector.broadcast %select_n3A_236 : i32 to vector<128x512xi32>
    %add3A_252 = arith.addi %rem3A_238, %add3A_251 : vector<128x512xi32>
    %select_n3A_253 = arith.select %and3A_250, %add3A_252, %rem3A_238 : vector<128x512xi1>, vector<128x512xi32>
    %jit3A_254 = arith.constant 64 : i32
    %eq3A_255 = arith.constant 0 : i32
    %eq3A_256 = arith.cmpi eq, %jit3A_254, %eq3A_255 : i32
    %jit3A_257 = arith.constant 1 : i32
    %select_n3A_258 = arith.select %eq3A_256, %jit3A_257, %jit3A_254 : i32
    %rem3A_259 = vector.broadcast %select_n3A_258 : i32 to vector<128x512xi32>
    %rem3A_260 = arith.remsi %iota3A_28, %rem3A_259 : vector<128x512xi32>
    %ne3A_261 = arith.constant 0 : i32
    %ne3A_262 = vector.broadcast %ne3A_261 : i32 to vector<128x512xi32>
    %ne3A_263 = arith.cmpi ne, %rem3A_260, %ne3A_262 : vector<128x512xi32>
    %lt3A_264 = arith.constant 0 : i32
    %lt3A_265 = vector.broadcast %lt3A_264 : i32 to vector<128x512xi32>
    %lt3A_266 = arith.cmpi slt, %rem3A_260, %lt3A_265 : vector<128x512xi32>
    %lt3A_267 = arith.constant 0 : i32
    %lt3A_268 = arith.cmpi slt, %select_n3A_258, %lt3A_267 : i32
    %ne3A_269 = vector.broadcast %lt3A_268 : i1 to vector<128x512xi1>
    %ne3A_270 = vector.broadcast %ne3A_269 : vector<128x512xi1> to vector<128x512xi1>
    %ne3A_271 = arith.xori %lt3A_266, %ne3A_270 : vector<128x512xi1>
    %and3A_272 = arith.andi %ne3A_271, %ne3A_263 : vector<128x512xi1>
    %add3A_273 = vector.broadcast %select_n3A_258 : i32 to vector<128x512xi32>
    %add3A_274 = arith.addi %rem3A_260, %add3A_273 : vector<128x512xi32>
    %select_n3A_275 = arith.select %and3A_272, %add3A_274, %rem3A_260 : vector<128x512xi1>, vector<128x512xi32>
    %eq3A_276 = arith.cmpi eq, %select_n3A_253, %select_n3A_275 : vector<128x512xi32>
    %and3A_277 = arith.andi %eq3A_231, %eq3A_276 : vector<128x512xi1>
    %jit3A_278 = arith.constant 0.000000e+00 : f32
    %broadcast_in_dim3A_279 = vector.broadcast %jit3A_278 : f32 to vector<128x512xf32>
    %select_n3A_280 = arith.select %and3A_277, %select_n3A_199, %broadcast_in_dim3A_279 : vector<128x512xi1>, vector<128x512xf32>
    %get3A_281 = arith.constant 0 : index
    %get3A_282 = arith.constant 0 : index
    %get3A_283 = arith.constant 0 : index
    %get3A_284 = vector.load %arg4[%get3A_281, %get3A_282, %get3A_283] : memref<3x512x16xf32, #tpu.memory_space<vmem>>, vector<1x512x16xf32>
    %get3A_285 = vector.shape_cast %get3A_284 : vector<1x512x16xf32> to vector<512x16xf32>
    %dot_general3A_286 = arith.constant dense<0.000000e+00> : vector<128x16xf32>
    %dot_general3A_287 = tpu.matmul %select_n3A_280, %get3A_285, %dot_general3A_286 {dimension_numbers = #tpu.dot_dimension_numbers<[1], [0], [0], [1], [0, 0, 1, 1], [], []>, transpose_lhs_hint = false} : vector<128x512xf32>, vector<512x16xf32>, vector<128x16xf32> -> vector<128x16xf32>
    %dot_general3A_288 = arith.constant dense<0.000000e+00> : vector<31488x128xf32>
    %dot_general3A_289 = tpu.matmul %reshape3A_26, %dot_general3A_183, %dot_general3A_288 {dimension_numbers = #tpu.dot_dimension_numbers<[1], [0], [0], [1], [0, 0, 1, 1], [], []>, transpose_lhs_hint = false} : vector<31488x16xf32>, vector<16x128xf32>, vector<31488x128xf32> -> vector<31488x128xf32>
    %max3A = arith.constant 0.000000e+00 : f32
    %max3A_290 = vector.broadcast %max3A : f32 to vector<31488x128xf32>
    %max3A_291 = arith.maximumf %dot_general3A_289, %max3A_290 : vector<31488x128xf32>
    %dot_general3A_292 = arith.constant dense<0.000000e+00> : vector<31488x16xf32>
    %dot_general3A_293 = tpu.matmul %max3A_291, %dot_general3A_287, %dot_general3A_292 {dimension_numbers = #tpu.dot_dimension_numbers<[1], [0], [0], [1], [0, 0, 1, 1], [], []>, transpose_lhs_hint = false} : vector<31488x128xf32>, vector<128x16xf32>, vector<31488x16xf32> -> vector<31488x16xf32>
    %add3A_294 = arith.addf %reshape3A_26, %dot_general3A_293 : vector<31488x16xf32>
    %reshape3A_295 = vector.shape_cast %add3A_294 : vector<31488x16xf32> to vector<328x96x16xf32>
    %reduce_sum3A_296 = arith.constant dense<0.000000e+00> : vector<96x16xf32>
    %reduce_sum3A_297 = vector.multi_reduction <add>, %reshape3A_295, %reduce_sum3A_296 [0] : vector<328x96x16xf32> to vector<96x16xf32>
    %reduce_sum3A_298 = arith.constant dense<0.000000e+00> : vector<96xf32>
    %reduce_sum3A_299 = vector.multi_reduction <add>, %reduce_sum3A_297, %reduce_sum3A_298 [1] : vector<96x16xf32> to vector<96xf32>
    %broadcast_in_dim3A_300 = vector.shape_cast %reduce_sum3A_299 : vector<96xf32> to vector<96x1xf32>
    %get3A_301 = arith.constant 1 : index
    %get3A_302 = arith.constant 0 : index
    %get3A_303 = arith.constant 0 : index
    %get3A_304 = vector.load %arg2[%get3A_301, %get3A_302, %get3A_303] : memref<3x8x96xf32, #tpu.memory_space<vmem>>, vector<1x8x96xf32>
    %get3A_305 = vector.shape_cast %get3A_304 : vector<1x8x96xf32> to vector<8x96xf32>
    %dot_general3A_306 = arith.constant dense<0.000000e+00> : vector<8x1xf32>
    %dot_general3A_307 = tpu.matmul %get3A_305, %broadcast_in_dim3A_300, %dot_general3A_306 {dimension_numbers = #tpu.dot_dimension_numbers<[1], [0], [0], [1], [0, 0, 1, 1], [], []>, precision = #tpu.contract_precision<fp32>, transpose_lhs_hint = false} : vector<8x96xf32>, vector<96x1xf32>, vector<8x1xf32> -> vector<8x1xf32>
    %reduce_max3A_308 = arith.constant dense<0xFF800000> : vector<1xf32>
    %reduce_max3A_309 = vector.multi_reduction <maximumf>, %dot_general3A_307, %reduce_max3A_308 [0] : vector<8x1xf32> to vector<1xf32>
    %broadcast_in_dim3A_310 = vector.shape_cast %reduce_max3A_309 : vector<1xf32> to vector<1x1xf32>
    %eq3A_311 = vector.broadcast %broadcast_in_dim3A_310 : vector<1x1xf32> to vector<8x1xf32>
    %eq3A_312 = arith.cmpf oeq, %dot_general3A_307, %eq3A_311 : vector<8x1xf32>
    %jit3A_313 = arith.constant 8 : i32
    %broadcast_in_dim3A_314 = vector.broadcast %jit3A_313 : i32 to vector<8x1xi32>
    %select_n3A_315 = arith.select %eq3A_312, %iota3A_30, %broadcast_in_dim3A_314 : vector<8x1xi1>, vector<8x1xi32>
    %reduce_min3A_316 = arith.constant dense<2147483647> : vector<1xi32>
    %reduce_min3A_317 = vector.multi_reduction <minsi>, %select_n3A_315, %reduce_min3A_316 [0] : vector<8x1xi32> to vector<1xi32>
    %broadcast_in_dim3A_318 = vector.shape_cast %reduce_min3A_317 : vector<1xi32> to vector<1x1xi32>
    %eq3A_319 = vector.broadcast %broadcast_in_dim3A_318 : vector<1x1xi32> to vector<8x1xi32>
    %eq3A_320 = arith.cmpi eq, %iota3A_30, %eq3A_319 : vector<8x1xi32>
    %jit3A_321 = arith.constant -1.000000e+30 : f32
    %broadcast_in_dim3A_322 = vector.broadcast %jit3A_321 : f32 to vector<8x1xf32>
    %select_n3A_323 = arith.select %eq3A_320, %broadcast_in_dim3A_322, %dot_general3A_307 : vector<8x1xi1>, vector<8x1xf32>
    %reduce_max3A_324 = arith.constant dense<0xFF800000> : vector<1xf32>
    %reduce_max3A_325 = vector.multi_reduction <maximumf>, %select_n3A_323, %reduce_max3A_324 [0] : vector<8x1xf32> to vector<1xf32>
    %broadcast_in_dim3A_326 = vector.shape_cast %reduce_max3A_325 : vector<1xf32> to vector<1x1xf32>
    %eq3A_327 = vector.broadcast %broadcast_in_dim3A_326 : vector<1x1xf32> to vector<8x1xf32>
    %eq3A_328 = arith.cmpf oeq, %select_n3A_323, %eq3A_327 : vector<8x1xf32>
    %jit3A_329 = arith.constant 8 : i32
    %broadcast_in_dim3A_330 = vector.broadcast %jit3A_329 : i32 to vector<8x1xi32>
    %select_n3A_331 = arith.select %eq3A_328, %iota3A_30, %broadcast_in_dim3A_330 : vector<8x1xi1>, vector<8x1xi32>
    %reduce_min3A_332 = arith.constant dense<2147483647> : vector<1xi32>
    %reduce_min3A_333 = vector.multi_reduction <minsi>, %select_n3A_331, %reduce_min3A_332 [0] : vector<8x1xi32> to vector<1xi32>
    %broadcast_in_dim3A_334 = vector.shape_cast %reduce_min3A_333 : vector<1xi32> to vector<1x1xi32>
    %sub3A_335 = arith.subf %broadcast_in_dim3A_326, %broadcast_in_dim3A_310 : vector<1x1xf32>
    %exp3A_336 = math.exp %sub3A_335 : vector<1x1xf32>
    %add3A_337 = arith.constant 1.000000e+00 : f32
    %add3A_338 = vector.broadcast %add3A_337 : f32 to vector<1x1xf32>
    %add3A_339 = arith.addf %add3A_338, %exp3A_336 : vector<1x1xf32>
    %div3A_340 = arith.constant 1.000000e+00 : f32
    %div3A_341 = vector.broadcast %div3A_340 : f32 to vector<1x1xf32>
    %div3A_342 = arith.divf %div3A_341, %add3A_339 : vector<1x1xf32>
    %sub3A_343 = arith.constant 1.000000e+00 : f32
    %sub3A_344 = vector.broadcast %sub3A_343 : f32 to vector<1x1xf32>
    %sub3A_345 = arith.subf %sub3A_344, %div3A_342 : vector<1x1xf32>
    %eq3A_346 = vector.broadcast %broadcast_in_dim3A_318 : vector<1x1xi32> to vector<1x8xi32>
    %eq3A_347 = arith.cmpi eq, %iota3A_31, %eq3A_346 : vector<1x8xi32>
    %jit3A_348 = arith.constant 0.000000e+00 : f32
    %broadcast_in_dim3A_349 = vector.shape_cast %div3A_342 : vector<1x1xf32> to vector<1x1xf32>
    %broadcast_in_dim3A_350 = vector.broadcast %broadcast_in_dim3A_349 : vector<1x1xf32> to vector<1x8xf32>
    %broadcast_in_dim3A_351 = vector.broadcast %jit3A_348 : f32 to vector<1x8xf32>
    %select_n3A_352 = arith.select %eq3A_347, %broadcast_in_dim3A_350, %broadcast_in_dim3A_351 : vector<1x8xi1>, vector<1x8xf32>
    %eq3A_353 = vector.broadcast %broadcast_in_dim3A_334 : vector<1x1xi32> to vector<1x8xi32>
    %eq3A_354 = arith.cmpi eq, %iota3A_31, %eq3A_353 : vector<1x8xi32>
    %jit3A_355 = arith.constant 0.000000e+00 : f32
    %broadcast_in_dim3A_356 = vector.shape_cast %sub3A_345 : vector<1x1xf32> to vector<1x1xf32>
    %broadcast_in_dim3A_357 = vector.broadcast %broadcast_in_dim3A_356 : vector<1x1xf32> to vector<1x8xf32>
    %broadcast_in_dim3A_358 = vector.broadcast %jit3A_355 : f32 to vector<1x8xf32>
    %select_n3A_359 = arith.select %eq3A_354, %broadcast_in_dim3A_357, %broadcast_in_dim3A_358 : vector<1x8xi1>, vector<1x8xf32>
    %add3A_360 = arith.addf %select_n3A_352, %select_n3A_359 : vector<1x8xf32>
    %lt3A_361 = arith.constant 64 : i32
    %lt3A_362 = vector.broadcast %lt3A_361 : i32 to vector<512x128xi32>
    %lt3A_363 = arith.cmpi slt, %iota3A_27, %lt3A_362 : vector<512x128xi32>
    %broadcast_in_dim3A_364 = vector.shape_cast %broadcast_in_dim3A_318 : vector<1x1xi32> to vector<1x1xi32>
    %broadcast_in_dim3A_365 = vector.broadcast %broadcast_in_dim3A_364 : vector<1x1xi32> to vector<512x128xi32>
    %broadcast_in_dim3A_366 = vector.shape_cast %broadcast_in_dim3A_334 : vector<1x1xi32> to vector<1x1xi32>
    %broadcast_in_dim3A_367 = vector.broadcast %broadcast_in_dim3A_366 : vector<1x1xi32> to vector<512x128xi32>
    %select_n3A_368 = arith.select %lt3A_363, %broadcast_in_dim3A_365, %broadcast_in_dim3A_367 : vector<512x128xi1>, vector<512x128xi32>
    %jit3A_369 = arith.constant 64 : i32
    %div3A_370 = vector.broadcast %jit3A_369 : i32 to vector<512x128xi32>
    %div3A_371 = arith.divsi %iota3A, %div3A_370 : vector<512x128xi32>
    %sign3A_372 = arith.constant 0 : i32
    %sign3A_373 = vector.broadcast %sign3A_372 : i32 to vector<512x128xi32>
    %sign3A_374 = arith.cmpi sgt, %iota3A, %sign3A_373 : vector<512x128xi32>
    %sign3A_375 = arith.extui %sign3A_374 : vector<512x128xi1> to vector<512x128xi32>
    %sign3A_376 = arith.constant 0 : i32
    %sign3A_377 = vector.broadcast %sign3A_376 : i32 to vector<512x128xi32>
    %sign3A_378 = arith.cmpi slt, %iota3A, %sign3A_377 : vector<512x128xi32>
    %sign3A_379 = arith.extui %sign3A_378 : vector<512x128xi1> to vector<512x128xi32>
    %sign3A_380 = arith.subi %sign3A_375, %sign3A_379 : vector<512x128xi32>
    %sign3A_381 = arith.constant 0 : i32
    %sign3A_382 = arith.cmpi sgt, %jit3A_369, %sign3A_381 : i32
    %sign3A_383 = arith.extui %sign3A_382 : i1 to i32
    %sign3A_384 = arith.constant 0 : i32
    %sign3A_385 = arith.cmpi slt, %jit3A_369, %sign3A_384 : i32
    %sign3A_386 = arith.extui %sign3A_385 : i1 to i32
    %sign3A_387 = arith.subi %sign3A_383, %sign3A_386 : i32
    %ne3A_388 = vector.broadcast %sign3A_387 : i32 to vector<512x128xi32>
    %ne3A_389 = arith.cmpi ne, %sign3A_380, %ne3A_388 : vector<512x128xi32>
    %rem3A_390 = vector.broadcast %jit3A_369 : i32 to vector<512x128xi32>
    %rem3A_391 = arith.remsi %iota3A, %rem3A_390 : vector<512x128xi32>
    %ne3A_392 = arith.constant 0 : i32
    %ne3A_393 = vector.broadcast %ne3A_392 : i32 to vector<512x128xi32>
    %ne3A_394 = arith.cmpi ne, %rem3A_391, %ne3A_393 : vector<512x128xi32>
    %and3A_395 = arith.andi %ne3A_389, %ne3A_394 : vector<512x128xi1>
    %sub3A_396 = arith.constant 1 : i32
    %sub3A_397 = vector.broadcast %sub3A_396 : i32 to vector<512x128xi32>
    %sub3A_398 = arith.subi %div3A_371, %sub3A_397 : vector<512x128xi32>
    %select_n3A_399 = arith.select %and3A_395, %sub3A_398, %div3A_371 : vector<512x128xi1>, vector<512x128xi32>
    %eq3A_400 = arith.cmpi eq, %select_n3A_399, %select_n3A_368 : vector<512x128xi32>
    %jit3A_401 = arith.constant 64 : i32
    %eq3A_402 = arith.constant 0 : i32
    %eq3A_403 = arith.cmpi eq, %jit3A_401, %eq3A_402 : i32
    %jit3A_404 = arith.constant 1 : i32
    %select_n3A_405 = arith.select %eq3A_403, %jit3A_404, %jit3A_401 : i32
    %rem3A_406 = vector.broadcast %select_n3A_405 : i32 to vector<512x128xi32>
    %rem3A_407 = arith.remsi %iota3A, %rem3A_406 : vector<512x128xi32>
    %ne3A_408 = arith.constant 0 : i32
    %ne3A_409 = vector.broadcast %ne3A_408 : i32 to vector<512x128xi32>
    %ne3A_410 = arith.cmpi ne, %rem3A_407, %ne3A_409 : vector<512x128xi32>
    %lt3A_411 = arith.constant 0 : i32
    %lt3A_412 = vector.broadcast %lt3A_411 : i32 to vector<512x128xi32>
    %lt3A_413 = arith.cmpi slt, %rem3A_407, %lt3A_412 : vector<512x128xi32>
    %lt3A_414 = arith.constant 0 : i32
    %lt3A_415 = arith.cmpi slt, %select_n3A_405, %lt3A_414 : i32
    %ne3A_416 = vector.broadcast %lt3A_415 : i1 to vector<512x128xi1>
    %ne3A_417 = vector.broadcast %ne3A_416 : vector<512x128xi1> to vector<512x128xi1>
    %ne3A_418 = arith.xori %lt3A_413, %ne3A_417 : vector<512x128xi1>
    %and3A_419 = arith.andi %ne3A_418, %ne3A_410 : vector<512x128xi1>
    %add3A_420 = vector.broadcast %select_n3A_405 : i32 to vector<512x128xi32>
    %add3A_421 = arith.addi %rem3A_407, %add3A_420 : vector<512x128xi32>
    %select_n3A_422 = arith.select %and3A_419, %add3A_421, %rem3A_407 : vector<512x128xi1>, vector<512x128xi32>
    %jit3A_423 = arith.constant 64 : i32
    %eq3A_424 = arith.constant 0 : i32
    %eq3A_425 = arith.cmpi eq, %jit3A_423, %eq3A_424 : i32
    %jit3A_426 = arith.constant 1 : i32
    %select_n3A_427 = arith.select %eq3A_425, %jit3A_426, %jit3A_423 : i32
    %rem3A_428 = vector.broadcast %select_n3A_427 : i32 to vector<512x128xi32>
    %rem3A_429 = arith.remsi %iota3A_27, %rem3A_428 : vector<512x128xi32>
    %ne3A_430 = arith.constant 0 : i32
    %ne3A_431 = vector.broadcast %ne3A_430 : i32 to vector<512x128xi32>
    %ne3A_432 = arith.cmpi ne, %rem3A_429, %ne3A_431 : vector<512x128xi32>
    %lt3A_433 = arith.constant 0 : i32
    %lt3A_434 = vector.broadcast %lt3A_433 : i32 to vector<512x128xi32>
    %lt3A_435 = arith.cmpi slt, %rem3A_429, %lt3A_434 : vector<512x128xi32>
    %lt3A_436 = arith.constant 0 : i32
    %lt3A_437 = arith.cmpi slt, %select_n3A_427, %lt3A_436 : i32
    %ne3A_438 = vector.broadcast %lt3A_437 : i1 to vector<512x128xi1>
    %ne3A_439 = vector.broadcast %ne3A_438 : vector<512x128xi1> to vector<512x128xi1>
    %ne3A_440 = arith.xori %lt3A_435, %ne3A_439 : vector<512x128xi1>
    %and3A_441 = arith.andi %ne3A_440, %ne3A_432 : vector<512x128xi1>
    %add3A_442 = vector.broadcast %select_n3A_427 : i32 to vector<512x128xi32>
    %add3A_443 = arith.addi %rem3A_429, %add3A_442 : vector<512x128xi32>
    %select_n3A_444 = arith.select %and3A_441, %add3A_443, %rem3A_429 : vector<512x128xi1>, vector<512x128xi32>
    %eq3A_445 = arith.cmpi eq, %select_n3A_422, %select_n3A_444 : vector<512x128xi32>
    %and3A_446 = arith.andi %eq3A_400, %eq3A_445 : vector<512x128xi1>
    %jit3A_447 = arith.constant 1.000000e+00 : f32
    %jit3A_448 = arith.constant 0.000000e+00 : f32
    %broadcast_in_dim3A_449 = vector.broadcast %jit3A_447 : f32 to vector<512x128xf32>
    %broadcast_in_dim3A_450 = vector.broadcast %jit3A_448 : f32 to vector<512x128xf32>
    %select_n3A_451 = arith.select %and3A_446, %broadcast_in_dim3A_449, %broadcast_in_dim3A_450 : vector<512x128xi1>, vector<512x128xf32>
    %get3A_452 = arith.constant 1 : index
    %get3A_453 = arith.constant 0 : index
    %get3A_454 = arith.constant 0 : index
    %get3A_455 = vector.load %arg3[%get3A_452, %get3A_453, %get3A_454] : memref<3x16x512xf32, #tpu.memory_space<vmem>>, vector<1x16x512xf32>
    %get3A_456 = vector.shape_cast %get3A_455 : vector<1x16x512xf32> to vector<16x512xf32>
    %dot_general3A_457 = arith.constant dense<0.000000e+00> : vector<16x128xf32>
    %dot_general3A_458 = tpu.matmul %get3A_456, %select_n3A_451, %dot_general3A_457 {dimension_numbers = #tpu.dot_dimension_numbers<[1], [0], [0], [1], [0, 0, 1, 1], [], []>, transpose_lhs_hint = false} : vector<16x512xf32>, vector<512x128xf32>, vector<16x128xf32> -> vector<16x128xf32>
    %lt3A_459 = arith.constant 64 : i32
    %lt3A_460 = vector.broadcast %lt3A_459 : i32 to vector<128x512xi32>
    %lt3A_461 = arith.cmpi slt, %iota3A_28, %lt3A_460 : vector<128x512xi32>
    %broadcast_in_dim3A_462 = vector.shape_cast %broadcast_in_dim3A_318 : vector<1x1xi32> to vector<1x1xi32>
    %broadcast_in_dim3A_463 = vector.broadcast %broadcast_in_dim3A_462 : vector<1x1xi32> to vector<128x512xi32>
    %broadcast_in_dim3A_464 = vector.shape_cast %broadcast_in_dim3A_334 : vector<1x1xi32> to vector<1x1xi32>
    %broadcast_in_dim3A_465 = vector.broadcast %broadcast_in_dim3A_464 : vector<1x1xi32> to vector<128x512xi32>
    %select_n3A_466 = arith.select %lt3A_461, %broadcast_in_dim3A_463, %broadcast_in_dim3A_465 : vector<128x512xi1>, vector<128x512xi32>
    %lt3A_467 = arith.constant 64 : i32
    %lt3A_468 = vector.broadcast %lt3A_467 : i32 to vector<128x512xi32>
    %lt3A_469 = arith.cmpi slt, %iota3A_28, %lt3A_468 : vector<128x512xi32>
    %broadcast_in_dim3A_470 = vector.shape_cast %div3A_342 : vector<1x1xf32> to vector<1x1xf32>
    %broadcast_in_dim3A_471 = vector.broadcast %broadcast_in_dim3A_470 : vector<1x1xf32> to vector<128x512xf32>
    %broadcast_in_dim3A_472 = vector.shape_cast %sub3A_345 : vector<1x1xf32> to vector<1x1xf32>
    %broadcast_in_dim3A_473 = vector.broadcast %broadcast_in_dim3A_472 : vector<1x1xf32> to vector<128x512xf32>
    %select_n3A_474 = arith.select %lt3A_469, %broadcast_in_dim3A_471, %broadcast_in_dim3A_473 : vector<128x512xi1>, vector<128x512xf32>
    %jit3A_475 = arith.constant 64 : i32
    %div3A_476 = vector.broadcast %jit3A_475 : i32 to vector<128x512xi32>
    %div3A_477 = arith.divsi %iota3A_29, %div3A_476 : vector<128x512xi32>
    %sign3A_478 = arith.constant 0 : i32
    %sign3A_479 = vector.broadcast %sign3A_478 : i32 to vector<128x512xi32>
    %sign3A_480 = arith.cmpi sgt, %iota3A_29, %sign3A_479 : vector<128x512xi32>
    %sign3A_481 = arith.extui %sign3A_480 : vector<128x512xi1> to vector<128x512xi32>
    %sign3A_482 = arith.constant 0 : i32
    %sign3A_483 = vector.broadcast %sign3A_482 : i32 to vector<128x512xi32>
    %sign3A_484 = arith.cmpi slt, %iota3A_29, %sign3A_483 : vector<128x512xi32>
    %sign3A_485 = arith.extui %sign3A_484 : vector<128x512xi1> to vector<128x512xi32>
    %sign3A_486 = arith.subi %sign3A_481, %sign3A_485 : vector<128x512xi32>
    %sign3A_487 = arith.constant 0 : i32
    %sign3A_488 = arith.cmpi sgt, %jit3A_475, %sign3A_487 : i32
    %sign3A_489 = arith.extui %sign3A_488 : i1 to i32
    %sign3A_490 = arith.constant 0 : i32
    %sign3A_491 = arith.cmpi slt, %jit3A_475, %sign3A_490 : i32
    %sign3A_492 = arith.extui %sign3A_491 : i1 to i32
    %sign3A_493 = arith.subi %sign3A_489, %sign3A_492 : i32
    %ne3A_494 = vector.broadcast %sign3A_493 : i32 to vector<128x512xi32>
    %ne3A_495 = arith.cmpi ne, %sign3A_486, %ne3A_494 : vector<128x512xi32>
    %rem3A_496 = vector.broadcast %jit3A_475 : i32 to vector<128x512xi32>
    %rem3A_497 = arith.remsi %iota3A_29, %rem3A_496 : vector<128x512xi32>
    %ne3A_498 = arith.constant 0 : i32
    %ne3A_499 = vector.broadcast %ne3A_498 : i32 to vector<128x512xi32>
    %ne3A_500 = arith.cmpi ne, %rem3A_497, %ne3A_499 : vector<128x512xi32>
    %and3A_501 = arith.andi %ne3A_495, %ne3A_500 : vector<128x512xi1>
    %sub3A_502 = arith.constant 1 : i32
    %sub3A_503 = vector.broadcast %sub3A_502 : i32 to vector<128x512xi32>
    %sub3A_504 = arith.subi %div3A_477, %sub3A_503 : vector<128x512xi32>
    %select_n3A_505 = arith.select %and3A_501, %sub3A_504, %div3A_477 : vector<128x512xi1>, vector<128x512xi32>
    %eq3A_506 = arith.cmpi eq, %select_n3A_505, %select_n3A_466 : vector<128x512xi32>
    %jit3A_507 = arith.constant 64 : i32
    %eq3A_508 = arith.constant 0 : i32
    %eq3A_509 = arith.cmpi eq, %jit3A_507, %eq3A_508 : i32
    %jit3A_510 = arith.constant 1 : i32
    %select_n3A_511 = arith.select %eq3A_509, %jit3A_510, %jit3A_507 : i32
    %rem3A_512 = vector.broadcast %select_n3A_511 : i32 to vector<128x512xi32>
    %rem3A_513 = arith.remsi %iota3A_29, %rem3A_512 : vector<128x512xi32>
    %ne3A_514 = arith.constant 0 : i32
    %ne3A_515 = vector.broadcast %ne3A_514 : i32 to vector<128x512xi32>
    %ne3A_516 = arith.cmpi ne, %rem3A_513, %ne3A_515 : vector<128x512xi32>
    %lt3A_517 = arith.constant 0 : i32
    %lt3A_518 = vector.broadcast %lt3A_517 : i32 to vector<128x512xi32>
    %lt3A_519 = arith.cmpi slt, %rem3A_513, %lt3A_518 : vector<128x512xi32>
    %lt3A_520 = arith.constant 0 : i32
    %lt3A_521 = arith.cmpi slt, %select_n3A_511, %lt3A_520 : i32
    %ne3A_522 = vector.broadcast %lt3A_521 : i1 to vector<128x512xi1>
    %ne3A_523 = vector.broadcast %ne3A_522 : vector<128x512xi1> to vector<128x512xi1>
    %ne3A_524 = arith.xori %lt3A_519, %ne3A_523 : vector<128x512xi1>
    %and3A_525 = arith.andi %ne3A_524, %ne3A_516 : vector<128x512xi1>
    %add3A_526 = vector.broadcast %select_n3A_511 : i32 to vector<128x512xi32>
    %add3A_527 = arith.addi %rem3A_513, %add3A_526 : vector<128x512xi32>
    %select_n3A_528 = arith.select %and3A_525, %add3A_527, %rem3A_513 : vector<128x512xi1>, vector<128x512xi32>
    %jit3A_529 = arith.constant 64 : i32
    %eq3A_530 = arith.constant 0 : i32
    %eq3A_531 = arith.cmpi eq, %jit3A_529, %eq3A_530 : i32
    %jit3A_532 = arith.constant 1 : i32
    %select_n3A_533 = arith.select %eq3A_531, %jit3A_532, %jit3A_529 : i32
    %rem3A_534 = vector.broadcast %select_n3A_533 : i32 to vector<128x512xi32>
    %rem3A_535 = arith.remsi %iota3A_28, %rem3A_534 : vector<128x512xi32>
    %ne3A_536 = arith.constant 0 : i32
    %ne3A_537 = vector.broadcast %ne3A_536 : i32 to vector<128x512xi32>
    %ne3A_538 = arith.cmpi ne, %rem3A_535, %ne3A_537 : vector<128x512xi32>
    %lt3A_539 = arith.constant 0 : i32
    %lt3A_540 = vector.broadcast %lt3A_539 : i32 to vector<128x512xi32>
    %lt3A_541 = arith.cmpi slt, %rem3A_535, %lt3A_540 : vector<128x512xi32>
    %lt3A_542 = arith.constant 0 : i32
    %lt3A_543 = arith.cmpi slt, %select_n3A_533, %lt3A_542 : i32
    %ne3A_544 = vector.broadcast %lt3A_543 : i1 to vector<128x512xi1>
    %ne3A_545 = vector.broadcast %ne3A_544 : vector<128x512xi1> to vector<128x512xi1>
    %ne3A_546 = arith.xori %lt3A_541, %ne3A_545 : vector<128x512xi1>
    %and3A_547 = arith.andi %ne3A_546, %ne3A_538 : vector<128x512xi1>
    %add3A_548 = vector.broadcast %select_n3A_533 : i32 to vector<128x512xi32>
    %add3A_549 = arith.addi %rem3A_535, %add3A_548 : vector<128x512xi32>
    %select_n3A_550 = arith.select %and3A_547, %add3A_549, %rem3A_535 : vector<128x512xi1>, vector<128x512xi32>
    %eq3A_551 = arith.cmpi eq, %select_n3A_528, %select_n3A_550 : vector<128x512xi32>
    %and3A_552 = arith.andi %eq3A_506, %eq3A_551 : vector<128x512xi1>
    %jit3A_553 = arith.constant 0.000000e+00 : f32
    %broadcast_in_dim3A_554 = vector.broadcast %jit3A_553 : f32 to vector<128x512xf32>
    %select_n3A_555 = arith.select %and3A_552, %select_n3A_474, %broadcast_in_dim3A_554 : vector<128x512xi1>, vector<128x512xf32>
    %get3A_556 = arith.constant 1 : index
    %get3A_557 = arith.constant 0 : index
    %get3A_558 = arith.constant 0 : index
    %get3A_559 = vector.load %arg4[%get3A_556, %get3A_557, %get3A_558] : memref<3x512x16xf32, #tpu.memory_space<vmem>>, vector<1x512x16xf32>
    %get3A_560 = vector.shape_cast %get3A_559 : vector<1x512x16xf32> to vector<512x16xf32>
    %dot_general3A_561 = arith.constant dense<0.000000e+00> : vector<128x16xf32>
    %dot_general3A_562 = tpu.matmul %select_n3A_555, %get3A_560, %dot_general3A_561 {dimension_numbers = #tpu.dot_dimension_numbers<[1], [0], [0], [1], [0, 0, 1, 1], [], []>, transpose_lhs_hint = false} : vector<128x512xf32>, vector<512x16xf32>, vector<128x16xf32> -> vector<128x16xf32>
    %dot_general3A_563 = arith.constant dense<0.000000e+00> : vector<31488x128xf32>
    %dot_general3A_564 = tpu.matmul %add3A_294, %dot_general3A_458, %dot_general3A_563 {dimension_numbers = #tpu.dot_dimension_numbers<[1], [0], [0], [1], [0, 0, 1, 1], [], []>, transpose_lhs_hint = false} : vector<31488x16xf32>, vector<16x128xf32>, vector<31488x128xf32> -> vector<31488x128xf32>
    %max3A_565 = arith.constant 0.000000e+00 : f32
    %max3A_566 = vector.broadcast %max3A_565 : f32 to vector<31488x128xf32>
    %max3A_567 = arith.maximumf %dot_general3A_564, %max3A_566 : vector<31488x128xf32>
    %dot_general3A_568 = arith.constant dense<0.000000e+00> : vector<31488x16xf32>
    %dot_general3A_569 = tpu.matmul %max3A_567, %dot_general3A_562, %dot_general3A_568 {dimension_numbers = #tpu.dot_dimension_numbers<[1], [0], [0], [1], [0, 0, 1, 1], [], []>, transpose_lhs_hint = false} : vector<31488x128xf32>, vector<128x16xf32>, vector<31488x16xf32> -> vector<31488x16xf32>
    %add3A_570 = arith.addf %add3A_294, %dot_general3A_569 : vector<31488x16xf32>
    %reshape3A_571 = vector.shape_cast %add3A_570 : vector<31488x16xf32> to vector<328x96x16xf32>
    %reduce_sum3A_572 = arith.constant dense<0.000000e+00> : vector<96x16xf32>
    %reduce_sum3A_573 = vector.multi_reduction <add>, %reshape3A_571, %reduce_sum3A_572 [0] : vector<328x96x16xf32> to vector<96x16xf32>
    %reduce_sum3A_574 = arith.constant dense<0.000000e+00> : vector<96xf32>
    %reduce_sum3A_575 = vector.multi_reduction <add>, %reduce_sum3A_573, %reduce_sum3A_574 [1] : vector<96x16xf32> to vector<96xf32>
    %broadcast_in_dim3A_576 = vector.shape_cast %reduce_sum3A_575 : vector<96xf32> to vector<96x1xf32>
    %get3A_577 = arith.constant 2 : index
    %get3A_578 = arith.constant 0 : index
    %get3A_579 = arith.constant 0 : index
    %get3A_580 = vector.load %arg2[%get3A_577, %get3A_578, %get3A_579] : memref<3x8x96xf32, #tpu.memory_space<vmem>>, vector<1x8x96xf32>
    %get3A_581 = vector.shape_cast %get3A_580 : vector<1x8x96xf32> to vector<8x96xf32>
    %dot_general3A_582 = arith.constant dense<0.000000e+00> : vector<8x1xf32>
    %dot_general3A_583 = tpu.matmul %get3A_581, %broadcast_in_dim3A_576, %dot_general3A_582 {dimension_numbers = #tpu.dot_dimension_numbers<[1], [0], [0], [1], [0, 0, 1, 1], [], []>, precision = #tpu.contract_precision<fp32>, transpose_lhs_hint = false} : vector<8x96xf32>, vector<96x1xf32>, vector<8x1xf32> -> vector<8x1xf32>
    %reduce_max3A_584 = arith.constant dense<0xFF800000> : vector<1xf32>
    %reduce_max3A_585 = vector.multi_reduction <maximumf>, %dot_general3A_583, %reduce_max3A_584 [0] : vector<8x1xf32> to vector<1xf32>
    %broadcast_in_dim3A_586 = vector.shape_cast %reduce_max3A_585 : vector<1xf32> to vector<1x1xf32>
    %eq3A_587 = vector.broadcast %broadcast_in_dim3A_586 : vector<1x1xf32> to vector<8x1xf32>
    %eq3A_588 = arith.cmpf oeq, %dot_general3A_583, %eq3A_587 : vector<8x1xf32>
    %jit3A_589 = arith.constant 8 : i32
    %broadcast_in_dim3A_590 = vector.broadcast %jit3A_589 : i32 to vector<8x1xi32>
    %select_n3A_591 = arith.select %eq3A_588, %iota3A_30, %broadcast_in_dim3A_590 : vector<8x1xi1>, vector<8x1xi32>
    %reduce_min3A_592 = arith.constant dense<2147483647> : vector<1xi32>
    %reduce_min3A_593 = vector.multi_reduction <minsi>, %select_n3A_591, %reduce_min3A_592 [0] : vector<8x1xi32> to vector<1xi32>
    %broadcast_in_dim3A_594 = vector.shape_cast %reduce_min3A_593 : vector<1xi32> to vector<1x1xi32>
    %eq3A_595 = vector.broadcast %broadcast_in_dim3A_594 : vector<1x1xi32> to vector<8x1xi32>
    %eq3A_596 = arith.cmpi eq, %iota3A_30, %eq3A_595 : vector<8x1xi32>
    %jit3A_597 = arith.constant -1.000000e+30 : f32
    %broadcast_in_dim3A_598 = vector.broadcast %jit3A_597 : f32 to vector<8x1xf32>
    %select_n3A_599 = arith.select %eq3A_596, %broadcast_in_dim3A_598, %dot_general3A_583 : vector<8x1xi1>, vector<8x1xf32>
    %reduce_max3A_600 = arith.constant dense<0xFF800000> : vector<1xf32>
    %reduce_max3A_601 = vector.multi_reduction <maximumf>, %select_n3A_599, %reduce_max3A_600 [0] : vector<8x1xf32> to vector<1xf32>
    %broadcast_in_dim3A_602 = vector.shape_cast %reduce_max3A_601 : vector<1xf32> to vector<1x1xf32>
    %eq3A_603 = vector.broadcast %broadcast_in_dim3A_602 : vector<1x1xf32> to vector<8x1xf32>
    %eq3A_604 = arith.cmpf oeq, %select_n3A_599, %eq3A_603 : vector<8x1xf32>
    %jit3A_605 = arith.constant 8 : i32
    %broadcast_in_dim3A_606 = vector.broadcast %jit3A_605 : i32 to vector<8x1xi32>
    %select_n3A_607 = arith.select %eq3A_604, %iota3A_30, %broadcast_in_dim3A_606 : vector<8x1xi1>, vector<8x1xi32>
    %reduce_min3A_608 = arith.constant dense<2147483647> : vector<1xi32>
    %reduce_min3A_609 = vector.multi_reduction <minsi>, %select_n3A_607, %reduce_min3A_608 [0] : vector<8x1xi32> to vector<1xi32>
    %broadcast_in_dim3A_610 = vector.shape_cast %reduce_min3A_609 : vector<1xi32> to vector<1x1xi32>
    %sub3A_611 = arith.subf %broadcast_in_dim3A_602, %broadcast_in_dim3A_586 : vector<1x1xf32>
    %exp3A_612 = math.exp %sub3A_611 : vector<1x1xf32>
    %add3A_613 = arith.constant 1.000000e+00 : f32
    %add3A_614 = vector.broadcast %add3A_613 : f32 to vector<1x1xf32>
    %add3A_615 = arith.addf %add3A_614, %exp3A_612 : vector<1x1xf32>
    %div3A_616 = arith.constant 1.000000e+00 : f32
    %div3A_617 = vector.broadcast %div3A_616 : f32 to vector<1x1xf32>
    %div3A_618 = arith.divf %div3A_617, %add3A_615 : vector<1x1xf32>
    %sub3A_619 = arith.constant 1.000000e+00 : f32
    %sub3A_620 = vector.broadcast %sub3A_619 : f32 to vector<1x1xf32>
    %sub3A_621 = arith.subf %sub3A_620, %div3A_618 : vector<1x1xf32>
    %eq3A_622 = vector.broadcast %broadcast_in_dim3A_594 : vector<1x1xi32> to vector<1x8xi32>
    %eq3A_623 = arith.cmpi eq, %iota3A_31, %eq3A_622 : vector<1x8xi32>
    %jit3A_624 = arith.constant 0.000000e+00 : f32
    %broadcast_in_dim3A_625 = vector.shape_cast %div3A_618 : vector<1x1xf32> to vector<1x1xf32>
    %broadcast_in_dim3A_626 = vector.broadcast %broadcast_in_dim3A_625 : vector<1x1xf32> to vector<1x8xf32>
    %broadcast_in_dim3A_627 = vector.broadcast %jit3A_624 : f32 to vector<1x8xf32>
    %select_n3A_628 = arith.select %eq3A_623, %broadcast_in_dim3A_626, %broadcast_in_dim3A_627 : vector<1x8xi1>, vector<1x8xf32>
    %eq3A_629 = vector.broadcast %broadcast_in_dim3A_610 : vector<1x1xi32> to vector<1x8xi32>
    %eq3A_630 = arith.cmpi eq, %iota3A_31, %eq3A_629 : vector<1x8xi32>
    %jit3A_631 = arith.constant 0.000000e+00 : f32
    %broadcast_in_dim3A_632 = vector.shape_cast %sub3A_621 : vector<1x1xf32> to vector<1x1xf32>
    %broadcast_in_dim3A_633 = vector.broadcast %broadcast_in_dim3A_632 : vector<1x1xf32> to vector<1x8xf32>
    %broadcast_in_dim3A_634 = vector.broadcast %jit3A_631 : f32 to vector<1x8xf32>
    %select_n3A_635 = arith.select %eq3A_630, %broadcast_in_dim3A_633, %broadcast_in_dim3A_634 : vector<1x8xi1>, vector<1x8xf32>
    %add3A_636 = arith.addf %select_n3A_628, %select_n3A_635 : vector<1x8xf32>
    %lt3A_637 = arith.constant 64 : i32
    %lt3A_638 = vector.broadcast %lt3A_637 : i32 to vector<512x128xi32>
    %lt3A_639 = arith.cmpi slt, %iota3A_27, %lt3A_638 : vector<512x128xi32>
    %broadcast_in_dim3A_640 = vector.shape_cast %broadcast_in_dim3A_594 : vector<1x1xi32> to vector<1x1xi32>
    %broadcast_in_dim3A_641 = vector.broadcast %broadcast_in_dim3A_640 : vector<1x1xi32> to vector<512x128xi32>
    %broadcast_in_dim3A_642 = vector.shape_cast %broadcast_in_dim3A_610 : vector<1x1xi32> to vector<1x1xi32>
    %broadcast_in_dim3A_643 = vector.broadcast %broadcast_in_dim3A_642 : vector<1x1xi32> to vector<512x128xi32>
    %select_n3A_644 = arith.select %lt3A_639, %broadcast_in_dim3A_641, %broadcast_in_dim3A_643 : vector<512x128xi1>, vector<512x128xi32>
    %jit3A_645 = arith.constant 64 : i32
    %div3A_646 = vector.broadcast %jit3A_645 : i32 to vector<512x128xi32>
    %div3A_647 = arith.divsi %iota3A, %div3A_646 : vector<512x128xi32>
    %sign3A_648 = arith.constant 0 : i32
    %sign3A_649 = vector.broadcast %sign3A_648 : i32 to vector<512x128xi32>
    %sign3A_650 = arith.cmpi sgt, %iota3A, %sign3A_649 : vector<512x128xi32>
    %sign3A_651 = arith.extui %sign3A_650 : vector<512x128xi1> to vector<512x128xi32>
    %sign3A_652 = arith.constant 0 : i32
    %sign3A_653 = vector.broadcast %sign3A_652 : i32 to vector<512x128xi32>
    %sign3A_654 = arith.cmpi slt, %iota3A, %sign3A_653 : vector<512x128xi32>
    %sign3A_655 = arith.extui %sign3A_654 : vector<512x128xi1> to vector<512x128xi32>
    %sign3A_656 = arith.subi %sign3A_651, %sign3A_655 : vector<512x128xi32>
    %sign3A_657 = arith.constant 0 : i32
    %sign3A_658 = arith.cmpi sgt, %jit3A_645, %sign3A_657 : i32
    %sign3A_659 = arith.extui %sign3A_658 : i1 to i32
    %sign3A_660 = arith.constant 0 : i32
    %sign3A_661 = arith.cmpi slt, %jit3A_645, %sign3A_660 : i32
    %sign3A_662 = arith.extui %sign3A_661 : i1 to i32
    %sign3A_663 = arith.subi %sign3A_659, %sign3A_662 : i32
    %ne3A_664 = vector.broadcast %sign3A_663 : i32 to vector<512x128xi32>
    %ne3A_665 = arith.cmpi ne, %sign3A_656, %ne3A_664 : vector<512x128xi32>
    %rem3A_666 = vector.broadcast %jit3A_645 : i32 to vector<512x128xi32>
    %rem3A_667 = arith.remsi %iota3A, %rem3A_666 : vector<512x128xi32>
    %ne3A_668 = arith.constant 0 : i32
    %ne3A_669 = vector.broadcast %ne3A_668 : i32 to vector<512x128xi32>
    %ne3A_670 = arith.cmpi ne, %rem3A_667, %ne3A_669 : vector<512x128xi32>
    %and3A_671 = arith.andi %ne3A_665, %ne3A_670 : vector<512x128xi1>
    %sub3A_672 = arith.constant 1 : i32
    %sub3A_673 = vector.broadcast %sub3A_672 : i32 to vector<512x128xi32>
    %sub3A_674 = arith.subi %div3A_647, %sub3A_673 : vector<512x128xi32>
    %select_n3A_675 = arith.select %and3A_671, %sub3A_674, %div3A_647 : vector<512x128xi1>, vector<512x128xi32>
    %eq3A_676 = arith.cmpi eq, %select_n3A_675, %select_n3A_644 : vector<512x128xi32>
    %jit3A_677 = arith.constant 64 : i32
    %eq3A_678 = arith.constant 0 : i32
    %eq3A_679 = arith.cmpi eq, %jit3A_677, %eq3A_678 : i32
    %jit3A_680 = arith.constant 1 : i32
    %select_n3A_681 = arith.select %eq3A_679, %jit3A_680, %jit3A_677 : i32
    %rem3A_682 = vector.broadcast %select_n3A_681 : i32 to vector<512x128xi32>
    %rem3A_683 = arith.remsi %iota3A, %rem3A_682 : vector<512x128xi32>
    %ne3A_684 = arith.constant 0 : i32
    %ne3A_685 = vector.broadcast %ne3A_684 : i32 to vector<512x128xi32>
    %ne3A_686 = arith.cmpi ne, %rem3A_683, %ne3A_685 : vector<512x128xi32>
    %lt3A_687 = arith.constant 0 : i32
    %lt3A_688 = vector.broadcast %lt3A_687 : i32 to vector<512x128xi32>
    %lt3A_689 = arith.cmpi slt, %rem3A_683, %lt3A_688 : vector<512x128xi32>
    %lt3A_690 = arith.constant 0 : i32
    %lt3A_691 = arith.cmpi slt, %select_n3A_681, %lt3A_690 : i32
    %ne3A_692 = vector.broadcast %lt3A_691 : i1 to vector<512x128xi1>
    %ne3A_693 = vector.broadcast %ne3A_692 : vector<512x128xi1> to vector<512x128xi1>
    %ne3A_694 = arith.xori %lt3A_689, %ne3A_693 : vector<512x128xi1>
    %and3A_695 = arith.andi %ne3A_694, %ne3A_686 : vector<512x128xi1>
    %add3A_696 = vector.broadcast %select_n3A_681 : i32 to vector<512x128xi32>
    %add3A_697 = arith.addi %rem3A_683, %add3A_696 : vector<512x128xi32>
    %select_n3A_698 = arith.select %and3A_695, %add3A_697, %rem3A_683 : vector<512x128xi1>, vector<512x128xi32>
    %jit3A_699 = arith.constant 64 : i32
    %eq3A_700 = arith.constant 0 : i32
    %eq3A_701 = arith.cmpi eq, %jit3A_699, %eq3A_700 : i32
    %jit3A_702 = arith.constant 1 : i32
    %select_n3A_703 = arith.select %eq3A_701, %jit3A_702, %jit3A_699 : i32
    %rem3A_704 = vector.broadcast %select_n3A_703 : i32 to vector<512x128xi32>
    %rem3A_705 = arith.remsi %iota3A_27, %rem3A_704 : vector<512x128xi32>
    %ne3A_706 = arith.constant 0 : i32
    %ne3A_707 = vector.broadcast %ne3A_706 : i32 to vector<512x128xi32>
    %ne3A_708 = arith.cmpi ne, %rem3A_705, %ne3A_707 : vector<512x128xi32>
    %lt3A_709 = arith.constant 0 : i32
    %lt3A_710 = vector.broadcast %lt3A_709 : i32 to vector<512x128xi32>
    %lt3A_711 = arith.cmpi slt, %rem3A_705, %lt3A_710 : vector<512x128xi32>
    %lt3A_712 = arith.constant 0 : i32
    %lt3A_713 = arith.cmpi slt, %select_n3A_703, %lt3A_712 : i32
    %ne3A_714 = vector.broadcast %lt3A_713 : i1 to vector<512x128xi1>
    %ne3A_715 = vector.broadcast %ne3A_714 : vector<512x128xi1> to vector<512x128xi1>
    %ne3A_716 = arith.xori %lt3A_711, %ne3A_715 : vector<512x128xi1>
    %and3A_717 = arith.andi %ne3A_716, %ne3A_708 : vector<512x128xi1>
    %add3A_718 = vector.broadcast %select_n3A_703 : i32 to vector<512x128xi32>
    %add3A_719 = arith.addi %rem3A_705, %add3A_718 : vector<512x128xi32>
    %select_n3A_720 = arith.select %and3A_717, %add3A_719, %rem3A_705 : vector<512x128xi1>, vector<512x128xi32>
    %eq3A_721 = arith.cmpi eq, %select_n3A_698, %select_n3A_720 : vector<512x128xi32>
    %and3A_722 = arith.andi %eq3A_676, %eq3A_721 : vector<512x128xi1>
    %jit3A_723 = arith.constant 1.000000e+00 : f32
    %jit3A_724 = arith.constant 0.000000e+00 : f32
    %broadcast_in_dim3A_725 = vector.broadcast %jit3A_723 : f32 to vector<512x128xf32>
    %broadcast_in_dim3A_726 = vector.broadcast %jit3A_724 : f32 to vector<512x128xf32>
    %select_n3A_727 = arith.select %and3A_722, %broadcast_in_dim3A_725, %broadcast_in_dim3A_726 : vector<512x128xi1>, vector<512x128xf32>
    %get3A_728 = arith.constant 2 : index
    %get3A_729 = arith.constant 0 : index
    %get3A_730 = arith.constant 0 : index
    %get3A_731 = vector.load %arg3[%get3A_728, %get3A_729, %get3A_730] : memref<3x16x512xf32, #tpu.memory_space<vmem>>, vector<1x16x512xf32>
    %get3A_732 = vector.shape_cast %get3A_731 : vector<1x16x512xf32> to vector<16x512xf32>
    %dot_general3A_733 = arith.constant dense<0.000000e+00> : vector<16x128xf32>
    %dot_general3A_734 = tpu.matmul %get3A_732, %select_n3A_727, %dot_general3A_733 {dimension_numbers = #tpu.dot_dimension_numbers<[1], [0], [0], [1], [0, 0, 1, 1], [], []>, transpose_lhs_hint = false} : vector<16x512xf32>, vector<512x128xf32>, vector<16x128xf32> -> vector<16x128xf32>
    %lt3A_735 = arith.constant 64 : i32
    %lt3A_736 = vector.broadcast %lt3A_735 : i32 to vector<128x512xi32>
    %lt3A_737 = arith.cmpi slt, %iota3A_28, %lt3A_736 : vector<128x512xi32>
    %broadcast_in_dim3A_738 = vector.shape_cast %broadcast_in_dim3A_594 : vector<1x1xi32> to vector<1x1xi32>
    %broadcast_in_dim3A_739 = vector.broadcast %broadcast_in_dim3A_738 : vector<1x1xi32> to vector<128x512xi32>
    %broadcast_in_dim3A_740 = vector.shape_cast %broadcast_in_dim3A_610 : vector<1x1xi32> to vector<1x1xi32>
    %broadcast_in_dim3A_741 = vector.broadcast %broadcast_in_dim3A_740 : vector<1x1xi32> to vector<128x512xi32>
    %select_n3A_742 = arith.select %lt3A_737, %broadcast_in_dim3A_739, %broadcast_in_dim3A_741 : vector<128x512xi1>, vector<128x512xi32>
    %lt3A_743 = arith.constant 64 : i32
    %lt3A_744 = vector.broadcast %lt3A_743 : i32 to vector<128x512xi32>
    %lt3A_745 = arith.cmpi slt, %iota3A_28, %lt3A_744 : vector<128x512xi32>
    %broadcast_in_dim3A_746 = vector.shape_cast %div3A_618 : vector<1x1xf32> to vector<1x1xf32>
    %broadcast_in_dim3A_747 = vector.broadcast %broadcast_in_dim3A_746 : vector<1x1xf32> to vector<128x512xf32>
    %broadcast_in_dim3A_748 = vector.shape_cast %sub3A_621 : vector<1x1xf32> to vector<1x1xf32>
    %broadcast_in_dim3A_749 = vector.broadcast %broadcast_in_dim3A_748 : vector<1x1xf32> to vector<128x512xf32>
    %select_n3A_750 = arith.select %lt3A_745, %broadcast_in_dim3A_747, %broadcast_in_dim3A_749 : vector<128x512xi1>, vector<128x512xf32>
    %jit3A_751 = arith.constant 64 : i32
    %div3A_752 = vector.broadcast %jit3A_751 : i32 to vector<128x512xi32>
    %div3A_753 = arith.divsi %iota3A_29, %div3A_752 : vector<128x512xi32>
    %sign3A_754 = arith.constant 0 : i32
    %sign3A_755 = vector.broadcast %sign3A_754 : i32 to vector<128x512xi32>
    %sign3A_756 = arith.cmpi sgt, %iota3A_29, %sign3A_755 : vector<128x512xi32>
    %sign3A_757 = arith.extui %sign3A_756 : vector<128x512xi1> to vector<128x512xi32>
    %sign3A_758 = arith.constant 0 : i32
    %sign3A_759 = vector.broadcast %sign3A_758 : i32 to vector<128x512xi32>
    %sign3A_760 = arith.cmpi slt, %iota3A_29, %sign3A_759 : vector<128x512xi32>
    %sign3A_761 = arith.extui %sign3A_760 : vector<128x512xi1> to vector<128x512xi32>
    %sign3A_762 = arith.subi %sign3A_757, %sign3A_761 : vector<128x512xi32>
    %sign3A_763 = arith.constant 0 : i32
    %sign3A_764 = arith.cmpi sgt, %jit3A_751, %sign3A_763 : i32
    %sign3A_765 = arith.extui %sign3A_764 : i1 to i32
    %sign3A_766 = arith.constant 0 : i32
    %sign3A_767 = arith.cmpi slt, %jit3A_751, %sign3A_766 : i32
    %sign3A_768 = arith.extui %sign3A_767 : i1 to i32
    %sign3A_769 = arith.subi %sign3A_765, %sign3A_768 : i32
    %ne3A_770 = vector.broadcast %sign3A_769 : i32 to vector<128x512xi32>
    %ne3A_771 = arith.cmpi ne, %sign3A_762, %ne3A_770 : vector<128x512xi32>
    %rem3A_772 = vector.broadcast %jit3A_751 : i32 to vector<128x512xi32>
    %rem3A_773 = arith.remsi %iota3A_29, %rem3A_772 : vector<128x512xi32>
    %ne3A_774 = arith.constant 0 : i32
    %ne3A_775 = vector.broadcast %ne3A_774 : i32 to vector<128x512xi32>
    %ne3A_776 = arith.cmpi ne, %rem3A_773, %ne3A_775 : vector<128x512xi32>
    %and3A_777 = arith.andi %ne3A_771, %ne3A_776 : vector<128x512xi1>
    %sub3A_778 = arith.constant 1 : i32
    %sub3A_779 = vector.broadcast %sub3A_778 : i32 to vector<128x512xi32>
    %sub3A_780 = arith.subi %div3A_753, %sub3A_779 : vector<128x512xi32>
    %select_n3A_781 = arith.select %and3A_777, %sub3A_780, %div3A_753 : vector<128x512xi1>, vector<128x512xi32>
    %eq3A_782 = arith.cmpi eq, %select_n3A_781, %select_n3A_742 : vector<128x512xi32>
    %jit3A_783 = arith.constant 64 : i32
    %eq3A_784 = arith.constant 0 : i32
    %eq3A_785 = arith.cmpi eq, %jit3A_783, %eq3A_784 : i32
    %jit3A_786 = arith.constant 1 : i32
    %select_n3A_787 = arith.select %eq3A_785, %jit3A_786, %jit3A_783 : i32
    %rem3A_788 = vector.broadcast %select_n3A_787 : i32 to vector<128x512xi32>
    %rem3A_789 = arith.remsi %iota3A_29, %rem3A_788 : vector<128x512xi32>
    %ne3A_790 = arith.constant 0 : i32
    %ne3A_791 = vector.broadcast %ne3A_790 : i32 to vector<128x512xi32>
    %ne3A_792 = arith.cmpi ne, %rem3A_789, %ne3A_791 : vector<128x512xi32>
    %lt3A_793 = arith.constant 0 : i32
    %lt3A_794 = vector.broadcast %lt3A_793 : i32 to vector<128x512xi32>
    %lt3A_795 = arith.cmpi slt, %rem3A_789, %lt3A_794 : vector<128x512xi32>
    %lt3A_796 = arith.constant 0 : i32
    %lt3A_797 = arith.cmpi slt, %select_n3A_787, %lt3A_796 : i32
    %ne3A_798 = vector.broadcast %lt3A_797 : i1 to vector<128x512xi1>
    %ne3A_799 = vector.broadcast %ne3A_798 : vector<128x512xi1> to vector<128x512xi1>
    %ne3A_800 = arith.xori %lt3A_795, %ne3A_799 : vector<128x512xi1>
    %and3A_801 = arith.andi %ne3A_800, %ne3A_792 : vector<128x512xi1>
    %add3A_802 = vector.broadcast %select_n3A_787 : i32 to vector<128x512xi32>
    %add3A_803 = arith.addi %rem3A_789, %add3A_802 : vector<128x512xi32>
    %select_n3A_804 = arith.select %and3A_801, %add3A_803, %rem3A_789 : vector<128x512xi1>, vector<128x512xi32>
    %jit3A_805 = arith.constant 64 : i32
    %eq3A_806 = arith.constant 0 : i32
    %eq3A_807 = arith.cmpi eq, %jit3A_805, %eq3A_806 : i32
    %jit3A_808 = arith.constant 1 : i32
    %select_n3A_809 = arith.select %eq3A_807, %jit3A_808, %jit3A_805 : i32
    %rem3A_810 = vector.broadcast %select_n3A_809 : i32 to vector<128x512xi32>
    %rem3A_811 = arith.remsi %iota3A_28, %rem3A_810 : vector<128x512xi32>
    %ne3A_812 = arith.constant 0 : i32
    %ne3A_813 = vector.broadcast %ne3A_812 : i32 to vector<128x512xi32>
    %ne3A_814 = arith.cmpi ne, %rem3A_811, %ne3A_813 : vector<128x512xi32>
    %lt3A_815 = arith.constant 0 : i32
    %lt3A_816 = vector.broadcast %lt3A_815 : i32 to vector<128x512xi32>
    %lt3A_817 = arith.cmpi slt, %rem3A_811, %lt3A_816 : vector<128x512xi32>
    %lt3A_818 = arith.constant 0 : i32
    %lt3A_819 = arith.cmpi slt, %select_n3A_809, %lt3A_818 : i32
    %ne3A_820 = vector.broadcast %lt3A_819 : i1 to vector<128x512xi1>
    %ne3A_821 = vector.broadcast %ne3A_820 : vector<128x512xi1> to vector<128x512xi1>
    %ne3A_822 = arith.xori %lt3A_817, %ne3A_821 : vector<128x512xi1>
    %and3A_823 = arith.andi %ne3A_822, %ne3A_814 : vector<128x512xi1>
    %add3A_824 = vector.broadcast %select_n3A_809 : i32 to vector<128x512xi32>
    %add3A_825 = arith.addi %rem3A_811, %add3A_824 : vector<128x512xi32>
    %select_n3A_826 = arith.select %and3A_823, %add3A_825, %rem3A_811 : vector<128x512xi1>, vector<128x512xi32>
    %eq3A_827 = arith.cmpi eq, %select_n3A_804, %select_n3A_826 : vector<128x512xi32>
    %and3A_828 = arith.andi %eq3A_782, %eq3A_827 : vector<128x512xi1>
    %jit3A_829 = arith.constant 0.000000e+00 : f32
    %broadcast_in_dim3A_830 = vector.broadcast %jit3A_829 : f32 to vector<128x512xf32>
    %select_n3A_831 = arith.select %and3A_828, %select_n3A_750, %broadcast_in_dim3A_830 : vector<128x512xi1>, vector<128x512xf32>
    %get3A_832 = arith.constant 2 : index
    %get3A_833 = arith.constant 0 : index
    %get3A_834 = arith.constant 0 : index
    %get3A_835 = vector.load %arg4[%get3A_832, %get3A_833, %get3A_834] : memref<3x512x16xf32, #tpu.memory_space<vmem>>, vector<1x512x16xf32>
    %get3A_836 = vector.shape_cast %get3A_835 : vector<1x512x16xf32> to vector<512x16xf32>
    %dot_general3A_837 = arith.constant dense<0.000000e+00> : vector<128x16xf32>
    %dot_general3A_838 = tpu.matmul %select_n3A_831, %get3A_836, %dot_general3A_837 {dimension_numbers = #tpu.dot_dimension_numbers<[1], [0], [0], [1], [0, 0, 1, 1], [], []>, transpose_lhs_hint = false} : vector<128x512xf32>, vector<512x16xf32>, vector<128x16xf32> -> vector<128x16xf32>
    %dot_general3A_839 = arith.constant dense<0.000000e+00> : vector<31488x128xf32>
    %dot_general3A_840 = tpu.matmul %add3A_570, %dot_general3A_734, %dot_general3A_839 {dimension_numbers = #tpu.dot_dimension_numbers<[1], [0], [0], [1], [0, 0, 1, 1], [], []>, transpose_lhs_hint = false} : vector<31488x16xf32>, vector<16x128xf32>, vector<31488x128xf32> -> vector<31488x128xf32>
    %max3A_841 = arith.constant 0.000000e+00 : f32
    %max3A_842 = vector.broadcast %max3A_841 : f32 to vector<31488x128xf32>
    %max3A_843 = arith.maximumf %dot_general3A_840, %max3A_842 : vector<31488x128xf32>
    %dot_general3A_844 = arith.constant dense<0.000000e+00> : vector<31488x16xf32>
    %dot_general3A_845 = tpu.matmul %max3A_843, %dot_general3A_838, %dot_general3A_844 {dimension_numbers = #tpu.dot_dimension_numbers<[1], [0], [0], [1], [0, 0, 1, 1], [], []>, transpose_lhs_hint = false} : vector<31488x128xf32>, vector<128x16xf32>, vector<31488x16xf32> -> vector<31488x16xf32>
    %add3A_846 = arith.addf %add3A_570, %dot_general3A_845 : vector<31488x16xf32>
    %broadcast_in_dim3A_847 = arith.constant 0.000000e+00 : f32
    %broadcast_in_dim3A_848 = vector.broadcast %broadcast_in_dim3A_847 : f32 to vector<5x8xf32>
    %concatenate3A = tpu.concatenate %add3A_90, %add3A_360, %add3A_636, %broadcast_in_dim3A_848 in 0 : vector<1x8xf32>, vector<1x8xf32>, vector<1x8xf32>, vector<5x8xf32> -> vector<8x8xf32>
    %swap3A = arith.constant 0 : index
    %swap3A_849 = arith.constant 0 : index
    %swap3A_850 = arith.constant 0 : index
    %swap3A_851 = vector.load %arg8[%swap3A, %swap3A_849, %swap3A_850] : memref<1x8x8xf32, #tpu.memory_space<vmem>>, vector<1x8x8xf32>
    %swap3A_852 = vector.shape_cast %swap3A_851 : vector<1x8x8xf32> to vector<8x8xf32>
    %swap3A_853 = vector.shape_cast %concatenate3A : vector<8x8xf32> to vector<1x8x8xf32>
    tpu.vector_store %arg8[%swap3A, %swap3A_849, %swap3A_850], %swap3A_853 {strides = array<i32>} : memref<1x8x8xf32, #tpu.memory_space<vmem>>, vector<1x8x8xf32>,
    %reshape3A_854 = vector.shape_cast %add3A_846 : vector<31488x16xf32> to vector<328x96x16xf32>
    %slice3A = vector.extract_strided_slice %reshape3A_854 {offsets = [0, 0, 0], sizes = [328, 8, 16], strides = [1, 1, 1]} : vector<328x96x16xf32> to vector<328x8x16xf32>
    %reshape3A_855 = vector.shape_cast %slice3A : vector<328x8x16xf32> to vector<328x128xf32>
    %get3A_856 = arith.constant 0 : index
    %get3A_857 = arith.constant 0 : index
    %get3A_858 = arith.constant 0 : index
    %get3A_859 = vector.load %arg5[%get3A_856, %get3A_857, %get3A_858] : memref<12x128x96xf32, #tpu.memory_space<vmem>>, vector<1x128x96xf32>
    %get3A_860 = vector.shape_cast %get3A_859 : vector<1x128x96xf32> to vector<128x96xf32>
    %dot_general3A_861 = arith.constant dense<0.000000e+00> : vector<328x96xf32>
    %dot_general3A_862 = tpu.matmul %reshape3A_855, %get3A_860, %dot_general3A_861 {dimension_numbers = #tpu.dot_dimension_numbers<[1], [0], [0], [1], [0, 0, 1, 1], [], []>, transpose_lhs_hint = false} : vector<328x128xf32>, vector<128x96xf32>, vector<328x96xf32> -> vector<328x96xf32>
    %slice3A_863 = vector.extract_strided_slice %reshape3A_854 {offsets = [0, 8, 0], sizes = [328, 8, 16], strides = [1, 1, 1]} : vector<328x96x16xf32> to vector<328x8x16xf32>
    %reshape3A_864 = vector.shape_cast %slice3A_863 : vector<328x8x16xf32> to vector<328x128xf32>
    %get3A_865 = arith.constant 1 : index
    %get3A_866 = arith.constant 0 : index
    %get3A_867 = arith.constant 0 : index
    %get3A_868 = vector.load %arg5[%get3A_865, %get3A_866, %get3A_867] : memref<12x128x96xf32, #tpu.memory_space<vmem>>, vector<1x128x96xf32>
    %get3A_869 = vector.shape_cast %get3A_868 : vector<1x128x96xf32> to vector<128x96xf32>
    %dot_general3A_870 = arith.constant dense<0.000000e+00> : vector<328x96xf32>
    %dot_general3A_871 = tpu.matmul %reshape3A_864, %get3A_869, %dot_general3A_870 {dimension_numbers = #tpu.dot_dimension_numbers<[1], [0], [0], [1], [0, 0, 1, 1], [], []>, transpose_lhs_hint = false} : vector<328x128xf32>, vector<128x96xf32>, vector<328x96xf32> -> vector<328x96xf32>
    %add3A_872 = arith.addf %dot_general3A_862, %dot_general3A_871 : vector<328x96xf32>
    %slice3A_873 = vector.extract_strided_slice %reshape3A_854 {offsets = [0, 16, 0], sizes = [328, 8, 16], strides = [1, 1, 1]} : vector<328x96x16xf32> to vector<328x8x16xf32>
    %reshape3A_874 = vector.shape_cast %slice3A_873 : vector<328x8x16xf32> to vector<328x128xf32>
    %get3A_875 = arith.constant 2 : index
    %get3A_876 = arith.constant 0 : index
    %get3A_877 = arith.constant 0 : index
    %get3A_878 = vector.load %arg5[%get3A_875, %get3A_876, %get3A_877] : memref<12x128x96xf32, #tpu.memory_space<vmem>>, vector<1x128x96xf32>
    %get3A_879 = vector.shape_cast %get3A_878 : vector<1x128x96xf32> to vector<128x96xf32>
    %dot_general3A_880 = arith.constant dense<0.000000e+00> : vector<328x96xf32>
    %dot_general3A_881 = tpu.matmul %reshape3A_874, %get3A_879, %dot_general3A_880 {dimension_numbers = #tpu.dot_dimension_numbers<[1], [0], [0], [1], [0, 0, 1, 1], [], []>, transpose_lhs_hint = false} : vector<328x128xf32>, vector<128x96xf32>, vector<328x96xf32> -> vector<328x96xf32>
    %add3A_882 = arith.addf %add3A_872, %dot_general3A_881 : vector<328x96xf32>
    %slice3A_883 = vector.extract_strided_slice %reshape3A_854 {offsets = [0, 24, 0], sizes = [328, 8, 16], strides = [1, 1, 1]} : vector<328x96x16xf32> to vector<328x8x16xf32>
    %reshape3A_884 = vector.shape_cast %slice3A_883 : vector<328x8x16xf32> to vector<328x128xf32>
    %get3A_885 = arith.constant 3 : index
    %get3A_886 = arith.constant 0 : index
    %get3A_887 = arith.constant 0 : index
    %get3A_888 = vector.load %arg5[%get3A_885, %get3A_886, %get3A_887] : memref<12x128x96xf32, #tpu.memory_space<vmem>>, vector<1x128x96xf32>
    %get3A_889 = vector.shape_cast %get3A_888 : vector<1x128x96xf32> to vector<128x96xf32>
    %dot_general3A_890 = arith.constant dense<0.000000e+00> : vector<328x96xf32>
    %dot_general3A_891 = tpu.matmul %reshape3A_884, %get3A_889, %dot_general3A_890 {dimension_numbers = #tpu.dot_dimension_numbers<[1], [0], [0], [1], [0, 0, 1, 1], [], []>, transpose_lhs_hint = false} : vector<328x128xf32>, vector<128x96xf32>, vector<328x96xf32> -> vector<328x96xf32>
    %add3A_892 = arith.addf %add3A_882, %dot_general3A_891 : vector<328x96xf32>
    %slice3A_893 = vector.extract_strided_slice %reshape3A_854 {offsets = [0, 32, 0], sizes = [328, 8, 16], strides = [1, 1, 1]} : vector<328x96x16xf32> to vector<328x8x16xf32>
    %reshape3A_894 = vector.shape_cast %slice3A_893 : vector<328x8x16xf32> to vector<328x128xf32>
    %get3A_895 = arith.constant 4 : index
    %get3A_896 = arith.constant 0 : index
    %get3A_897 = arith.constant 0 : index
    %get3A_898 = vector.load %arg5[%get3A_895, %get3A_896, %get3A_897] : memref<12x128x96xf32, #tpu.memory_space<vmem>>, vector<1x128x96xf32>
    %get3A_899 = vector.shape_cast %get3A_898 : vector<1x128x96xf32> to vector<128x96xf32>
    %dot_general3A_900 = arith.constant dense<0.000000e+00> : vector<328x96xf32>
    %dot_general3A_901 = tpu.matmul %reshape3A_894, %get3A_899, %dot_general3A_900 {dimension_numbers = #tpu.dot_dimension_numbers<[1], [0], [0], [1], [0, 0, 1, 1], [], []>, transpose_lhs_hint = false} : vector<328x128xf32>, vector<128x96xf32>, vector<328x96xf32> -> vector<328x96xf32>
    %add3A_902 = arith.addf %add3A_892, %dot_general3A_901 : vector<328x96xf32>
    %slice3A_903 = vector.extract_strided_slice %reshape3A_854 {offsets = [0, 40, 0], sizes = [328, 8, 16], strides = [1, 1, 1]} : vector<328x96x16xf32> to vector<328x8x16xf32>
    %reshape3A_904 = vector.shape_cast %slice3A_903 : vector<328x8x16xf32> to vector<328x128xf32>
    %get3A_905 = arith.constant 5 : index
    %get3A_906 = arith.constant 0 : index
    %get3A_907 = arith.constant 0 : index
    %get3A_908 = vector.load %arg5[%get3A_905, %get3A_906, %get3A_907] : memref<12x128x96xf32, #tpu.memory_space<vmem>>, vector<1x128x96xf32>
    %get3A_909 = vector.shape_cast %get3A_908 : vector<1x128x96xf32> to vector<128x96xf32>
    %dot_general3A_910 = arith.constant dense<0.000000e+00> : vector<328x96xf32>
    %dot_general3A_911 = tpu.matmul %reshape3A_904, %get3A_909, %dot_general3A_910 {dimension_numbers = #tpu.dot_dimension_numbers<[1], [0], [0], [1], [0, 0, 1, 1], [], []>, transpose_lhs_hint = false} : vector<328x128xf32>, vector<128x96xf32>, vector<328x96xf32> -> vector<328x96xf32>
    %add3A_912 = arith.addf %add3A_902, %dot_general3A_911 : vector<328x96xf32>
    %slice3A_913 = vector.extract_strided_slice %reshape3A_854 {offsets = [0, 48, 0], sizes = [328, 8, 16], strides = [1, 1, 1]} : vector<328x96x16xf32> to vector<328x8x16xf32>
    %reshape3A_914 = vector.shape_cast %slice3A_913 : vector<328x8x16xf32> to vector<328x128xf32>
    %get3A_915 = arith.constant 6 : index
    %get3A_916 = arith.constant 0 : index
    %get3A_917 = arith.constant 0 : index
    %get3A_918 = vector.load %arg5[%get3A_915, %get3A_916, %get3A_917] : memref<12x128x96xf32, #tpu.memory_space<vmem>>, vector<1x128x96xf32>
    %get3A_919 = vector.shape_cast %get3A_918 : vector<1x128x96xf32> to vector<128x96xf32>
    %dot_general3A_920 = arith.constant dense<0.000000e+00> : vector<328x96xf32>
    %dot_general3A_921 = tpu.matmul %reshape3A_914, %get3A_919, %dot_general3A_920 {dimension_numbers = #tpu.dot_dimension_numbers<[1], [0], [0], [1], [0, 0, 1, 1], [], []>, transpose_lhs_hint = false} : vector<328x128xf32>, vector<128x96xf32>, vector<328x96xf32> -> vector<328x96xf32>
    %add3A_922 = arith.addf %add3A_912, %dot_general3A_921 : vector<328x96xf32>
    %slice3A_923 = vector.extract_strided_slice %reshape3A_854 {offsets = [0, 56, 0], sizes = [328, 8, 16], strides = [1, 1, 1]} : vector<328x96x16xf32> to vector<328x8x16xf32>
    %reshape3A_924 = vector.shape_cast %slice3A_923 : vector<328x8x16xf32> to vector<328x128xf32>
    %get3A_925 = arith.constant 7 : index
    %get3A_926 = arith.constant 0 : index
    %get3A_927 = arith.constant 0 : index
    %get3A_928 = vector.load %arg5[%get3A_925, %get3A_926, %get3A_927] : memref<12x128x96xf32, #tpu.memory_space<vmem>>, vector<1x128x96xf32>
    %get3A_929 = vector.shape_cast %get3A_928 : vector<1x128x96xf32> to vector<128x96xf32>
    %dot_general3A_930 = arith.constant dense<0.000000e+00> : vector<328x96xf32>
    %dot_general3A_931 = tpu.matmul %reshape3A_924, %get3A_929, %dot_general3A_930 {dimension_numbers = #tpu.dot_dimension_numbers<[1], [0], [0], [1], [0, 0, 1, 1], [], []>, transpose_lhs_hint = false} : vector<328x128xf32>, vector<128x96xf32>, vector<328x96xf32> -> vector<328x96xf32>
    %add3A_932 = arith.addf %add3A_922, %dot_general3A_931 : vector<328x96xf32>
    %slice3A_933 = vector.extract_strided_slice %reshape3A_854 {offsets = [0, 64, 0], sizes = [328, 8, 16], strides = [1, 1, 1]} : vector<328x96x16xf32> to vector<328x8x16xf32>
    %reshape3A_934 = vector.shape_cast %slice3A_933 : vector<328x8x16xf32> to vector<328x128xf32>
    %get3A_935 = arith.constant 8 : index
    %get3A_936 = arith.constant 0 : index
    %get3A_937 = arith.constant 0 : index
    %get3A_938 = vector.load %arg5[%get3A_935, %get3A_936, %get3A_937] : memref<12x128x96xf32, #tpu.memory_space<vmem>>, vector<1x128x96xf32>
    %get3A_939 = vector.shape_cast %get3A_938 : vector<1x128x96xf32> to vector<128x96xf32>
    %dot_general3A_940 = arith.constant dense<0.000000e+00> : vector<328x96xf32>
    %dot_general3A_941 = tpu.matmul %reshape3A_934, %get3A_939, %dot_general3A_940 {dimension_numbers = #tpu.dot_dimension_numbers<[1], [0], [0], [1], [0, 0, 1, 1], [], []>, transpose_lhs_hint = false} : vector<328x128xf32>, vector<128x96xf32>, vector<328x96xf32> -> vector<328x96xf32>
    %add3A_942 = arith.addf %add3A_932, %dot_general3A_941 : vector<328x96xf32>
    %slice3A_943 = vector.extract_strided_slice %reshape3A_854 {offsets = [0, 72, 0], sizes = [328, 8, 16], strides = [1, 1, 1]} : vector<328x96x16xf32> to vector<328x8x16xf32>
    %reshape3A_944 = vector.shape_cast %slice3A_943 : vector<328x8x16xf32> to vector<328x128xf32>
    %get3A_945 = arith.constant 9 : index
    %get3A_946 = arith.constant 0 : index
    %get3A_947 = arith.constant 0 : index
    %get3A_948 = vector.load %arg5[%get3A_945, %get3A_946, %get3A_947] : memref<12x128x96xf32, #tpu.memory_space<vmem>>, vector<1x128x96xf32>
    %get3A_949 = vector.shape_cast %get3A_948 : vector<1x128x96xf32> to vector<128x96xf32>
    %dot_general3A_950 = arith.constant dense<0.000000e+00> : vector<328x96xf32>
    %dot_general3A_951 = tpu.matmul %reshape3A_944, %get3A_949, %dot_general3A_950 {dimension_numbers = #tpu.dot_dimension_numbers<[1], [0], [0], [1], [0, 0, 1, 1], [], []>, transpose_lhs_hint = false} : vector<328x128xf32>, vector<128x96xf32>, vector<328x96xf32> -> vector<328x96xf32>
    %add3A_952 = arith.addf %add3A_942, %dot_general3A_951 : vector<328x96xf32>
    %slice3A_953 = vector.extract_strided_slice %reshape3A_854 {offsets = [0, 80, 0], sizes = [328, 8, 16], strides = [1, 1, 1]} : vector<328x96x16xf32> to vector<328x8x16xf32>
    %reshape3A_954 = vector.shape_cast %slice3A_953 : vector<328x8x16xf32> to vector<328x128xf32>
    %get3A_955 = arith.constant 10 : index
    %get3A_956 = arith.constant 0 : index
    %get3A_957 = arith.constant 0 : index
    %get3A_958 = vector.load %arg5[%get3A_955, %get3A_956, %get3A_957] : memref<12x128x96xf32, #tpu.memory_space<vmem>>, vector<1x128x96xf32>
    %get3A_959 = vector.shape_cast %get3A_958 : vector<1x128x96xf32> to vector<128x96xf32>
    %dot_general3A_960 = arith.constant dense<0.000000e+00> : vector<328x96xf32>
    %dot_general3A_961 = tpu.matmul %reshape3A_954, %get3A_959, %dot_general3A_960 {dimension_numbers = #tpu.dot_dimension_numbers<[1], [0], [0], [1], [0, 0, 1, 1], [], []>, transpose_lhs_hint = false} : vector<328x128xf32>, vector<128x96xf32>, vector<328x96xf32> -> vector<328x96xf32>
    %add3A_962 = arith.addf %add3A_952, %dot_general3A_961 : vector<328x96xf32>
    %slice3A_963 = vector.extract_strided_slice %reshape3A_854 {offsets = [0, 88, 0], sizes = [328, 8, 16], strides = [1, 1, 1]} : vector<328x96x16xf32> to vector<328x8x16xf32>
    %reshape3A_964 = vector.shape_cast %slice3A_963 : vector<328x8x16xf32> to vector<328x128xf32>
    %get3A_965 = arith.constant 11 : index
    %get3A_966 = arith.constant 0 : index
    %get3A_967 = arith.constant 0 : index
    %get3A_968 = vector.load %arg5[%get3A_965, %get3A_966, %get3A_967] : memref<12x128x96xf32, #tpu.memory_space<vmem>>, vector<1x128x96xf32>
    %get3A_969 = vector.shape_cast %get3A_968 : vector<1x128x96xf32> to vector<128x96xf32>
    %dot_general3A_970 = arith.constant dense<0.000000e+00> : vector<328x96xf32>
    %dot_general3A_971 = tpu.matmul %reshape3A_964, %get3A_969, %dot_general3A_970 {dimension_numbers = #tpu.dot_dimension_numbers<[1], [0], [0], [1], [0, 0, 1, 1], [], []>, transpose_lhs_hint = false} : vector<328x128xf32>, vector<128x96xf32>, vector<328x96xf32> -> vector<328x96xf32>
    %add3A_972 = arith.addf %add3A_962, %dot_general3A_971 : vector<328x96xf32>
    %mul3A_973 = vector.broadcast %sqrt3A : vector<328x1xf32> to vector<328x96xf32>
    %mul3A_974 = arith.mulf %add3A_972, %mul3A_973 : vector<328x96xf32>
    %add3A_975 = vector.broadcast %mul3A_6 : vector<328x1xf32> to vector<328x96xf32>
    %add3A_976 = arith.addf %mul3A_974, %add3A_975 : vector<328x96xf32>
    %swap3A_977 = arith.constant 0 : index
    %swap3A_978 = arith.constant 0 : index
    %swap3A_979 = arith.constant 0 : index
    %swap3A_980 = vector.load %arg7[%swap3A_977, %swap3A_978, %swap3A_979] : memref<1x328x96xf32, #tpu.memory_space<vmem>>, vector<1x328x96xf32>
    %swap3A_981 = vector.shape_cast %swap3A_980 : vector<1x328x96xf32> to vector<328x96xf32>
    %swap3A_982 = vector.shape_cast %add3A_976 : vector<328x96xf32> to vector<1x328x96xf32>
    tpu.vector_store %arg7[%swap3A_977, %swap3A_978, %swap3A_979], %swap3A_982 {strides = array<i32>} : memref<1x328x96xf32, #tpu.memory_space<vmem>>, vector<1x328x96xf32>,
    return
  }
  func.func @transform_0(%arg0: i32) -> (i32, i32, i32) {
    %c0_i32 = arith.constant 0 : i32
    %c0_i32_0 = arith.constant 0 : i32
    %c0_i32_1 = arith.constant 0 : i32
    return %arg0, %c0_i32, %c0_i32_0 : i32, i32, i32
  }
  func.func @transform_1(%arg0: i32) -> (i32, i32, i32) {
    %c0_i32 = arith.constant 0 : i32
    %c0_i32_0 = arith.constant 0 : i32
    %c0_i32_1 = arith.constant 0 : i32
    %c0_i32_2 = arith.constant 0 : i32
    return %c0_i32, %c0_i32_0, %c0_i32_1 : i32, i32, i32
  }
  func.func @transform_2(%arg0: i32) -> (i32, i32, i32) {
    %c0_i32 = arith.constant 0 : i32
    %c0_i32_0 = arith.constant 0 : i32
    %c0_i32_1 = arith.constant 0 : i32
    %c0_i32_2 = arith.constant 0 : i32
    return %c0_i32, %c0_i32_0, %c0_i32_1 : i32, i32, i32
  }
  func.func @transform_3(%arg0: i32) -> (i32, i32, i32) {
    %c0_i32 = arith.constant 0 : i32
    %c0_i32_0 = arith.constant 0 : i32
    %c0_i32_1 = arith.constant 0 : i32
    %c0_i32_2 = arith.constant 0 : i32
    return %c0_i32, %c0_i32_0, %c0_i32_1 : i32, i32, i32
  }
  func.func @transform_4(%arg0: i32) -> (i32, i32, i32) {
    %c0_i32 = arith.constant 0 : i32
    %c0_i32_0 = arith.constant 0 : i32
    %c0_i32_1 = arith.constant 0 : i32
    %c0_i32_2 = arith.constant 0 : i32
    return %c0_i32, %c0_i32_0, %c0_i32_1 : i32, i32, i32
  }
  func.func @transform_5(%arg0: i32) -> (i32, i32) {
    %c0_i32 = arith.constant 0 : i32
    %c0_i32_0 = arith.constant 0 : i32
    %c0_i32_1 = arith.constant 0 : i32
    return %c0_i32, %c0_i32_0 : i32, i32
  }
  func.func @transform_6(%arg0: i32) -> (i32, i32, i32) {
    %c0_i32 = arith.constant 0 : i32
    %c0_i32_0 = arith.constant 0 : i32
    %c0_i32_1 = arith.constant 0 : i32
    return %arg0, %c0_i32, %c0_i32_0 : i32, i32, i32
  }
  func.func @transform_7(%arg0: i32) -> (i32, i32, i32) {
    %c0_i32 = arith.constant 0 : i32
    %c0_i32_0 = arith.constant 0 : i32
    %c0_i32_1 = arith.constant 0 : i32
    return %arg0, %c0_i32, %c0_i32_0 : i32, i32, i32
  }
}

</mosaic_0001>

<sc_bundles>
// kernel: kernel.4.cloned.1.call-start
scs
__scs_entry_jumppad:
0x0: {  	(pc) =	sbr.rel $0x88, $3  }
0x1: {  	(tag) =	ssettag $0x0;
	lr =	simm.s32 $0x1  }
0x2: {  	[smem:$0x3F9B] =	sst lr;
	_ =	strace $0xD0000000  }
0x3: {  	_ = 	snop  }
0x4: {  	_ = 	snop  }
0x5: {  	_ = 	snop  }
0x6: {  	_ = 	snop  }
0x7: {  	_ = 	snop  }
__scs_overlays_trampoline_lowered:
0x8: {  	[smem:$0x3FAA] =	sst s0  }
0x9: {  	[smem:$0x3FAB] =	sst s1  }
0xa: {  	[smem:$0x3FAC] =	sst s2  }
0xb: {  	[smem:$0x3FAD] =	sst s3  }
0xc: {  	[smem:$0x3FAE] =	sst s4  }
0xd: {  	[smem:$0x3FAF] =	sst s5  }
0xe: {  	[smem:$0x3FB0] =	sst s6  }
0xf: {  	[smem:$0x3FB1] =	sst s7  }
0x10: {  	[smem:$0x3FB2] =	sst s8  }
0x11: {  	[smem:$0x3FB3] =	sst s9;
	s0 =	simm.s32 @!p0 $0x0  }
0x12: {  	s1 =	sld [smem:$0x3F99];
	s0 =	simm.s32 @p0 $0x1  }
0x13: {  	[smem:$0x3FB4] =	sst s0;
	s0 =	simm.s32 @!p1 $0x0  }
0x14: {  	s2 =	sld [smem:$0x3F98];
	s0 =	simm.s32 @p1 $0x1  }
0x15: {  	[smem:$0x3FB5] =	sst s0;
	s0 =	simm.s32 @!p2 $0x0  }
0x16: {  	s3 =	sld [smem:$0x3FDB];
	s0 =	simm.s32 @p2 $0x1  }
0x17: {  	s4 =	simm.s32 $0x1BF5;
	[smem:$0x3FB7] =	sst s0  }
0x18: {  	s0 =	sld [smem:$0x3F9A];
	_ =	swait.ge [sflag:s4], $0x0  }
0x19: {  	s7 =	sld [smem:$0x3F9B]  }
0x1a: {  	s8 =	sadd.s32 $0xFFFFE003, lr  }
0x1b: {  	s9 =	sadd.s32 $0xFFFFFEF7, lr;
	s5 =	simm.s32 $0xFFFFFFFF;
	p2 =	slt.u32 s8, $0xFFFFF086  }
0x1c: {  	p1 =	slt.u32 s9, $0xF7A;
	s5 =	simm.s32 @!p2 $0x0  }
0x1d: {  	s5 =	simm.s32 @p1 $0x1;
	p0 =	seq.s32 s7, s2  }
0x1e: {  	s7 =	smul.u32 @!p0 $0xF7A, s2;
	p2 =	seq.s32 @!p0 s5, $0x0  }
0x1f: {  	s9 =	smul.u32 $0xF7A, s1;
	s8 =	simm.s32 @!p0 $0x1BF5;
	p2 =	por !p2, p0  }
0x20: {  	[sflag:s8] =	ssyncset.s32 @!p0 $0xFFFFF086;
	s6 =	sadd.s32 @!p0 s3, s7;
	s7 =	simm.s32 @!p0 $0x108  }
0x21: {  	s3 =	sadd.s32 s3, s9;
	s6 =	sadd.s32 @!p0 $0x88, s6;
	s7 =	simm.s32 @p2 $0x1082  }
0x22: {  	[simem:s7], [sflag:s8] =	dma.local @!p0 [hbm:s6], $0xF7A  }
0x23: {  	s9 =	sor.u32 $0xD0000000, s2;
	s6 =	simm.s32 $0x108;
	_ =	swait.ge @!p0 [sflag:s8], $0x0  }
0x24: {  	s3 =	sadd.s32 $0x88, s3;
	s6 =	simm.s32 @!p1 $0x1082;
	[sflag:s4] =	ssyncset.s32 $0xFFFFF086  }
0x25: {  	[simem:s6], [sflag:s4] =	dma.local [hbm:s3], $0xF7A  }
0x26: {  	[smem:$0x3F9B] =	sst s1;
	(tag) =	ssettag s2;
	_ =	strace s9  }
0x27: {  	s1 =	sld [smem:$0x3FAB]  }
0x28: {  	s2 =	sld [smem:$0x3FAC]  }
0x29: {  	s4 =	sld [smem:$0x3FAE]  }
0x2a: {  	p0 =	seq.s32 s5, $0x0;
	s5 =	sld [smem:$0x3FAF]  }
0x2b: {  	s6 =	sld [smem:$0x3FB0]  }
0x2c: {  	s7 =	sld [smem:$0x3FB1]  }
0x2d: {  	s3 =	simm.s32 $0x108;
	s8 =	sld [smem:$0x3FB2]  }
0x2e: {  	s3 =	simm.s32 @!p0 $0x1082;
	s9 =	sld [smem:$0x3FB3]  }
0x2f: {  	lr =	sadd.s32 s0, s3;
	s0 =	sld [smem:$0x3FAA]  }
0x30: {  	s3 =	sld [smem:$0x3FAD]  }
0x31: {  	[smem:$0x3FB6] =	sst s10  }
0x32: {  	s10 =	sld [smem:$0x3FB4];
	_ =	sdelay $0x3  }
0x33: {  	p0 =	seq.s32 s10, $0x1;
	s10 =	sld [smem:$0x3FB6];
	_ =	sdelay $0x3  }
0x34: {  	[smem:$0x3FB6] =	sst s10  }
0x35: {  	s10 =	sld [smem:$0x3FB5];
	_ =	sdelay $0x3  }
0x36: {  	p1 =	seq.s32 s10, $0x1;
	s10 =	sld [smem:$0x3FB6];
	_ =	sdelay $0x3  }
0x37: {  	[smem:$0x3FB6] =	sst s10  }
0x38: {  	s10 =	sld [smem:$0x3FB7]  }
0x39: {  	_ = 	snop;
	(pc) =	sbr.ind lr, $3  }
0x3a: {  	_ = 	snop  }
0x3b: {  	_ = 	snop  }
0x3c: {  	p2 =	seq.s32 s10, $0x1;
	s10 =	sld [smem:$0x3FB6]  }
0x3d: {  	_ =	shalt  }
0x3e: {  	_ =	shalt  }
0x3f: {  	_ =	shalt  }
0x40: {  	_ =	shalt  }
0x41: {  	_ =	shalt  }
0x42: {  	_ =	shalt  }
0x43: {  	_ =	shalt  }
0x44: {  	_ =	shalt  }
0x45: {  	_ =	shalt  }
0x46: {  	_ =	shalt  }
0x47: {  	_ =	shalt  }
0x48: {  	_ =	shalt  }
0x49: {  	_ =	shalt  }
0x4a: {  	_ =	shalt  }
0x4b: {  	_ =	shalt  }
0x4c: {  	_ =	shalt  }
0x4d: {  	_ =	shalt  }
0x4e: {  	_ =	shalt  }
0x4f: {  	_ =	shalt  }
0x50: {  	_ =	shalt  }
0x51: {  	_ =	shalt  }
0x52: {  	_ =	shalt  }
0x53: {  	_ =	shalt  }
0x54: {  	_ =	shalt  }
0x55: {  	_ =	shalt  }
0x56: {  	_ =	shalt  }
0x57: {  	_ =	shalt  }
0x58: {  	_ =	shalt  }
0x59: {  	_ =	shalt  }
0x5a: {  	_ =	shalt  }
0x5b: {  	_ =	shalt  }
0x5c: {  	_ =	shalt  }
0x5d: {  	_ =	shalt  }
0x5e: {  	_ =	shalt  }
0x5f: {  	_ =	shalt  }
0x60: {  	_ =	shalt  }
0x61: {  	_ =	shalt  }
0x62: {  	_ =	shalt  }
0x63: {  	_ =	shalt  }
0x64: {  	_ =	shalt  }
0x65: {  	_ =	shalt  }
0x66: {  	_ =	shalt  }
0x67: {  	_ =	shalt  }
0x68: {  	_ =	shalt  }
0x69: {  	_ =	shalt  }
0x6a: {  	_ =	shalt  }
0x6b: {  	_ =	shalt  }
0x6c: {  	_ =	shalt  }
0x6d: {  	_ =	shalt  }
0x6e: {  	_ =	shalt  }
0x6f: {  	_ =	shalt  }
0x70: {  	_ =	shalt  }
0x71: {  	_ =	shalt  }
0x72: {  	_ =	shalt  }
0x73: {  	_ =	shalt  }
0x74: {  	_ =	shalt  }
0x75: {  	_ =	shalt  }
0x76: {  	_ =	shalt  }
0x77: {  	_ =	shalt  }
0x78: {  	_ =	shalt  }
0x79: {  	_ =	shalt  }
0x7a: {  	_ =	shalt  }
0x7b: {  	_ =	shalt  }
0x7c: {  	_ =	shalt  }
0x7d: {  	_ =	shalt  }
0x7e: {  	_ =	shalt  }
0x7f: {  	_ =	shalt  }
0x80: {  	_ =	shalt  }
0x81: {  	_ =	shalt  }
0x82: {  	_ =	shalt  }
0x83: {  	_ =	shalt  }
0x84: {  	_ =	shalt  }
0x85: {  	_ =	shalt  }
0x86: {  	_ =	shalt  }
0x87: {  	_ =	shalt  }
.Lfunc_end0:
.L_simem_size_0:
called_computation_lowered:
.L_overlay_start_0:
0x88: {  	s2 =	sld [smem:$0x3FD9]  }
0x89: {  	s3 =	sld [smem:$0x3FFE];
	_ =	sdelay $0x1  }
0x8a: {  	s1 =	srdreg.scid  }
0x8b: {  	s0 =	sand.u32 $0x1, s1  }
0x8c: {  	s14 =	sshll.u32 s0, $0xA;
	s2 =	sadd.s32 s3, s2  }
0x8d: {  	s2 =	sadd.s32 s2, s14  }
0x8e: {  	[smem:$0x3FC2] =	sst s2  }
0x8f: {  	_ = 	snop  }
0x90: {  	s2 =	sld [smem:$0x3FD0];
	_ =	sdelay $0x2  }
0x91: {  	s15 =	simm.s32 $0xA;
	s4 =	simm.s32 $0x10  }
0x92: {  	[smem:s4], [sflag:s15] =	dma.local [hbm:s2], $0x1  }
0x93: {  	_ =	swait.eq [sflag:s15], $0x1  }
0x94: {  	[sflag:s15] =	ssyncset.done $0x0  }
0x95: {  	[sflag:s15] =	ssyncadd.s32 $0xFFFFFFFF  }
0x96: {  	s16 =	sld [smem:$0x11];
	(tm) =	ssettm $0x1  }
0x97: {  	s17 =	sld [smem:$0x3FFB];
	_ =	sdelay $0x3  }
0x98: {  	_ =	strace s17  }
0x99: {  	s3 =	sld [smem:$0x3FFC];
	_ =	sdelay $0x3  }
0x9a: {  	_ =	strace s3  }
0x9b: {  	s3 =	sld [smem:$0x3FFD];
	_ =	sdelay $0x3  }
0x9c: {  	_ =	strace s3  }
0x9d: {  	_ =	strace $0x8FFFFFFF  }
0x9e: {  	s18 =	sld [smem:$0x3FDB];
	_ =	sdelay $0x1  }
0x9f: {  	s19 =	simm.s32 $_scs_section_size  }
0xa0: {  	s5 =	simm.s32 $_size__tile_overlayer_lowered;
	s6 =	simm.s32 $_tile_overlayer_lowered  }
0xa1: {  	s22 =	simm.s32 $0x1BFF;
	s21 =	sshll.u32 s6, $0x1;
	s3 =	sadd.s32 s19, s18  }
0xa2: {  	s7 =	simm.s32 $0x0;
	s20 =	sshll.u32 s5, $0x1;
	s5 =	sadd.s32 s21, s3  }
0xa3: {  	[timem:s7], [sflag:s22] =	dma.local [hbm:s5], s20  }
0xa4: {  	_ =	swait.ge [sflag:s22], s20  }
0xa5: {  	s4 =	ssub.s32 $0x0, s20;
	[sflag:s22] =	ssyncset.done $0x0  }
0xa6: {  	[sflag:s22] =	ssyncadd.s32 s4;
	_ =	sdelay $0x1  }
0xa7: {  	s23 =	simm.s32 $0x1B8B  }
0xa8: {  	_ =	swait.ge [sflag:s23], $0x1  }
0xa9: {  	[sflag:s23] =	ssyncset.done $0x0  }
0xaa: {  	s25 =	simm.s32 $0x1B8E;
	s24 =	sld [smem:$0x3FFE];
	[sflag:s23] =	ssyncadd.s32 $0xFFFFFFFF  }
0xab: {  	s26 =	simm.s32 $execute0_lowered;
	[smem:$0x3FD2] =	sst s25  }
0xac: {  	s5 =	sshll.u32 s26, $0x1;
	_ =	strace $0x80000046;
	[dreg:$0x1] =	wrdreg $0xFFFFFFFF  }
0xad: {  	s28 =	simm.s32 $_size_execute0_lowered;
	s3 =	sadd.s32 s3, s5;
	[dreg:$0x0] =	wrdreg $0x0  }
0xae: {  	s5 =	sshll.u32 s28, $0x1;
	[dreg:$0x2] =	wrdreg s3  }
0xaf: {  	[dreg:$0x3] =	wrdreg s5  }
0xb0: {  	[dreg:$0x4] =	wrdreg $0xC0  }
0xb1: {  	_ =	task [dreg:s7], $0x5FFFF  }
0xb2: {  	[dreg:$0x1] =	wrdreg $0xFFFFFFFF  }
0xb3: {  	[dreg:$0x0] =	wrdreg $0x60  }
0xb4: {  	[dreg:$0x2] =	wrdreg s24  }
0xb5: {  	[dreg:$0x3] =	wrdreg s16  }
0xb6: {  	[dreg:$0x4] =	wrdreg $0x9  }
0xb7: {  	_ =	task.clear_ibuf [dreg:s7], $0x5FFFF;
	_ =	strace $0x90000046  }
0xb8: {  	s29 =	simm.s32 $0x9;
	_ =	strace $0x80000048  }
0xb9: {  	_ =	swait.ge [sflag:s29], $0x1  }
0xba: {  	[sflag:s29] =	ssyncadd.s32 $0xFFFFFFFF  }
0xbb: {  	_ =	strace $0x90000048  }
0xbc: {  	_ =	sfence  }
0xbd: {  	s30 =	sld [smem:$0x0];
	_ =	sdelay $0x2  }
0xbe: {  	s31 =	sshll.u32 s1, $0xD;
	s1 =	sshrl.u32 s1, $0x2  }
0xbf: {  	s3 =	sand.u32 $0x4000, s31;
	s1 =	sadd.s32 s1, s30  }
0xc0: {  	s0 =	sor.u32 s3, s0;
	s1 =	sshll.u32 s1, $0x11  }
0xc1: {  	s0 =	sor.u32 s1, s0  }
0xc2: {  	s0 =	sadd.s32 $0x8F2B, s0  }
0xc3: {  	[sflag:s0] =	ssyncadd.remote.s32 $0x1  }
0xc4: {  	_ =	sfence.sel $0xFFFF  }
0xc5: {  	[dreg:$0x0] =	wrdreg $0xFFFFFFFF;
	(pc) =	sbr.abs _section_cstart, $3  }
0xc6: {  	[dreg:$0x1] =	wrdreg $0xFFFFFFFF  }
0xc7: {  	_ =	task.clear_ibuf [dreg:s7], $0x2FFFF;
	_ =	strace $0x9FFFFFFF  }
0xc8: {  	(tm) =	ssettm $0x7FFFFFFF  }
0xc9: {  	_ =	shalt  }
tec
execute0_lowered:
.L_overlay_start_1:
0x0: {  	(tag) =	ssettag $0x1  }
0x1: {  	s0 =	srdreg.scid  }
0x2: {  	s6 =	sand.u32 $0x1, s0;
	s0 =	stileid.u32  }
0x3: {  	s4 =	sshll.u32 s0, $0x1;
	s5 =	ssub.s32 $0x0, s6  }
0x4: {  	p0 =	sne.s32 s4, s5  }
.Ltmp0:
0x5: {  	_ = 	snop;
	(pc) =	sbr.rel @p0 .LBB2_4-.Ltmp0, $4  }
0x6: {  	_ = 	snop  }
0x7: {  	s3 =	rddreg [dreg:$0x0]  }
0x8: {  	s2 =	rddreg [dreg:$0x1]  }
0x9: {  	s1 =	rddreg [dreg:$0x2];
	_ =	strace $0x80000047  }
0xa: {  	s5 =	sadd.s32 $0xC00, s3;
	v0 =	vimm.s32 $0x76543210;
	v1 =	vimm.s32 $0xFEDCBA98  }
0xb: {  	s4 =	simm.s32 $0x0;
	s3 =	simm.s32 $0x1;
	v2 =	vimm.s32 $0x3210FEDC;
	v3 =	vimm.s32 $0xBA987654;
	v4 =	vimm.s32 $0x10FEDCBA  }
0xc: {  	v5 =	vimm.s32 $0x98765432;
	[tilespmem:s4], [sflag:$0x1] =	stream.linear.gather [hbm4b:s5+s4], $0x180, $0x38;
	[tilespmem:$0x280] =	vst v63  }
0xd: {  	v6 =	vimm.s32 $0xFEDCBA9;
	v7 =	vimm.s32 $0x87654321;
	_ =	swait.ge [sflag:s3], $0x180  }
0xe: {  	v0 =	vunpack.c.l.s4.s8 v0;
	v1 =	vunpack.c.l.s4.s8 v1;
	v2 =	vunpack.c.l.s4.s8 v2;
	[sflag:s3] =	ssyncset.done $0x0  }
0xf: {  	v3 =	vunpack.c.l.s4.s8 v3;
	v4 =	vunpack.c.l.s4.s8 v4;
	v5 =	vunpack.c.l.s4.s8 v5;
	[sflag:s3] =	ssyncadd.s32 $0xFFFFFE80  }
0x10: {  	v6 =	vunpack.c.l.s4.s8 v6;
	v7 =	vunpack.c.l.s4.s8 v7;
	v2 =	vunpack.c.0.s8.s32 v2;
	v8 =	vld [tilespmem:$0x80]  }
0x11: {  	v3 =	vunpack.c.0.s8.s32 v3;
	v4 =	vunpack.c.0.s8.s32 v4;
	v5 =	vunpack.c.0.s8.s32 v5;
	v9 =	vld [tilespmem:$0x0]  }
0x12: {  	v1 =	vunpack.c.0.s8.s32 v1;
	v6 =	vunpack.c.0.s8.s32 v6;
	v7 =	vunpack.c.0.s8.s32 v7;
	v10 =	vld [tilespmem:$0x10]  }
0x13: {  	v0 =	vunpack.c.0.s8.s32 v0;
	v11 =	vcombine.low v3, v2;
	v55 =	vld [tilespmem:$0x40]  }
0x14: {  	v5 =	vcombine.low v5, v4;
	v1 =	vand.u32 $0xF, v1;
	v6 =	vcombine.low v7, v6;
	v7 =	vld [tilespmem:$0x20]  }
0x15: {  	v12 =	vld [tilespmem:$0x90];
	v2 =	vimm.f32 $0.0e+00;
	v3 =	vcombine.low v1, v0;
	v0 =	vimm.s32 $0x0  }
0x16: {  	v14 =	vld [tilespmem:$0x30];
	v4 =	vand.u32 $0xF, v11;
	v5 =	vand.u32 $0xF, v5;
	v1 =	vand.u32 $0xF, v6  }
0x17: {  	v11 =	vld [tilespmem:$0xA0];
	v6 =	vadd.f32 $0.0e+00, v8;
	v13 =	vadd.f32 $0.0e+00, v9;
	vm1 =	vgt.f32 v8, $0.0e+00  }
0x18: {  	v17 =	vld [tilespmem:$0x50];
	vm2 =	vgt.f32 v9, $0.0e+00;
	vm3 =	vgt.f32 v10, $0.0e+00;
	vm4 =	vgt.f32 v55, $0.0e+00  }
0x19: {  	v9 =	vsel vm1, $0x3F800000, v2;
	v16 =	vsel vm2, $0x3F800000, v2;
	vm1 =	vgt.f32 v7, $0.0e+00  }
0x1a: {  	v8 =	vld [tilespmem:$0xB0];
	v6 =	vadd.f32 v12, v6;
	v10 =	vadd.f32 v10, v13;
	v13 =	vsel vm3, $0x3F800000, v2  }
0x1b: {  	v15 =	vld [tilespmem:$0xC0];
	v18 =	vsel vm1, $0x3F800000, v2;
	vm1 =	vgt.f32 v12, $0.0e+00;
	vm3 =	vgt.f32 v14, $0.0e+00  }
0x1c: {  	vm2 =	vgt.f32 v11, $0.0e+00;
	v12 =	vadd.f32 v13, v16;
	v56 =	vsel vm3, $0x3F800000, v2  }
0x1d: {  	vm3 =	vgt.f32 v17, $0.0e+00;
	v16 =	vsel vm4, $0x3F800000, v2;
	v6 =	vadd.f32 v11, v6  }
0x1e: {  	v13 =	vld [tilespmem:$0xD0];
	v7 =	vadd.f32 v7, v10;
	v10 =	vsel vm1, $0x3F800000, v2;
	v57 =	vsel vm3, $0x3F800000, v2  }
0x1f: {  	v11 =	vld [tilespmem:$0x100];
	vm1 =	vgt.f32 v8, $0.0e+00;
	v9 =	vadd.f32 v10, v9;
	v10 =	vsel vm2, $0x3F800000, v2  }
0x20: {  	vm2 =	vgt.f32 v15, $0.0e+00;
	v12 =	vadd.f32 v18, v12;
	v6 =	vadd.f32 v8, v6;
	v8 =	vld [tilespmem:$0xE0]  }
0x21: {  	v7 =	vadd.f32 v14, v7;
	v19 =	vsel vm1, $0x3F800000, v2;
	v9 =	vadd.f32 v10, v9;
	v10 =	vld [tilespmem:$0x110]  }
0x22: {  	v58 =	vsel vm2, $0x3F800000, v2;
	v12 =	vadd.f32 v56, v12;
	v6 =	vadd.f32 v15, v6;
	v15 =	vld [tilespmem:$0x60]  }
0x23: {  	v22 =	vld [tilespmem:$0x120];
	v7 =	vadd.f32 v55, v7;
	vm2 =	vgt.f32 v13, $0.0e+00;
	v9 =	vadd.f32 v19, v9  }
0x24: {  	v14 =	vld [tilespmem:$0xF0];
	vm1 =	vgt.f32 v11, $0.0e+00;
	v21 =	vsel vm2, $0x3F800000, v2;
	v6 =	vadd.f32 v13, v6  }
0x25: {  	v20 =	vld [tilespmem:$0x70];
	v11 =	vadd.f32 $0.0e+00, v11;
	v7 =	vadd.f32 v17, v7;
	v13 =	vsel vm1, $0x3F800000, v2  }
0x26: {  	v9 =	vadd.f32 v58, v9;
	v6 =	vadd.f32 v8, v6;
	vm1 =	vgt.f32 v10, $0.0e+00  }
0x27: {  	v10 =	vadd.f32 v10, v11;
	v7 =	vadd.f32 v15, v7;
	vm2 =	vgt.f32 v15, $0.0e+00  }
0x28: {  	v60 =	vsel vm1, $0x3F800000, v2;
	vm1 =	vgt.f32 v22, $0.0e+00;
	v9 =	vadd.f32 v21, v9  }
0x29: {  	v6 =	vadd.f32 v14, v6;
	v15 =	vsel vm2, $0x3F800000, v2;
	v13 =	vadd.f32 v60, v13  }
0x2a: {  	vm2 =	vgt.f32 v20, $0.0e+00;
	v10 =	vadd.f32 v22, v10;
	v7 =	vadd.f32 v20, v7  }
0x2b: {  	v20 =	vsel vm2, $0x3F800000, v2;
	vm2 =	vgt.f32 v8, $0.0e+00;
	v8 =	vadd.f32 v16, v12;
	v12 =	vld [tilespmem:$0x130]  }
0x2c: {  	v63 =	vsel vm1, $0x3F800000, v2;
	v23 =	vperm.xlane v6, v3;
	v61 =	vsel vm2, $0x3F800000, v2  }
0x2d: {  	v25 =	vld [tilespmem:$0x140];
	v13 =	vadd.f32 v63, v13;
	v59 =	vperm.xlane v7, v3;
	v8 =	vadd.f32 v57, v8  }
0x2e: {  	vm1 =	vgt.f32 v14, $0.0e+00;
	v9 =	vadd.f32 v61, v9;
	v11 =	vadd.f32 v23, v6  }
0x2f: {  	v14 =	vsel vm1, $0x3F800000, v2;
	v18 =	vadd.f32 v59, v7;
	v8 =	vadd.f32 v15, v8  }
0x30: {  	v9 =	vadd.f32 v14, v9;
	v14 =	vld [tilespmem:$0x170];
	v24 =	vperm.xlane v11, v4;
	vm1 =	vgt.f32 v12, $0.0e+00  }
0x31: {  	v10 =	vadd.f32 v12, v10;
	v12 =	vld [tilespmem:$0x150];
	v62 =	vperm.xlane v18, v4;
	v27 =	vsel vm1, $0x3F800000, v2  }
0x32: {  	vm1 =	vgt.f32 v25, $0.0e+00;
	v8 =	vadd.f32 v20, v8;
	v32 =	vperm.xlane v9, v3  }
0x33: {  	v29 =	vld [tilespmem:$0x160];
	v11 =	vadd.f32 v24, v11;
	v13 =	vadd.f32 v27, v13;
	v28 =	vsel vm1, $0x3F800000, v2  }
0x34: {  	v10 =	vadd.f32 v25, v10;
	v18 =	vadd.f32 v62, v18;
	v30 =	vperm.xlane v8, v3  }
0x35: {  	v24 =	vperm.xlane v11, v5;
	v13 =	vadd.f32 v28, v13;
	vm2 =	vgt.f32 v14, $0.0e+00  }
0x36: {  	v15 =	vperm.xlane v18, v5;
	v10 =	vadd.f32 v12, v10;
	vm1 =	vgt.f32 v12, $0.0e+00  }
0x37: {  	v12 =	vadd.f32 v30, v8;
	v37 =	vsel vm2, $0x3F800000, v2;
	v11 =	vadd.f32 v24, v11  }
0x38: {  	v31 =	vsel vm1, $0x3F800000, v2;
	v15 =	vadd.f32 v15, v18;
	v10 =	vadd.f32 v29, v10  }
0x39: {  	v13 =	vadd.f32 v31, v13;
	v33 =	vperm.xlane v12, v4;
	v26 =	vperm.xlane v11, v1  }
0x3a: {  	v18 =	vperm.xlane v15, v1;
	v10 =	vadd.f32 v14, v10;
	v14 =	vadd.f32 v32, v9  }
0x3b: {  	vm1 =	vgt.f32 v29, $0.0e+00;
	v12 =	vadd.f32 v33, v12;
	v11 =	vadd.f32 v26, v11  }
0x3c: {  	v15 =	vadd.f32 v18, v15;
	v35 =	vperm.xlane v10, v3;
	v36 =	vperm.xlane v14, v4  }
0x3d: {  	v17 =	vsel vm1, $0x3F800000, v2;
	v39 =	vperm.xlane v12, v5;
	v11 =	vperm.xlane v11, v0  }
0x3e: {  	v13 =	vadd.f32 v17, v13;
	v15 =	vperm.xlane v15, v0;
	v38 =	vadd.f32 v35, v10  }
0x3f: {  	v14 =	vadd.f32 v36, v14;
	v12 =	vadd.f32 v39, v12;
	v11 =	vmul.f32 $1.250000000e-01, v11  }
0x40: {  	v13 =	vadd.f32 v37, v13;
	v15 =	vmul.f32 $1.250000000e-01, v15;
	v40 =	vperm.xlane v38, v4  }
0x41: {  	vm0 =	vmmov $0xff;
	v41 =	vperm.xlane v14, v5;
	v43 =	vperm.xlane v12, v1  }
0x42: {  	v34 =	vmul.f32 v11, v11;
	v6 =	vsub.f32 v6, v11;
	v11 =	vperm.xlane v13, v3  }
0x43: {  	v7 =	vsub.f32 v7, v15;
	v15 =	vmul.f32 v15, v15;
	v17 =	vadd.f32 v40, v38  }
0x44: {  	v14 =	vadd.f32 v41, v14;
	v12 =	vadd.f32 v43, v12;
	v6 =	vnsel vm0, $0x0, v6  }
0x45: {  	v11 =	vadd.f32 v11, v13;
	v16 =	vadd.f32 $1.000000010e-10, v34;
	v6 =	vmul.f32 v6, v6  }
0x46: {  	v7 =	vnsel vm0, $0x0, v7;
	v44 =	vperm.xlane v17, v5;
	v45 =	vperm.xlane v14, v1  }
0x47: {  	v12 =	vperm.xlane v12, v0;
	v15 =	vadd.f32 $1.000000010e-10, v15;
	v7 =	vmul.f32 v7, v7  }
0x48: {  	v46 =	vperm.xlane v11, v4;
	v48 =	vperm.xlane v6, v3;
	v14 =	vadd.f32 v45, v14  }
0x49: {  	v17 =	vadd.f32 v44, v17;
	v12 =	vmul.f32 $1.250000000e-01, v12;
	(erf) = vrcp.f32 v15  }
0x4a: {  	v42 =	vperm.xlane v7, v3;
	v11 =	vadd.f32 v46, v11;
	(erf) = vrcp.f32 v16  }
0x4b: {  	v14 =	vperm.xlane v14, v0;
	v8 =	vsub.f32 v8, v12;
	v12 =	vmul.f32 v12, v12  }
0x4c: {  	v15 =	vperm.xlane v17, v1;
	v49 =	vperm.xlane v11, v5  }
0x4d: {  	v6 =	vadd.f32 v6, v48;
	v7 =	vadd.f32 v7, v42;
	v14 =	vmul.f32 $1.250000000e-01, v14  }
0x4e: {  	v8 =	vnsel vm0, $0x0, v8;
	v15 =	vadd.f32 v15, v17;
	v11 =	vadd.f32 v49, v11  }
0x4f: {  	v52 =	vperm.xlane v6, v4;
	v12 =	vadd.f32 $1.000000010e-10, v12;
	v47 =	vperm.xlane v7, v4  }
0x50: {  	v8 =	vmul.f32 v8, v8;
	v9 =	vsub.f32 v9, v14;
	v51 =	vperm.xlane v11, v1  }
0x51: {  	v14 =	vmul.f32 v14, v14;
	v15 =	vperm.xlane v15, v0;
	v6 =	vadd.f32 v6, v52  }
0x52: {  	(erf) = vrcp.f32 v12;
	v7 =	vadd.f32 v7, v47;
	v11 =	vadd.f32 v51, v11  }
0x53: {  	v55 =	vperm.xlane v8, v3;
	v9 =	vnsel vm0, $0x0, v9;
	v15 =	vmul.f32 $1.250000000e-01, v15  }
0x54: {  	v14 =	vadd.f32 $1.000000010e-10, v14;
	v56 =	vperm.xlane v6, v5;
	v11 =	vperm.xlane v11, v0  }
0x55: {  	v50 =	vperm.xlane v7, v5;
	v9 =	vmul.f32 v9, v9;
	v10 =	vsub.f32 v10, v15  }
0x56: {  	v8 =	vadd.f32 v8, v55;
	v15 =	vmul.f32 v15, v15;
	v11 =	vmul.f32 $1.250000000e-01, v11  }
0x57: {  	v17 =	vadd.f32 v6, v56;
	v54 =	vperm.xlane v9, v3;
	v10 =	vnsel vm0, $0x0, v10  }
0x58: {  	v7 =	vadd.f32 v7, v50;
	v10 =	vmul.f32 v10, v10;
	v13 =	vsub.f32 v13, v11  }
0x59: {  	v61 =	vpop (erf);
	(erf) = vrcp.f32 v14;
	v19 =	vperm.xlane v8, v4;
	v9 =	vadd.f32 v9, v54  }
0x5a: {  	v53 =	vperm.xlane v7, v1;
	v58 =	vperm.xlane v10, v3;
	v13 =	vnsel vm0, $0x0, v13  }
0x5b: {  	v57 =	vperm.xlane v9, v4;
	v13 =	vmul.f32 v13, v13  }
0x5c: {  	s6 =	ssub.s32 $0x2, s6;
	v62 =	vperm.xlane v17, v1;
	v8 =	vadd.f32 v8, v19;
	v10 =	vadd.f32 v10, v58  }
0x5d: {  	s7 =	sshrl.u32 s6, $0x1;
	v7 =	vadd.f32 v7, v53;
	v9 =	vadd.f32 v9, v57;
	v59 =	vperm.xlane v13, v3  }
0x5e: {  	s6 =	ssub.s32 s6, s7;
	v12 =	vadd.f32 $1.000000010e-10, v15;
	v15 =	vperm.xlane v8, v5;
	v60 =	vperm.xlane v10, v4  }
0x5f: {  	s7 =	smax.u32 s6, $0x1;
	v7 =	vperm.xlane v7, v0;
	v6 =	vperm.xlane v9, v5;
	v13 =	vadd.f32 v13, v59  }
0x60: {  	p0 =	sne.s32 s7, $0x1;
	v11 =	vmul.f32 v11, v11;
	v8 =	vadd.f32 v8, v15;
	v14 =	vadd.f32 v10, v60  }
.Ltmp1:
0x61: {  	v7 =	vmul.f32 $1.250000000e-01, v7;
	v9 =	vadd.f32 v9, v6;
	v10 =	vperm.xlane v13, v4;
	(pc) =	sbr.rel @!p0 .LBB2_3-.Ltmp1, $4  }
0x62: {  	v6 =	vadd.f32 $1.000000010e-10, v11;
	v11 =	vperm.xlane v8, v1;
	v15 =	vperm.xlane v14, v5  }
0x63: {  	(erf) = vrcp.f32 v12;
	v63 =	vperm.xlane v9, v1;
	v10 =	vadd.f32 v13, v10  }
0x64: {  	v7 =	vmul.f32 v7, v61;
	v12 =	vadd.f32 v8, v11;
	v8 =	vadd.f32 v14, v15  }
0x65: {  	s6 =	simm.s32 $0x200;
	s7 =	sadd.s32 $0xFFFFFFFF, s7;
	v11 =	vadd.f32 v9, v63;
	v9 =	vpop (erf);
	v13 =	vadd.f32 v17, v62;
	v14 =	vperm.xlane v10, v5  }
.LBB2_2:
0x66: {  	p0 =	sne.s32 s7, $0x1;
	s7 =	sadd.s32 $0xFFFFFFFF, s7;
	v7 =	vadd.f32 $0.0e+00, v7;
	v12 =	vperm.xlane v12, v0;
	v15 =	vpop (erf);
	(erf) = vrcp.f32 v6  }
0x67: {  	v6 =	vperm.xlane v13, v0;
	v13 =	vperm.xlane v8, v1;
	v10 =	vadd.f32 v10, v14  }
0x68: {  	v11 =	vperm.xlane v11, v0;
	v12 =	vmul.f32 $1.250000000e-01, v12;
	v14 =	vpop (erf)  }
0x69: {  	v6 =	vmul.f32 $1.250000000e-01, v6;
	v8 =	vadd.f32 v8, v13;
	v13 =	vperm.xlane v10, v1  }
0x6a: {  	v12 =	vmul.f32 v12, v15;
	v15 =	vmul.f32 $1.250000000e-01, v11  }
0x6b: {  	v6 =	vmul.f32 v6, v9;
	v8 =	vperm.xlane v8, v0;
	v9 =	vadd.f32 v10, v13  }
0x6c: {  	v7 =	vadd.f32 v12, v7;
	v10 =	vmul.f32 v15, v14;
	v11 =	vpop (erf)  }
0x6d: {  	v8 =	vmul.f32 $1.250000000e-01, v8;
	v12 =	vperm.xlane v9, v0  }
0x6e: {  	v6 =	vadd.f32 v6, v7  }
0x6f: {  	v7 =	vmul.f32 v8, v11;
	v8 =	vmul.f32 $1.250000000e-01, v12;
	v9 =	vpop (erf)  }
0x70: {  	v6 =	vadd.f32 v10, v6  }
0x71: {  	v8 =	vmul.f32 v8, v9  }
0x72: {  	v6 =	vadd.f32 v7, v6;
	_ =	sdelay $0x1  }
0x73: {  	v6 =	vadd.f32 v8, v6;
	_ =	sdelay $0x1  }
0x74: {  	v6 =	vmul.f32 $9.999999770e-03, v6;
	_ =	sdelay $0x1  }
0x75: {  	[tilespmem:$0x200] =	vst v6  }
0x76: {  	[hbm4b:s2+s4] =	stream.linear.scatter [tilespmem:s6], [sflag:$0x1], $0x80, $0x38;
	[tilespmem:$0x280] =	vst v63  }
0x77: {  	_ =	swait.ge [sflag:s3], $0x80  }
0x78: {  	[sflag:s3] =	ssyncset.done $0x0  }
0x79: {  	[sflag:s3] =	ssyncadd.s32 $0xFFFFFF80;
	_ =	sdelay $0x3  }
0x7a: {  	[tilespmem:s4], [sflag:$0x1] =	stream.linear.gather [hbm4b:s5+s4], $0x180, $0x38;
	[tilespmem:$0x280] =	vst v63  }
0x7b: {  	_ =	swait.ge [sflag:s3], $0x180  }
0x7c: {  	[sflag:s3] =	ssyncset.done $0x0  }
0x7d: {  	[sflag:s3] =	ssyncadd.s32 $0xFFFFFE80  }
0x7e: {  	v6 =	vld [tilespmem:$0x80]  }
0x7f: {  	v7 =	vld [tilespmem:$0x0]  }
0x80: {  	v8 =	vld [tilespmem:$0x10]  }
0x81: {  	v9 =	vld [tilespmem:$0x90]  }
0x82: {  	v10 =	vld [tilespmem:$0x20]  }
0x83: {  	v11 =	vld [tilespmem:$0xA0]  }
0x84: {  	v14 =	vadd.f32 $0.0e+00, v6;
	vm1 =	vgt.f32 v6, $0.0e+00;
	v12 =	vadd.f32 $0.0e+00, v7;
	v13 =	vld [tilespmem:$0x30]  }
0x85: {  	vm2 =	vgt.f32 v7, $0.0e+00;
	v6 =	vsel vm1, $0x3F800000, v2;
	vm3 =	vgt.f32 v8, $0.0e+00;
	v7 =	vld [tilespmem:$0xB0]  }
0x86: {  	v8 =	vadd.f32 v8, v12;
	v12 =	vsel vm3, $0x3F800000, v2;
	v15 =	vld [tilespmem:$0x40];
	v14 =	vadd.f32 v9, v14  }
0x87: {  	v16 =	vsel vm2, $0x3F800000, v2;
	vm1 =	vgt.f32 v10, $0.0e+00;
	v17 =	vld [tilespmem:$0xC0]  }
0x88: {  	v18 =	vsel vm1, $0x3F800000, v2;
	v19 =	vld [tilespmem:$0x50];
	vm1 =	vgt.f32 v9, $0.0e+00;
	v9 =	vadd.f32 v11, v14  }
0x89: {  	v12 =	vadd.f32 v12, v16;
	v8 =	vadd.f32 v10, v8;
	vm2 =	vgt.f32 v11, $0.0e+00;
	v10 =	vld [tilespmem:$0xD0]  }
0x8a: {  	v14 =	vsel vm1, $0x3F800000, v2;
	v11 =	vld [tilespmem:$0x60];
	v9 =	vadd.f32 v7, v9;
	vm1 =	vgt.f32 v7, $0.0e+00  }
0x8b: {  	vm3 =	vgt.f32 v13, $0.0e+00;
	v6 =	vadd.f32 v14, v6;
	v7 =	vsel vm2, $0x3F800000, v2;
	v14 =	vld [tilespmem:$0xE0]  }
0x8c: {  	v8 =	vadd.f32 v13, v8;
	v9 =	vadd.f32 v17, v9;
	vm2 =	vgt.f32 v17, $0.0e+00;
	v13 =	vld [tilespmem:$0x100]  }
0x8d: {  	v12 =	vadd.f32 v18, v12;
	v16 =	vsel vm3, $0x3F800000, v2;
	vm3 =	vgt.f32 v19, $0.0e+00;
	v17 =	vld [tilespmem:$0xF0]  }
0x8e: {  	vm4 =	vgt.f32 v15, $0.0e+00;
	v8 =	vadd.f32 v15, v8;
	v9 =	vadd.f32 v10, v9  }
0x8f: {  	v15 =	vsel vm4, $0x3F800000, v2;
	v6 =	vadd.f32 v7, v6;
	v7 =	vsel vm1, $0x3F800000, v2;
	v18 =	vld [tilespmem:$0x110]  }
0x90: {  	v8 =	vadd.f32 v19, v8;
	v19 =	vsel vm3, $0x3F800000, v2;
	v20 =	vld [tilespmem:$0x70];
	v9 =	vadd.f32 v14, v9  }
0x91: {  	v6 =	vadd.f32 v7, v6;
	v7 =	vsel vm2, $0x3F800000, v2;
	vm1 =	vgt.f32 v13, $0.0e+00  }
0x92: {  	vm2 =	vgt.f32 v10, $0.0e+00;
	v9 =	vadd.f32 v17, v9;
	v10 =	vsel vm1, $0x3F800000, v2  }
0x93: {  	v21 =	vsel vm2, $0x3F800000, v2;
	v8 =	vadd.f32 v11, v8;
	v13 =	vadd.f32 $0.0e+00, v13;
	v22 =	vld [tilespmem:$0x120]  }
0x94: {  	v12 =	vadd.f32 v16, v12;
	v16 =	vperm.xlane v9, v3;
	vm1 =	vgt.f32 v18, $0.0e+00  }
0x95: {  	vm2 =	vgt.f32 v11, $0.0e+00;
	v11 =	vadd.f32 v18, v13;
	v8 =	vadd.f32 v20, v8  }
0x96: {  	v13 =	vsel vm2, $0x3F800000, v2;
	vm2 =	vgt.f32 v20, $0.0e+00;
	v16 =	vadd.f32 v16, v9  }
0x97: {  	v23 =	vsel vm1, $0x3F800000, v2;
	v18 =	vsel vm2, $0x3F800000, v2;
	v20 =	vperm.xlane v8, v3  }
0x98: {  	v10 =	vadd.f32 v23, v10;
	v24 =	vperm.xlane v16, v4;
	vm1 =	vgt.f32 v22, $0.0e+00;
	v23 =	vld [tilespmem:$0x130]  }
0x99: {  	v6 =	vadd.f32 v7, v6;
	vm2 =	vgt.f32 v14, $0.0e+00;
	v20 =	vadd.f32 v20, v8  }
0x9a: {  	v7 =	vadd.f32 v15, v12;
	v12 =	vsel vm2, $0x3F800000, v2;
	v14 =	vadd.f32 v24, v16  }
0x9b: {  	v11 =	vadd.f32 v22, v11;
	v16 =	vsel vm1, $0x3F800000, v2;
	v15 =	vperm.xlane v20, v4  }
0x9c: {  	v7 =	vadd.f32 v19, v7;
	v6 =	vadd.f32 v21, v6;
	v19 =	vperm.xlane v14, v5;
	v21 =	vld [tilespmem:$0x140]  }
0x9d: {  	vm1 =	vgt.f32 v17, $0.0e+00;
	v10 =	vadd.f32 v16, v10;
	v15 =	vadd.f32 v15, v20  }
0x9e: {  	v16 =	vsel vm1, $0x3F800000, v2;
	vm1 =	vgt.f32 v23, $0.0e+00;
	v14 =	vadd.f32 v19, v14  }
0x9f: {  	v7 =	vadd.f32 v13, v7;
	v11 =	vadd.f32 v23, v11;
	v13 =	vperm.xlane v15, v5;
	v17 =	vld [tilespmem:$0x150]  }
0xa0: {  	v6 =	vadd.f32 v12, v6;
	v19 =	vsel vm1, $0x3F800000, v2;
	v12 =	vperm.xlane v14, v1  }
0xa1: {  	v10 =	vadd.f32 v19, v10;
	v13 =	vadd.f32 v13, v15;
	vm1 =	vgt.f32 v21, $0.0e+00  }
0xa2: {  	v7 =	vadd.f32 v18, v7;
	v12 =	vadd.f32 v12, v14;
	v14 =	vsel vm1, $0x3F800000, v2;
	v15 =	vld [tilespmem:$0x160]  }
0xa3: {  	v11 =	vadd.f32 v21, v11;
	v18 =	vperm.xlane v13, v1;
	v10 =	vadd.f32 v14, v10  }
0xa4: {  	v6 =	vadd.f32 v16, v6;
	v14 =	vperm.xlane v7, v3;
	v12 =	vperm.xlane v12, v0;
	v16 =	vld [tilespmem:$0x170]  }
0xa5: {  	v11 =	vadd.f32 v17, v11;
	vm1 =	vgt.f32 v17, $0.0e+00;
	v13 =	vadd.f32 v18, v13  }
0xa6: {  	v14 =	vadd.f32 v14, v7;
	v17 =	vsel vm1, $0x3F800000, v2;
	v12 =	vmul.f32 $1.250000000e-01, v12  }
0xa7: {  	v10 =	vadd.f32 v17, v10;
	v13 =	vperm.xlane v13, v0;
	v11 =	vadd.f32 v15, v11  }
0xa8: {  	v18 =	vperm.xlane v6, v3;
	v17 =	vperm.xlane v14, v4;
	vm1 =	vgt.f32 v15, $0.0e+00  }
0xa9: {  	v13 =	vmul.f32 $1.250000000e-01, v13;
	v11 =	vadd.f32 v16, v11;
	vm2 =	vgt.f32 v16, $0.0e+00  }
0xaa: {  	v15 =	vmul.f32 v12, v12;
	v16 =	vadd.f32 v18, v6;
	v18 =	vsel vm2, $0x3F800000, v2  }
0xab: {  	v19 =	vsel vm1, $0x3F800000, v2;
	v8 =	vsub.f32 v8, v13;
	v20 =	vperm.xlane v11, v3  }
0xac: {  	v14 =	vadd.f32 v17, v14;
	v10 =	vadd.f32 v19, v10;
	v17 =	vperm.xlane v16, v4  }
0xad: {  	v13 =	vmul.f32 v13, v13;
	v8 =	vnsel vm0, $0x0, v8;
	v19 =	vadd.f32 v20, v11  }
0xae: {  	v10 =	vadd.f32 v18, v10;
	v20 =	vperm.xlane v14, v5;
	v16 =	vadd.f32 v17, v16  }
0xaf: {  	v9 =	vsub.f32 v9, v12;
	v8 =	vmul.f32 v8, v8;
	v12 =	vperm.xlane v19, v4  }
0xb0: {  	v18 =	vperm.xlane v10, v3;
	v14 =	vadd.f32 v20, v14;
	v17 =	vperm.xlane v16, v5  }
0xb1: {  	v9 =	vnsel vm0, $0x0, v9;
	v20 =	vperm.xlane v8, v3;
	v12 =	vadd.f32 v12, v19  }
0xb2: {  	v19 =	vperm.xlane v14, v1;
	v16 =	vadd.f32 v17, v16;
	v17 =	vadd.f32 v18, v10  }
0xb3: {  	v9 =	vmul.f32 v9, v9;
	v8 =	vadd.f32 v8, v20;
	v18 =	vperm.xlane v12, v5  }
0xb4: {  	v14 =	vadd.f32 v19, v14;
	v19 =	vperm.xlane v16, v1;
	v20 =	vperm.xlane v17, v4  }
0xb5: {  	v22 =	vperm.xlane v9, v3;
	v21 =	vperm.xlane v8, v4;
	v12 =	vadd.f32 v18, v12  }
0xb6: {  	v14 =	vperm.xlane v14, v0;
	v16 =	vadd.f32 v19, v16;
	v17 =	vadd.f32 v20, v17  }
0xb7: {  	v13 =	vadd.f32 $1.000000010e-10, v13;
	v8 =	vadd.f32 v8, v21  }
0xb8: {  	v9 =	vadd.f32 v9, v22;
	v14 =	vmul.f32 $1.250000000e-01, v14;
	v16 =	vperm.xlane v16, v0  }
0xb9: {  	v18 =	vperm.xlane v17, v5;
	(erf) = vrcp.f32 v13  }
0xba: {  	v7 =	vsub.f32 v7, v14;
	v13 =	vmul.f32 v14, v14;
	v14 =	vmul.f32 $1.250000000e-01, v16  }
0xbb: {  	v19 =	vperm.xlane v12, v1;
	v16 =	vperm.xlane v8, v5;
	v17 =	vadd.f32 v18, v17  }
0xbc: {  	v7 =	vnsel vm0, $0x0, v7;
	v6 =	vsub.f32 v6, v14;
	v14 =	vmul.f32 v14, v14  }
0xbd: {  	v12 =	vadd.f32 v19, v12;
	v18 =	vperm.xlane v17, v1;
	v7 =	vmul.f32 v7, v7  }
0xbe: {  	v8 =	vadd.f32 v8, v16;
	v6 =	vnsel vm0, $0x0, v6;
	v14 =	vadd.f32 $1.000000010e-10, v14  }
0xbf: {  	v13 =	vadd.f32 $1.000000010e-10, v13;
	v12 =	vperm.xlane v12, v0;
	v16 =	vadd.f32 v18, v17  }
0xc0: {  	v17 =	vperm.xlane v9, v4;
	v6 =	vmul.f32 v6, v6  }
0xc1: {  	v15 =	vadd.f32 $1.000000010e-10, v15;
	v18 =	vperm.xlane v8, v1;
	v12 =	vmul.f32 $1.250000000e-01, v12  }
0xc2: {  	v9 =	vadd.f32 v9, v17;
	v16 =	vperm.xlane v16, v0;
	v17 =	vperm.xlane v6, v3;
	v19 =	vpop (erf)  }
0xc3: {  	v20 =	vperm.xlane v7, v3;
	v11 =	vsub.f32 v11, v12;
	v12 =	vmul.f32 v12, v12  }
0xc4: {  	v8 =	vadd.f32 v8, v18;
	v16 =	vmul.f32 $1.250000000e-01, v16;
	v6 =	vadd.f32 v6, v17  }
0xc5: {  	v7 =	vadd.f32 v7, v20;
	v11 =	vnsel vm0, $0x0, v11;
	v17 =	vperm.xlane v9, v5  }
0xc6: {  	v8 =	vperm.xlane v8, v0;
	v11 =	vmul.f32 v11, v11;
	v10 =	vsub.f32 v10, v16  }
0xc7: {  	v12 =	vadd.f32 $1.000000010e-10, v12;
	v16 =	vmul.f32 v16, v16;
	v18 =	vperm.xlane v6, v4  }
0xc8: {  	v20 =	vperm.xlane v7, v4;
	v21 =	vperm.xlane v11, v3;
	v10 =	vnsel vm0, $0x0, v10  }
0xc9: {  	v8 =	vmul.f32 $1.250000000e-01, v8;
	v18 =	vadd.f32 v6, v18;
	v10 =	vmul.f32 v10, v10  }
0xca: {  	v20 =	vadd.f32 v7, v20;
	v11 =	vadd.f32 v11, v21;
	(erf) = vrcp.f32 v15  }
0xcb: {  	v6 =	vadd.f32 $1.000000010e-10, v16;
	v7 =	vperm.xlane v10, v3;
	(erf) = vrcp.f32 v13  }
0xcc: {  	v9 =	vadd.f32 v9, v17;
	v15 =	vperm.xlane v11, v4;
	v13 =	vperm.xlane v20, v5  }
0xcd: {  	v16 =	vperm.xlane v18, v5;
	v10 =	vadd.f32 v10, v7;
	(erf) = vrcp.f32 v14  }
0xce: {  	v7 =	vmul.f32 v8, v19;
	v11 =	vadd.f32 v11, v15;
	v8 =	vadd.f32 v20, v13  }
.Ltmp2:
0xcf: {  	v15 =	vperm.xlane v10, v4;
	v13 =	vperm.xlane v9, v1;
	v14 =	vadd.f32 v18, v16;
	(pc) =	sbr.rel @p0 .LBB2_2-.Ltmp2, $4  }
0xd0: {  	v17 =	vperm.xlane v11, v5;
	v16 =	vperm.xlane v8, v1  }
0xd1: {  	v10 =	vadd.f32 v10, v15;
	v18 =	vperm.xlane v14, v1;
	(erf) = vrcp.f32 v12  }
0xd2: {  	v12 =	vadd.f32 v8, v16;
	v8 =	vadd.f32 v11, v17  }
0xd3: {  	v13 =	vadd.f32 v9, v13;
	v11 =	vadd.f32 v14, v18;
	v14 =	vperm.xlane v10, v5;
	v9 =	vpop (erf)  }
.LBB2_3:
0xd4: {  	v2 =	vperm.xlane v12, v0  }
0xd5: {  	v4 =	vperm.xlane v8, v1;
	v3 =	vperm.xlane v13, v0  }
0xd6: {  	(erf) = vrcp.f32 v6;
	v5 =	vadd.f32 v10, v14;
	v2 =	vmul.f32 $1.250000000e-01, v2  }
0xd7: {  	v54 =	vpop (erf);
	v55 =	vperm.xlane v11, v0;
	v4 =	vadd.f32 v8, v4;
	v3 =	vmul.f32 $1.250000000e-01, v3  }
0xd8: {  	v7 =	vadd.f32 $0.0e+00, v7;
	v56 =	vperm.xlane v5, v1;
	v2 =	vmul.f32 v2, v54  }
0xd9: {  	v57 =	vmul.f32 $1.250000000e-01, v55;
	v4 =	vperm.xlane v4, v0  }
0xda: {  	v58 =	vpop (erf);
	v3 =	vmul.f32 v3, v9;
	v1 =	vadd.f32 v5, v56;
	v2 =	vadd.f32 v2, v7  }
0xdb: {  	v59 =	vmul.f32 v57, v58  }
0xdc: {  	v4 =	vmul.f32 $1.250000000e-01, v4;
	v60 =	vperm.xlane v1, v0;
	v61 =	vadd.f32 v3, v2  }
0xdd: {  	v62 =	vpop (erf)  }
0xde: {  	v2 =	vmul.f32 v4, v62;
	v0 =	vmul.f32 $1.250000000e-01, v60;
	v1 =	vadd.f32 v59, v61  }
0xdf: {  	v63 =	vpop (erf)  }
0xe0: {  	v0 =	vmul.f32 v0, v63;
	v1 =	vadd.f32 v2, v1;
	_ =	sdelay $0x1  }
0xe1: {  	v0 =	vadd.f32 v0, v1;
	_ =	sdelay $0x1  }
0xe2: {  	v0 =	vmul.f32 $9.999999770e-03, v0;
	_ =	sdelay $0x1  }
0xe3: {  	[tilespmem:$0x200] =	vst v0  }
0xe4: {  	[hbm4b:s2+s4] =	stream.linear.scatter [tilespmem:s6], [sflag:$0x1], $0x80, $0x38;
	[tilespmem:$0x280] =	vst v63  }
0xe5: {  	_ =	swait.ge [sflag:s3], $0x80  }
0xe6: {  	[sflag:s3] =	ssyncset.done $0x0  }
0xe7: {  	[sflag:s3] =	ssyncadd.s32 $0xFFFFFF80  }
.LBB2_4:
0xe8: {  	_ =	sfence.sel $0x180000  }
0xe9: {  	[bflag:$0x0] =	sbarrier.arrive $0xFFFF  }
0xea: {  	p0 =	sne.s32 s0, $0x0;
	_ =	strace $0x90000047  }
0xeb: {  	s0 =	sadd.s32 @!p0 $0x100000, s1;
	[bflag:$0x2] =	sbarrier.arrive $0xFFFF  }
0xec: {  	[sflag:s0] =	ssyncadd.tile.s32 @!p0 $0x1;
	_ =	shalt  }
.Lfunc_end2:
_tile_overlayer_lowered:
.L_overlay_start_2:
0xed: {  	(tag) =	ssettag $0x2  }
0xee: {  	s0 =	rddreg [dreg:$0x0];
	s2 =	stileid.u32  }
0xef: {  	s1 =	rddreg [dreg:$0x1];
	p0 =	sne.s32 s2, $0x0  }
0xf0: {  	s3 =	rddreg [dreg:$0x2];
	[bflag:$0x3] =	sbarrier.arrive $0xFFFF;
	s2 =	simm.s32 @!p0 $0x1C01  }
0xf1: {  	[timem:s3], [sflag:s2] =	dma.local @!p0 [hbm:s0], s1  }
0xf2: {  	s0 =	simm.s32 @!p0 $0x1  }
0xf3: {  	_ =	swait.ge @!p0 [sflag:s0], s1  }
0xf4: {  	s1 =	ssub.s32 @!p0 $0x0, s1;
	[sflag:s0] =	ssyncset.done @!p0 $0x0  }
0xf5: {  	[sflag:s0] =	ssyncadd.s32 @!p0 s1  }
0xf6: {  	[bflag:$0x3] =	sbarrier.arrive $0xFFFF  }
0xf7: {  	_ =	shalt  }

</sc_bundles>
